<compile_context>
chip_gen: v7x
topology: tpu7x:2x2x1
jax: 0.10.2.dev20260603
libtpu: 0.0.44.dev20260713+nightly
codegen_flags: <defaults>
</compile_context>

<pallas_src>
import functools

import jax
import jax.numpy as jnp
from jax import lax
from jax.experimental import pallas as pl
from jax.experimental.pallas import tpu as pltpu
from jax.experimental.pallas import tpu_sc as plsc

_NUM_GNN_LAYERS = 3
_EMB = 128
_HID = 256
_VOCAB = 64
_N = 10000
_E = 320000
_B = 16
_T = 50

_CH = 64
_EPT = 20480
_NCHUNK = _EPT // _CH
_SB = 16
_NSB = _NCHUNK // _SB
_EPC = _EPT * 16
_PAD = _EPC - _E
_AGG_ROWS = 10240
_ZROWS_PER_TILE = _AGG_ROWS // 16
_OROWS_PER_TILE = 624

_ROOTS = _B * _T
_ROOTS_PAD = 1792
_RPT = _ROOTS_PAD // 32


def _sc_mesh():
    return plsc.VectorSubcoreMesh(core_axis_name="c", subcore_axis_name="s")


def _segsum_body(x_hbm, src_hbm, dst_hbm, zero_hbm, out_hbm,
                 sidx, didx, rows0, rows1, rows2, rows3, aggsh,
                 sem0, sem1, sem2, sem3, ssem0, ssem1, ssem2, ssem3):
    c = lax.axis_index("c")
    s = lax.axis_index("s")
    rows = (rows0, rows1, rows2, rows3)
    sems = (sem0, sem1, sem2, sem3)
    ssems = (ssem0, ssem1, ssem2, ssem3)
    zb = pl.multiple_of(s * _ZROWS_PER_TILE, 16)
    pltpu.sync_copy(zero_hbm.at[pl.ds(zb, _ZROWS_PER_TILE)],
                    aggsh.at[pl.ds(zb, _ZROWS_PER_TILE)])
    plsc.subcore_barrier()

    def outer(k, carry):
        pltpu.sync_copy(src_hbm.at[c, s, k], sidx)
        pltpu.sync_copy(dst_hbm.at[c, s, k], didx)

        def inner(j, c2):
            i0 = 4 * j
            cps = [pltpu.async_copy(x_hbm.at[sidx.at[i0 + b]],
                                    rows[b], sems[b]) for b in range(4)]
            scs = []
            for b in range(4):
                cps[b].wait()
                scs.append(pltpu.async_copy(rows[b],
                                            aggsh.at[didx.at[i0 + b]],
                                            ssems[b], add=True))
            for sc in scs:
                sc.wait()
            return c2

        lax.fori_loop(0, _SB // 4, inner, 0)
        return carry

    lax.fori_loop(0, _NSB, outer, 0)
    plsc.subcore_barrier()
    ob = pl.multiple_of(s * _OROWS_PER_TILE, 16)
    pltpu.sync_copy(aggsh.at[pl.ds(ob, _OROWS_PER_TILE)],
                    out_hbm.at[pl.ds(c * _N + ob, _OROWS_PER_TILE)])

    tail = 16 * _OROWS_PER_TILE

    @pl.when(s == 0)
    def _():
        pltpu.sync_copy(aggsh.at[pl.ds(tail, _N - tail)],
                        out_hbm.at[pl.ds(c * _N + tail, _N - tail)])


def _segsum(x, src, dst, zeros_tbl):
    k = functools.partial(
        pl.kernel,
        mesh=_sc_mesh(),
        out_type=jax.ShapeDtypeStruct((2 * _N, _EMB), jnp.float32),
        scratch_types=[
            pltpu.VMEM((_SB, _CH), jnp.int32),
            pltpu.VMEM((_SB, _CH), jnp.int32),
            pltpu.VMEM((_CH, _EMB), jnp.float32),
            pltpu.VMEM((_CH, _EMB), jnp.float32),
            pltpu.VMEM((_CH, _EMB), jnp.float32),
            pltpu.VMEM((_CH, _EMB), jnp.float32),
            pltpu.VMEM_SHARED((_AGG_ROWS, _EMB), jnp.float32),
            pltpu.SemaphoreType.DMA,
            pltpu.SemaphoreType.DMA,
            pltpu.SemaphoreType.DMA,
            pltpu.SemaphoreType.DMA,
            pltpu.SemaphoreType.DMA,
            pltpu.SemaphoreType.DMA,
            pltpu.SemaphoreType.DMA,
            pltpu.SemaphoreType.DMA,
        ],
    )(_segsum_body)
    return k(x, src, dst, zeros_tbl)


def _rootgather_body(x_hbm, roots_hbm, out_hbm, idx, rows, sem):
    wid = lax.axis_index("s") * 2 + lax.axis_index("c")
    base = pl.multiple_of(wid * _RPT, 8)
    pltpu.sync_copy(roots_hbm.at[pl.ds(base, _RPT)], idx)
    pltpu.async_copy(x_hbm.at[idx], rows, sem).wait()
    pltpu.sync_copy(rows, out_hbm.at[pl.ds(base, _RPT)])


def _rootgather(x, roots):
    k = functools.partial(
        pl.kernel,
        mesh=_sc_mesh(),
        out_type=jax.ShapeDtypeStruct((_ROOTS_PAD, _EMB), jnp.float32),
        scratch_types=[
            pltpu.VMEM((_RPT,), jnp.int32),
            pltpu.VMEM((_RPT, _EMB), jnp.float32),
            pltpu.SemaphoreType.DMA,
        ],
    )(_rootgather_body)
    return k(x, roots)


_EBLK = 2000


def _embed_body(x_ref, emb_ref, o_ref):
    ids = x_ref[0]
    iota = lax.broadcasted_iota(jnp.int32, (_EBLK, _VOCAB), 1)
    oh = (ids == iota).astype(jnp.float32)
    o_ref[...] = jnp.dot(oh, emb_ref[...], preferred_element_type=jnp.float32)


def _embed(x_ids, emb_table):
    return pl.pallas_call(
        _embed_body,
        grid=(2 * _N // _EBLK,),
        in_specs=[
            pl.BlockSpec((1, _EBLK, 1), lambda i: (i, 0, 0)),
            pl.BlockSpec((_VOCAB, _EMB), lambda i: (0, 0)),
        ],
        out_specs=pl.BlockSpec((_EBLK, _EMB), lambda i: (i, 0)),
        out_shape=jax.ShapeDtypeStruct((2 * _N, _EMB), jnp.float32),
    )(x_ids, emb_table)


_DBLK = 2000


def _dense_body(x_ref, a_ref, ws_ref, wn_ref, b_ref, o_ref):
    acc = jnp.dot(x_ref[...], ws_ref[...], preferred_element_type=jnp.float32)
    acc = acc + jnp.dot(a_ref[...], wn_ref[...],
                        preferred_element_type=jnp.float32)
    o_ref[...] = jnp.maximum(acc + b_ref[...], 0.0)


def _dense(x, agg, ws, wn, b):
    return pl.pallas_call(
        _dense_body,
        grid=(2 * _N // _DBLK,),
        in_specs=[
            pl.BlockSpec((_DBLK, _EMB), lambda i: (i, 0)),
            pl.BlockSpec((_DBLK, _EMB), lambda i: (i, 0)),
            pl.BlockSpec((_EMB, _EMB), lambda i: (0, 0)),
            pl.BlockSpec((_EMB, _EMB), lambda i: (0, 0)),
            pl.BlockSpec((1, _EMB), lambda i: (0, 0)),
        ],
        out_specs=pl.BlockSpec((_DBLK, _EMB), lambda i: (i, 0)),
        out_shape=jax.ShapeDtypeStruct((2 * _N, _EMB), jnp.float32),
    )(x, agg, ws, wn, b)


def _gru_gates(gi, gh, h):
    r = jax.nn.sigmoid(gi[:, :_HID] + gh[:, :_HID])
    z = jax.nn.sigmoid(gi[:, _HID:2 * _HID] + gh[:, _HID:2 * _HID])
    n = jnp.tanh(gi[:, 2 * _HID:] + r * gh[:, 2 * _HID:])
    return (1.0 - z) * n + z * h


def _gru_body(x_ref, wih0_ref, bih0_ref, wbig_ref, bbig_ref, bhh0_ref,
              lens_ref, o_ref, gi_ref):
    gi_ref[...] = jnp.dot(x_ref[...], wih0_ref[...],
                          preferred_element_type=jnp.float32) + bih0_ref[...]
    lens = lens_ref[...]
    G = 3 * _HID

    def step(t, carry):
        h1, h2, gh1 = carry
        gi1 = gi_ref[pl.ds(t * _B, _B), :]
        h1n = _gru_gates(gi1, gh1, h1)
        mask = t < lens
        h1 = jnp.where(mask, h1n, h1)
        big = jnp.dot(jnp.concatenate([h1, h2], axis=1), wbig_ref[...],
                      preferred_element_type=jnp.float32) + bbig_ref[...]
        h2n = _gru_gates(big[:, G:2 * G], big[:, 2 * G:], h2)
        h2 = jnp.where(mask, h2n, h2)
        return (h1, h2, big[:, :G])

    z = jnp.zeros((_B, _HID), dtype=jnp.float32)
    gh1_0 = jnp.broadcast_to(bhh0_ref[...], (_B, G))
    _, h2, _ = lax.fori_loop(0, _T, step, (z, z, gh1_0))
    o_ref[...] = h2


def _gru(x_tm, wih0, bih0, wbig, bbig, bhh0, lens2):
    full = lambda s: pl.BlockSpec(s, lambda: tuple(0 for _ in s))
    return pl.pallas_call(
        _gru_body,
        in_specs=[
            full((_B * _T, 2 * _EMB)),
            full((2 * _EMB, 3 * _HID)),
            full((1, 3 * _HID)),
            full((2 * _HID, 9 * _HID)),
            full((1, 9 * _HID)),
            full((1, 3 * _HID)),
            full((_B, 1)),
        ],
        out_specs=full((_B, _HID)),
        out_shape=jax.ShapeDtypeStruct((_B, _HID), jnp.float32),
        scratch_shapes=[pltpu.VMEM((_B * _T, 3 * _HID), jnp.float32)],
    )(x_tm, wih0, bih0, wbig, bbig, bhh0, lens2)


def kernel(Xr, Xa, edgesr, edgesa, rootsr, rootsa, lens, emb_table,
           gnn_Wself, gnn_Wnbr, gnn_b, gru_W_ih, gru_W_hh, gru_b_ih,
           gru_b_hh):
    i32 = jnp.int32
    x_ids = jnp.concatenate([Xr, Xa]).astype(i32).reshape(-1, _EBLK, 1)
    x = _embed(x_ids, emb_table)

    pad0 = jnp.zeros((_PAD,), i32)
    padd = jnp.full((_PAD,), _N, i32)
    src = jnp.concatenate([edgesr[0].astype(i32), pad0,
                           edgesa[0].astype(i32) + _N, pad0]
                          ).reshape(2, 16, _NSB, _SB, _CH)
    dst = jnp.concatenate([edgesr[1].astype(i32), padd,
                           edgesa[1].astype(i32), padd]
                          ).reshape(2, 16, _NSB, _SB, _CH)
    zeros_tbl = jnp.zeros((_AGG_ROWS, _EMB), jnp.float32)

    for l in range(_NUM_GNN_LAYERS):
        agg = _segsum(x, src, dst, zeros_tbl)
        x = _dense(x, agg, gnn_Wself[l], gnn_Wnbr[l],
                   gnn_b[l].reshape(1, _EMB))

    roots = jnp.concatenate([rootsr.astype(i32), rootsa.astype(i32) + _N,
                             jnp.zeros((_ROOTS_PAD - 2 * _ROOTS,), i32)])
    R = _rootgather(x, roots)
    rr = R[:_ROOTS].reshape(_B, _T, _EMB)
    ra = R[_ROOTS:2 * _ROOTS].reshape(_B, _T, _EMB)
    xseq = jnp.concatenate([rr, ra], axis=-1)
    x_tm = xseq.transpose(1, 0, 2).reshape(_B * _T, 2 * _EMB)

    lens2 = lens.astype(i32).reshape(_B, 1)
    G = 3 * _HID
    wbig = jnp.concatenate([
        jnp.concatenate([gru_W_hh[0].T, gru_W_ih[1].T,
                         jnp.zeros((_HID, G), jnp.float32)], axis=1),
        jnp.concatenate([jnp.zeros((_HID, 2 * G), jnp.float32),
                         gru_W_hh[1].T], axis=1)], axis=0)
    bbig = jnp.concatenate([gru_b_hh[0], gru_b_ih[1],
                            gru_b_hh[1]]).reshape(1, 3 * G)
    h = _gru(x_tm,
             gru_W_ih[0].T, gru_b_ih[0].reshape(1, -1),
             wbig, bbig, gru_b_hh[0].reshape(1, -1),
             lens2)
    return h

# --- scband reference (transcript-rebuilt; emitter-appended) ---
"""Pipeline reference for scband-ltlnet-gnn-52871047414502 (READ-ONLY COPY).

The authoritative reference and input builder live on the scoring server;
editing this copy changes nothing except your own understanding.
"""

import jax, jax.numpy as jnp
import numpy as np

NUM_GNN_LAYERS = 3
NUM_RNN_LAYERS = 2
EMB_DIM = 128
HID = 2 * EMB_DIM
VOCAB = 64
N_NODES = 10000
N_EDGES = 320000
BATCH = 16
MAX_LEN = 50


def setup_inputs(seed: int = 0):
    key = jax.random.key(seed)
    ks = jax.random.split(key, 16)
    Xr = jax.random.randint(ks[0], (N_NODES,), 0, VOCAB)
    Xa = jax.random.randint(ks[1], (N_NODES,), 0, VOCAB)
    edgesr = jax.random.randint(ks[2], (2, N_EDGES), 0, N_NODES)
    edgesa = jax.random.randint(ks[3], (2, N_EDGES), 0, N_NODES)
    rootsr = jax.random.randint(ks[4], (BATCH * MAX_LEN,), 0, N_NODES)
    rootsa = jax.random.randint(ks[5], (BATCH * MAX_LEN,), 0, N_NODES)
    lens = jax.random.randint(ks[6], (BATCH,), 1, MAX_LEN + 1)
    lens = lens.at[0].set(MAX_LEN)
    emb_table = jax.random.normal(ks[7], (VOCAB, EMB_DIM), dtype=jnp.float32) * 0.05
    gnn_Wself = jax.random.normal(ks[8], (NUM_GNN_LAYERS, EMB_DIM, EMB_DIM), dtype=jnp.float32) * (1.0 / np.sqrt(EMB_DIM))
    gnn_Wnbr = jax.random.normal(ks[9], (NUM_GNN_LAYERS, EMB_DIM, EMB_DIM), dtype=jnp.float32) * (0.1 / np.sqrt(EMB_DIM))
    gnn_b = jnp.zeros((NUM_GNN_LAYERS, EMB_DIM), dtype=jnp.float32)
    gru_W_ih = jax.random.normal(ks[10], (NUM_RNN_LAYERS, 3 * HID, HID), dtype=jnp.float32) * (1.0 / np.sqrt(HID))
    gru_W_hh = jax.random.normal(ks[11], (NUM_RNN_LAYERS, 3 * HID, HID), dtype=jnp.float32) * (1.0 / np.sqrt(HID))
    gru_b_ih = jnp.zeros((NUM_RNN_LAYERS, 3 * HID), dtype=jnp.float32)
    gru_b_hh = jnp.zeros((NUM_RNN_LAYERS, 3 * HID), dtype=jnp.float32)
    return {"Xr": Xr, "Xa": Xa, "edgesr": edgesr, "edgesa": edgesa, "rootsr": rootsr, "rootsa": rootsa, "lens": lens, "emb_table": emb_table, "gnn_Wself": gnn_Wself, "gnn_Wnbr": gnn_Wnbr, "gnn_b": gnn_b, "gru_W_ih": gru_W_ih, "gru_W_hh": gru_W_hh, "gru_b_ih": gru_b_ih, "gru_b_hh": gru_b_hh}


def _gnn_forward(x, edges, Wself, Wnbr, b):
    src = edges[0]
    dst = edges[1]
    for l in range(NUM_GNN_LAYERS):
        msg = jnp.take(x, src, axis=0) @ Wnbr[l]
        agg = jax.ops.segment_sum(msg, dst, num_segments=N_NODES)
        x = jax.nn.relu(x @ Wself[l] + agg + b[l])
    return x


def _gru_layer(x_seq, W_ih, W_hh, b_ih, b_hh, lens):
    B = x_seq.shape[0]
    H = W_hh.shape[1]

    def step(h, inp):
        x_t, t = inp
        gi = x_t @ W_ih.T + b_ih
        gh = h @ W_hh.T + b_hh
        i_r, i_z, i_n = jnp.split(gi, 3, axis=-1)
        h_r, h_z, h_n = jnp.split(gh, 3, axis=-1)
        r = jax.nn.sigmoid(i_r + h_r)
        z = jax.nn.sigmoid(i_z + h_z)
        n = jnp.tanh(i_n + r * h_n)
        h_new = (1.0 - z) * n + z * h
        mask = (t < lens)[:, None]
        h_out = jnp.where(mask, h_new, h)
        return h_out, h_out

    h0 = jnp.zeros((B, H), dtype=x_seq.dtype)
    ts = jnp.arange(x_seq.shape[1])
    h_final, outs = jax.lax.scan(step, h0, (jnp.swapaxes(x_seq, 0, 1), ts))
    return h_final, jnp.swapaxes(outs, 0, 1)


def reference(Xr, Xa, edgesr, edgesa, rootsr, rootsa, lens, emb_table, gnn_Wself, gnn_Wnbr, gnn_b, gru_W_ih, gru_W_hh, gru_b_ih, gru_b_hh):
    er = jnp.take(emb_table, Xr, axis=0)
    ea = jnp.take(emb_table, Xa, axis=0)
    gr = _gnn_forward(er, edgesr, gnn_Wself, gnn_Wnbr, gnn_b)
    ga = _gnn_forward(ea, edgesa, gnn_Wself, gnn_Wnbr, gnn_b)
    rr = jnp.take(gr, rootsr, axis=0).reshape(BATCH, MAX_LEN, EMB_DIM)
    ra = jnp.take(ga, rootsa, axis=0).reshape(BATCH, MAX_LEN, EMB_DIM)
    x = jnp.concatenate([rr, ra], axis=-1)
    h_final = None
    for l in range(NUM_RNN_LAYERS):
        h_final, x = _gru_layer(x, gru_W_ih[l], gru_W_hh[l], gru_b_ih[l], gru_b_hh[l], lens)
    return h_final

if __name__ == "__main__":
    import jax
    _d = setup_inputs()
    print(jax.jit(kernel)(*tuple(_d.values())))

</pallas_src>

<mosaic_0001>
#map = affine_map<(d0, d1) -> (0, 0)>
#map1 = affine_map<(d0, d1) -> (0, 0, 0, 0, 0)>
module attributes {stable_mosaic.version = 14 : i64} {
  func.func @_segsum_body(%arg0: i32, %arg1: i32, %arg2: memref<20000x128xf32, #tpu.memory_space<hbm>>, %arg3: memref<2x16x20x16x64xi32, #tpu.memory_space<hbm>>, %arg4: memref<2x16x20x16x64xi32, #tpu.memory_space<hbm>>, %arg5: memref<10240x128xf32, #tpu.memory_space<hbm>>, %arg6: memref<20000x128xf32, #tpu.memory_space<hbm>>, %arg7: memref<16x64xi32, #tpu.memory_space<vmem>>, %arg8: memref<16x64xi32, #tpu.memory_space<vmem>>, %arg9: memref<64x128xf32, #tpu.memory_space<vmem>>, %arg10: memref<64x128xf32, #tpu.memory_space<vmem>>, %arg11: memref<64x128xf32, #tpu.memory_space<vmem>>, %arg12: memref<64x128xf32, #tpu.memory_space<vmem>>, %arg13: memref<10240x128xf32, #tpu.memory_space<vmem_shared>>, %arg14: memref<!tpu.dma_semaphore, #tpu.memory_space<semaphore_mem>>, %arg15: memref<!tpu.dma_semaphore, #tpu.memory_space<semaphore_mem>>, %arg16: memref<!tpu.dma_semaphore, #tpu.memory_space<semaphore_mem>>, %arg17: memref<!tpu.dma_semaphore, #tpu.memory_space<semaphore_mem>>, %arg18: memref<!tpu.dma_semaphore, #tpu.memory_space<semaphore_mem>>, %arg19: memref<!tpu.dma_semaphore, #tpu.memory_space<semaphore_mem>>, %arg20: memref<!tpu.dma_semaphore, #tpu.memory_space<semaphore_mem>>, %arg21: memref<!tpu.dma_semaphore, #tpu.memory_space<semaphore_mem>>) attributes {dimension_semantics = [#tpu.dimension_semantics<core_parallel>, #tpu.dimension_semantics<subcore_parallel>], iteration_bounds = array<i64: 2, 16>, scalar_prefetch = 0 : i64, scratch_operands = 15 : i64, tpu.core_type = #tpu.core_type<sc_vector_subcore>, window_params = [{transform_indices = #map}, {transform_indices = #map1}, {transform_indices = #map1}, {transform_indices = #map}, {transform_indices = #map}]} {
    %mul3A = arith.constant 640 : i32
    %mul3A_0 = arith.muli %arg1, %mul3A : i32
    %multiple_of3A = tpu.assume_multiple %mul3A_0, 16 : i32
    "tpu.region"() ({
      %run_scoped3A = tpu.sem_alloc : memref<!tpu.dma_semaphore, #tpu.memory_space<semaphore_mem>>
      %dma_start3A = arith.constant 0 : i32
      %dma_start3A_14 = tpu.memref_slice %arg13[%multiple_of3A, %dma_start3A] : memref<10240x128xf32, #tpu.memory_space<vmem_shared>> -> memref<640x128xf32, #tpu.memory_space<vmem_shared>>
      %dma_start3A_15 = arith.constant 0 : i32
      %dma_start3A_16 = tpu.memref_slice %arg5[%multiple_of3A, %dma_start3A_15] : memref<10240x128xf32, #tpu.memory_space<hbm>> -> memref<640x128xf32, #tpu.memory_space<hbm>>
      tpu.enqueue_dma source(%dma_start3A_16 : memref<640x128xf32, #tpu.memory_space<hbm>>) target(%dma_start3A_14 : memref<640x128xf32, #tpu.memory_space<vmem_shared>>) target_semaphore(%run_scoped3A : memref<!tpu.dma_semaphore, #tpu.memory_space<semaphore_mem>>)
      %dma_wait3A = arith.constant 0 : i32
      %dma_wait3A_17 = tpu.memref_slice %arg13[%multiple_of3A, %dma_wait3A] : memref<10240x128xf32, #tpu.memory_space<vmem_shared>> -> memref<640x128xf32, #tpu.memory_space<vmem_shared>>
      %dma_wait3A_18 = arith.constant 0 : i32
      %dma_wait3A_19 = tpu.memref_slice %arg5[%multiple_of3A, %dma_wait3A_18] : memref<10240x128xf32, #tpu.memory_space<hbm>> -> memref<640x128xf32, #tpu.memory_space<hbm>>
      tpu.wait_dma2 semaphore(%run_scoped3A : memref<!tpu.dma_semaphore, #tpu.memory_space<semaphore_mem>>) src(%dma_wait3A_19 : memref<640x128xf32, #tpu.memory_space<hbm>>) dst(%dma_wait3A_17 : memref<640x128xf32, #tpu.memory_space<vmem_shared>>)
      tpu.yield
    }) : () -> ()
    %barrier3A = arith.constant 0 : index
    tpu.barrier barrier_id(%barrier3A)
    %scan3A = arith.constant 0 : i32
    %scan3A_1 = arith.constant 0 : i32
    %scan3A_2 = arith.constant 20 : i32
    %scan3A_3 = arith.addi %scan3A_1, %scan3A_2 : i32
    %scan3A_4 = arith.constant 1 : i32
    scf.for %scan3A_14 = %scan3A_1 to %scan3A_3 step %scan3A_4  : i32 {
      "tpu.region"() ({
        %run_scoped3A = tpu.sem_alloc : memref<!tpu.dma_semaphore, #tpu.memory_space<semaphore_mem>>
        %dma_start3A = arith.constant 0 : i32
        %dma_start3A_21 = arith.constant 0 : i32
        %dma_start3A_22 = tpu.memref_slice %arg3[%arg0, %arg1, %scan3A_14, %dma_start3A, %dma_start3A_21] : memref<2x16x20x16x64xi32, #tpu.memory_space<hbm>> -> memref<1x1x1x16x64xi32, #tpu.memory_space<hbm>>
        %dma_start3A_23 = tpu.memref_squeeze %dma_start3A_22 : memref<1x1x1x16x64xi32, #tpu.memory_space<hbm>> -> memref<16x64xi32, #tpu.memory_space<hbm>>
        %dma_start3A_24 = arith.constant 0 : i32
        %dma_start3A_25 = arith.constant 0 : i32
        %dma_start3A_26 = tpu.memref_slice %arg3[%arg0, %arg1, %scan3A_14, %dma_start3A_24, %dma_start3A_25] : memref<2x16x20x16x64xi32, #tpu.memory_space<hbm>> -> memref<1x1x1x16x64xi32, #tpu.memory_space<hbm>>
        %dma_start3A_27 = tpu.memref_squeeze %dma_start3A_26 : memref<1x1x1x16x64xi32, #tpu.memory_space<hbm>> -> memref<16x64xi32, #tpu.memory_space<hbm>>
        tpu.enqueue_dma source(%dma_start3A_27 : memref<16x64xi32, #tpu.memory_space<hbm>>) target(%arg7 : memref<16x64xi32, #tpu.memory_space<vmem>>) target_semaphore(%run_scoped3A : memref<!tpu.dma_semaphore, #tpu.memory_space<semaphore_mem>>)
        %dma_wait3A = arith.constant 0 : i32
        %dma_wait3A_28 = arith.constant 0 : i32
        %dma_wait3A_29 = tpu.memref_slice %arg3[%arg0, %arg1, %scan3A_14, %dma_wait3A, %dma_wait3A_28] : memref<2x16x20x16x64xi32, #tpu.memory_space<hbm>> -> memref<1x1x1x16x64xi32, #tpu.memory_space<hbm>>
        %dma_wait3A_30 = tpu.memref_squeeze %dma_wait3A_29 : memref<1x1x1x16x64xi32, #tpu.memory_space<hbm>> -> memref<16x64xi32, #tpu.memory_space<hbm>>
        %dma_wait3A_31 = arith.constant 0 : i32
        %dma_wait3A_32 = arith.constant 0 : i32
        %dma_wait3A_33 = tpu.memref_slice %arg3[%arg0, %arg1, %scan3A_14, %dma_wait3A_31, %dma_wait3A_32] : memref<2x16x20x16x64xi32, #tpu.memory_space<hbm>> -> memref<1x1x1x16x64xi32, #tpu.memory_space<hbm>>
        %dma_wait3A_34 = tpu.memref_squeeze %dma_wait3A_33 : memref<1x1x1x16x64xi32, #tpu.memory_space<hbm>> -> memref<16x64xi32, #tpu.memory_space<hbm>>
        tpu.wait_dma2 semaphore(%run_scoped3A : memref<!tpu.dma_semaphore, #tpu.memory_space<semaphore_mem>>) src(%dma_wait3A_34 : memref<16x64xi32, #tpu.memory_space<hbm>>) dst(%arg7 : memref<16x64xi32, #tpu.memory_space<vmem>>)
        tpu.yield
      }) : () -> ()
      "tpu.region"() ({
        %run_scoped3A = tpu.sem_alloc : memref<!tpu.dma_semaphore, #tpu.memory_space<semaphore_mem>>
        %dma_start3A = arith.constant 0 : i32
        %dma_start3A_21 = arith.constant 0 : i32
        %dma_start3A_22 = tpu.memref_slice %arg4[%arg0, %arg1, %scan3A_14, %dma_start3A, %dma_start3A_21] : memref<2x16x20x16x64xi32, #tpu.memory_space<hbm>> -> memref<1x1x1x16x64xi32, #tpu.memory_space<hbm>>
        %dma_start3A_23 = tpu.memref_squeeze %dma_start3A_22 : memref<1x1x1x16x64xi32, #tpu.memory_space<hbm>> -> memref<16x64xi32, #tpu.memory_space<hbm>>
        %dma_start3A_24 = arith.constant 0 : i32
        %dma_start3A_25 = arith.constant 0 : i32
        %dma_start3A_26 = tpu.memref_slice %arg4[%arg0, %arg1, %scan3A_14, %dma_start3A_24, %dma_start3A_25] : memref<2x16x20x16x64xi32, #tpu.memory_space<hbm>> -> memref<1x1x1x16x64xi32, #tpu.memory_space<hbm>>
        %dma_start3A_27 = tpu.memref_squeeze %dma_start3A_26 : memref<1x1x1x16x64xi32, #tpu.memory_space<hbm>> -> memref<16x64xi32, #tpu.memory_space<hbm>>
        tpu.enqueue_dma source(%dma_start3A_27 : memref<16x64xi32, #tpu.memory_space<hbm>>) target(%arg8 : memref<16x64xi32, #tpu.memory_space<vmem>>) target_semaphore(%run_scoped3A : memref<!tpu.dma_semaphore, #tpu.memory_space<semaphore_mem>>)
        %dma_wait3A = arith.constant 0 : i32
        %dma_wait3A_28 = arith.constant 0 : i32
        %dma_wait3A_29 = tpu.memref_slice %arg4[%arg0, %arg1, %scan3A_14, %dma_wait3A, %dma_wait3A_28] : memref<2x16x20x16x64xi32, #tpu.memory_space<hbm>> -> memref<1x1x1x16x64xi32, #tpu.memory_space<hbm>>
        %dma_wait3A_30 = tpu.memref_squeeze %dma_wait3A_29 : memref<1x1x1x16x64xi32, #tpu.memory_space<hbm>> -> memref<16x64xi32, #tpu.memory_space<hbm>>
        %dma_wait3A_31 = arith.constant 0 : i32
        %dma_wait3A_32 = arith.constant 0 : i32
        %dma_wait3A_33 = tpu.memref_slice %arg4[%arg0, %arg1, %scan3A_14, %dma_wait3A_31, %dma_wait3A_32] : memref<2x16x20x16x64xi32, #tpu.memory_space<hbm>> -> memref<1x1x1x16x64xi32, #tpu.memory_space<hbm>>
        %dma_wait3A_34 = tpu.memref_squeeze %dma_wait3A_33 : memref<1x1x1x16x64xi32, #tpu.memory_space<hbm>> -> memref<16x64xi32, #tpu.memory_space<hbm>>
        tpu.wait_dma2 semaphore(%run_scoped3A : memref<!tpu.dma_semaphore, #tpu.memory_space<semaphore_mem>>) src(%dma_wait3A_34 : memref<16x64xi32, #tpu.memory_space<hbm>>) dst(%arg8 : memref<16x64xi32, #tpu.memory_space<vmem>>)
        tpu.yield
      }) : () -> ()
      %scan3A_15 = arith.constant 0 : i32
      %scan3A_16 = arith.constant 0 : i32
      %scan3A_17 = arith.constant 4 : i32
      %scan3A_18 = arith.addi %scan3A_16, %scan3A_17 : i32
      %scan3A_19 = arith.constant 1 : i32
      scf.for %scan3A_21 = %scan3A_16 to %scan3A_18 step %scan3A_19  : i32 {
        %mul3A_22 = arith.constant 4 : i32
        %mul3A_23 = arith.muli %mul3A_22, %scan3A_21 : i32
        %add3A_24 = arith.constant 0 : i32
        %add3A_25 = arith.addi %mul3A_23, %add3A_24 : i32
        %dma_start3A = arith.constant 0 : i32
        %dma_start3A_26 = tpu.memref_slice %arg7[%add3A_25, %dma_start3A] : memref<16x64xi32, #tpu.memory_space<vmem>> -> memref<1x64xi32, #tpu.memory_space<vmem>>
        %dma_start3A_27 = tpu.memref_squeeze %dma_start3A_26 : memref<1x64xi32, #tpu.memory_space<vmem>> -> memref<64xi32, #tpu.memory_space<vmem>>
        %dma_start3A_28 = arith.constant 0 : i32
        %dma_start3A_29 = arith.constant 0 : i32
        %dma_start3A_30 = tpu.memref_slice %arg2[%dma_start3A_28, %dma_start3A_29] : memref<20000x128xf32, #tpu.memory_space<hbm>> -> memref<20000x128xf32, #tpu.memory_space<hbm>>
        tpu.enqueue_indirect_dma source(%dma_start3A_30 : memref<20000x128xf32, #tpu.memory_space<hbm>>) target(%arg9 : memref<64x128xf32, #tpu.memory_space<vmem>>) offsets(%dma_start3A_27 : memref<64xi32, #tpu.memory_space<vmem>>) semaphore(%arg14 : memref<!tpu.dma_semaphore, #tpu.memory_space<semaphore_mem>>)
        %add3A_31 = arith.constant 1 : i32
        %add3A_32 = arith.addi %mul3A_23, %add3A_31 : i32
        %dma_start3A_33 = arith.constant 0 : i32
        %dma_start3A_34 = tpu.memref_slice %arg7[%add3A_32, %dma_start3A_33] : memref<16x64xi32, #tpu.memory_space<vmem>> -> memref<1x64xi32, #tpu.memory_space<vmem>>
        %dma_start3A_35 = tpu.memref_squeeze %dma_start3A_34 : memref<1x64xi32, #tpu.memory_space<vmem>> -> memref<64xi32, #tpu.memory_space<vmem>>
        %dma_start3A_36 = arith.constant 0 : i32
        %dma_start3A_37 = arith.constant 0 : i32
        %dma_start3A_38 = tpu.memref_slice %arg2[%dma_start3A_36, %dma_start3A_37] : memref<20000x128xf32, #tpu.memory_space<hbm>> -> memref<20000x128xf32, #tpu.memory_space<hbm>>
        tpu.enqueue_indirect_dma source(%dma_start3A_38 : memref<20000x128xf32, #tpu.memory_space<hbm>>) target(%arg10 : memref<64x128xf32, #tpu.memory_space<vmem>>) offsets(%dma_start3A_35 : memref<64xi32, #tpu.memory_space<vmem>>) semaphore(%arg15 : memref<!tpu.dma_semaphore, #tpu.memory_space<semaphore_mem>>)
        %add3A_39 = arith.constant 2 : i32
        %add3A_40 = arith.addi %mul3A_23, %add3A_39 : i32
        %dma_start3A_41 = arith.constant 0 : i32
        %dma_start3A_42 = tpu.memref_slice %arg7[%add3A_40, %dma_start3A_41] : memref<16x64xi32, #tpu.memory_space<vmem>> -> memref<1x64xi32, #tpu.memory_space<vmem>>
        %dma_start3A_43 = tpu.memref_squeeze %dma_start3A_42 : memref<1x64xi32, #tpu.memory_space<vmem>> -> memref<64xi32, #tpu.memory_space<vmem>>
        %dma_start3A_44 = arith.constant 0 : i32
        %dma_start3A_45 = arith.constant 0 : i32
        %dma_start3A_46 = tpu.memref_slice %arg2[%dma_start3A_44, %dma_start3A_45] : memref<20000x128xf32, #tpu.memory_space<hbm>> -> memref<20000x128xf32, #tpu.memory_space<hbm>>
        tpu.enqueue_indirect_dma source(%dma_start3A_46 : memref<20000x128xf32, #tpu.memory_space<hbm>>) target(%arg11 : memref<64x128xf32, #tpu.memory_space<vmem>>) offsets(%dma_start3A_43 : memref<64xi32, #tpu.memory_space<vmem>>) semaphore(%arg16 : memref<!tpu.dma_semaphore, #tpu.memory_space<semaphore_mem>>)
        %add3A_47 = arith.constant 3 : i32
        %add3A_48 = arith.addi %mul3A_23, %add3A_47 : i32
        %dma_start3A_49 = arith.constant 0 : i32
        %dma_start3A_50 = tpu.memref_slice %arg7[%add3A_48, %dma_start3A_49] : memref<16x64xi32, #tpu.memory_space<vmem>> -> memref<1x64xi32, #tpu.memory_space<vmem>>
        %dma_start3A_51 = tpu.memref_squeeze %dma_start3A_50 : memref<1x64xi32, #tpu.memory_space<vmem>> -> memref<64xi32, #tpu.memory_space<vmem>>
        %dma_start3A_52 = arith.constant 0 : i32
        %dma_start3A_53 = arith.constant 0 : i32
        %dma_start3A_54 = tpu.memref_slice %arg2[%dma_start3A_52, %dma_start3A_53] : memref<20000x128xf32, #tpu.memory_space<hbm>> -> memref<20000x128xf32, #tpu.memory_space<hbm>>
        tpu.enqueue_indirect_dma source(%dma_start3A_54 : memref<20000x128xf32, #tpu.memory_space<hbm>>) target(%arg12 : memref<64x128xf32, #tpu.memory_space<vmem>>) offsets(%dma_start3A_51 : memref<64xi32, #tpu.memory_space<vmem>>) semaphore(%arg17 : memref<!tpu.dma_semaphore, #tpu.memory_space<semaphore_mem>>)
        %dma_wait3A = arith.constant 0 : i32
        %dma_wait3A_55 = tpu.memref_slice %arg7[%add3A_25, %dma_wait3A] : memref<16x64xi32, #tpu.memory_space<vmem>> -> memref<1x64xi32, #tpu.memory_space<vmem>>
        %dma_wait3A_56 = tpu.memref_squeeze %dma_wait3A_55 : memref<1x64xi32, #tpu.memory_space<vmem>> -> memref<64xi32, #tpu.memory_space<vmem>>
        %dma_wait3A_57 = arith.constant 0 : i32
        %dma_wait3A_58 = arith.constant 0 : i32
        %dma_wait3A_59 = tpu.memref_slice %arg2[%dma_wait3A_57, %dma_wait3A_58] : memref<20000x128xf32, #tpu.memory_space<hbm>> -> memref<20000x128xf32, #tpu.memory_space<hbm>>
        tpu.wait_indirect_dma semaphore(%arg14 : memref<!tpu.dma_semaphore, #tpu.memory_space<semaphore_mem>>) src(%dma_wait3A_59 : memref<20000x128xf32, #tpu.memory_space<hbm>>) dst(%arg9 : memref<64x128xf32, #tpu.memory_space<vmem>>)
        %add3A_60 = arith.constant 0 : i32
        %add3A_61 = arith.addi %mul3A_23, %add3A_60 : i32
        %dma_start3A_62 = arith.constant 0 : i32
        %dma_start3A_63 = tpu.memref_slice %arg8[%add3A_61, %dma_start3A_62] : memref<16x64xi32, #tpu.memory_space<vmem>> -> memref<1x64xi32, #tpu.memory_space<vmem>>
        %dma_start3A_64 = tpu.memref_squeeze %dma_start3A_63 : memref<1x64xi32, #tpu.memory_space<vmem>> -> memref<64xi32, #tpu.memory_space<vmem>>
        %dma_start3A_65 = arith.constant 0 : i32
        %dma_start3A_66 = arith.constant 0 : i32
        %dma_start3A_67 = tpu.memref_slice %arg13[%dma_start3A_65, %dma_start3A_66] : memref<10240x128xf32, #tpu.memory_space<vmem_shared>> -> memref<10240x128xf32, #tpu.memory_space<vmem_shared>>
        tpu.enqueue_indirect_dma source(%arg9 : memref<64x128xf32, #tpu.memory_space<vmem>>) target(%dma_start3A_67 : memref<10240x128xf32, #tpu.memory_space<vmem_shared>>) offsets(%dma_start3A_64 : memref<64xi32, #tpu.memory_space<vmem>>) semaphore(%arg18 : memref<!tpu.dma_semaphore, #tpu.memory_space<semaphore_mem>>) {add = true}
        %dma_wait3A_68 = arith.constant 0 : i32
        %dma_wait3A_69 = tpu.memref_slice %arg7[%add3A_32, %dma_wait3A_68] : memref<16x64xi32, #tpu.memory_space<vmem>> -> memref<1x64xi32, #tpu.memory_space<vmem>>
        %dma_wait3A_70 = tpu.memref_squeeze %dma_wait3A_69 : memref<1x64xi32, #tpu.memory_space<vmem>> -> memref<64xi32, #tpu.memory_space<vmem>>
        %dma_wait3A_71 = arith.constant 0 : i32
        %dma_wait3A_72 = arith.constant 0 : i32
        %dma_wait3A_73 = tpu.memref_slice %arg2[%dma_wait3A_71, %dma_wait3A_72] : memref<20000x128xf32, #tpu.memory_space<hbm>> -> memref<20000x128xf32, #tpu.memory_space<hbm>>
        tpu.wait_indirect_dma semaphore(%arg15 : memref<!tpu.dma_semaphore, #tpu.memory_space<semaphore_mem>>) src(%dma_wait3A_73 : memref<20000x128xf32, #tpu.memory_space<hbm>>) dst(%arg10 : memref<64x128xf32, #tpu.memory_space<vmem>>)
        %add3A_74 = arith.constant 1 : i32
        %add3A_75 = arith.addi %mul3A_23, %add3A_74 : i32
        %dma_start3A_76 = arith.constant 0 : i32
        %dma_start3A_77 = tpu.memref_slice %arg8[%add3A_75, %dma_start3A_76] : memref<16x64xi32, #tpu.memory_space<vmem>> -> memref<1x64xi32, #tpu.memory_space<vmem>>
        %dma_start3A_78 = tpu.memref_squeeze %dma_start3A_77 : memref<1x64xi32, #tpu.memory_space<vmem>> -> memref<64xi32, #tpu.memory_space<vmem>>
        %dma_start3A_79 = arith.constant 0 : i32
        %dma_start3A_80 = arith.constant 0 : i32
        %dma_start3A_81 = tpu.memref_slice %arg13[%dma_start3A_79, %dma_start3A_80] : memref<10240x128xf32, #tpu.memory_space<vmem_shared>> -> memref<10240x128xf32, #tpu.memory_space<vmem_shared>>
        tpu.enqueue_indirect_dma source(%arg10 : memref<64x128xf32, #tpu.memory_space<vmem>>) target(%dma_start3A_81 : memref<10240x128xf32, #tpu.memory_space<vmem_shared>>) offsets(%dma_start3A_78 : memref<64xi32, #tpu.memory_space<vmem>>) semaphore(%arg19 : memref<!tpu.dma_semaphore, #tpu.memory_space<semaphore_mem>>) {add = true}
        %dma_wait3A_82 = arith.constant 0 : i32
        %dma_wait3A_83 = tpu.memref_slice %arg7[%add3A_40, %dma_wait3A_82] : memref<16x64xi32, #tpu.memory_space<vmem>> -> memref<1x64xi32, #tpu.memory_space<vmem>>
        %dma_wait3A_84 = tpu.memref_squeeze %dma_wait3A_83 : memref<1x64xi32, #tpu.memory_space<vmem>> -> memref<64xi32, #tpu.memory_space<vmem>>
        %dma_wait3A_85 = arith.constant 0 : i32
        %dma_wait3A_86 = arith.constant 0 : i32
        %dma_wait3A_87 = tpu.memref_slice %arg2[%dma_wait3A_85, %dma_wait3A_86] : memref<20000x128xf32, #tpu.memory_space<hbm>> -> memref<20000x128xf32, #tpu.memory_space<hbm>>
        tpu.wait_indirect_dma semaphore(%arg16 : memref<!tpu.dma_semaphore, #tpu.memory_space<semaphore_mem>>) src(%dma_wait3A_87 : memref<20000x128xf32, #tpu.memory_space<hbm>>) dst(%arg11 : memref<64x128xf32, #tpu.memory_space<vmem>>)
        %add3A_88 = arith.constant 2 : i32
        %add3A_89 = arith.addi %mul3A_23, %add3A_88 : i32
        %dma_start3A_90 = arith.constant 0 : i32
        %dma_start3A_91 = tpu.memref_slice %arg8[%add3A_89, %dma_start3A_90] : memref<16x64xi32, #tpu.memory_space<vmem>> -> memref<1x64xi32, #tpu.memory_space<vmem>>
        %dma_start3A_92 = tpu.memref_squeeze %dma_start3A_91 : memref<1x64xi32, #tpu.memory_space<vmem>> -> memref<64xi32, #tpu.memory_space<vmem>>
        %dma_start3A_93 = arith.constant 0 : i32
        %dma_start3A_94 = arith.constant 0 : i32
        %dma_start3A_95 = tpu.memref_slice %arg13[%dma_start3A_93, %dma_start3A_94] : memref<10240x128xf32, #tpu.memory_space<vmem_shared>> -> memref<10240x128xf32, #tpu.memory_space<vmem_shared>>
        tpu.enqueue_indirect_dma source(%arg11 : memref<64x128xf32, #tpu.memory_space<vmem>>) target(%dma_start3A_95 : memref<10240x128xf32, #tpu.memory_space<vmem_shared>>) offsets(%dma_start3A_92 : memref<64xi32, #tpu.memory_space<vmem>>) semaphore(%arg20 : memref<!tpu.dma_semaphore, #tpu.memory_space<semaphore_mem>>) {add = true}
        %dma_wait3A_96 = arith.constant 0 : i32
        %dma_wait3A_97 = tpu.memref_slice %arg7[%add3A_48, %dma_wait3A_96] : memref<16x64xi32, #tpu.memory_space<vmem>> -> memref<1x64xi32, #tpu.memory_space<vmem>>
        %dma_wait3A_98 = tpu.memref_squeeze %dma_wait3A_97 : memref<1x64xi32, #tpu.memory_space<vmem>> -> memref<64xi32, #tpu.memory_space<vmem>>
        %dma_wait3A_99 = arith.constant 0 : i32
        %dma_wait3A_100 = arith.constant 0 : i32
        %dma_wait3A_101 = tpu.memref_slice %arg2[%dma_wait3A_99, %dma_wait3A_100] : memref<20000x128xf32, #tpu.memory_space<hbm>> -> memref<20000x128xf32, #tpu.memory_space<hbm>>
        tpu.wait_indirect_dma semaphore(%arg17 : memref<!tpu.dma_semaphore, #tpu.memory_space<semaphore_mem>>) src(%dma_wait3A_101 : memref<20000x128xf32, #tpu.memory_space<hbm>>) dst(%arg12 : memref<64x128xf32, #tpu.memory_space<vmem>>)
        %add3A_102 = arith.constant 3 : i32
        %add3A_103 = arith.addi %mul3A_23, %add3A_102 : i32
        %dma_start3A_104 = arith.constant 0 : i32
        %dma_start3A_105 = tpu.memref_slice %arg8[%add3A_103, %dma_start3A_104] : memref<16x64xi32, #tpu.memory_space<vmem>> -> memref<1x64xi32, #tpu.memory_space<vmem>>
        %dma_start3A_106 = tpu.memref_squeeze %dma_start3A_105 : memref<1x64xi32, #tpu.memory_space<vmem>> -> memref<64xi32, #tpu.memory_space<vmem>>
        %dma_start3A_107 = arith.constant 0 : i32
        %dma_start3A_108 = arith.constant 0 : i32
        %dma_start3A_109 = tpu.memref_slice %arg13[%dma_start3A_107, %dma_start3A_108] : memref<10240x128xf32, #tpu.memory_space<vmem_shared>> -> memref<10240x128xf32, #tpu.memory_space<vmem_shared>>
        tpu.enqueue_indirect_dma source(%arg12 : memref<64x128xf32, #tpu.memory_space<vmem>>) target(%dma_start3A_109 : memref<10240x128xf32, #tpu.memory_space<vmem_shared>>) offsets(%dma_start3A_106 : memref<64xi32, #tpu.memory_space<vmem>>) semaphore(%arg21 : memref<!tpu.dma_semaphore, #tpu.memory_space<semaphore_mem>>) {add = true}
        %dma_wait3A_110 = arith.constant 0 : i32
        %dma_wait3A_111 = tpu.memref_slice %arg8[%add3A_61, %dma_wait3A_110] : memref<16x64xi32, #tpu.memory_space<vmem>> -> memref<1x64xi32, #tpu.memory_space<vmem>>
        %dma_wait3A_112 = tpu.memref_squeeze %dma_wait3A_111 : memref<1x64xi32, #tpu.memory_space<vmem>> -> memref<64xi32, #tpu.memory_space<vmem>>
        %dma_wait3A_113 = arith.constant 0 : i32
        %dma_wait3A_114 = arith.constant 0 : i32
        %dma_wait3A_115 = tpu.memref_slice %arg13[%dma_wait3A_113, %dma_wait3A_114] : memref<10240x128xf32, #tpu.memory_space<vmem_shared>> -> memref<10240x128xf32, #tpu.memory_space<vmem_shared>>
        tpu.wait_indirect_dma semaphore(%arg18 : memref<!tpu.dma_semaphore, #tpu.memory_space<semaphore_mem>>) src(%arg9 : memref<64x128xf32, #tpu.memory_space<vmem>>) dst(%dma_wait3A_115 : memref<10240x128xf32, #tpu.memory_space<vmem_shared>>)
        %dma_wait3A_116 = arith.constant 0 : i32
        %dma_wait3A_117 = tpu.memref_slice %arg8[%add3A_75, %dma_wait3A_116] : memref<16x64xi32, #tpu.memory_space<vmem>> -> memref<1x64xi32, #tpu.memory_space<vmem>>
        %dma_wait3A_118 = tpu.memref_squeeze %dma_wait3A_117 : memref<1x64xi32, #tpu.memory_space<vmem>> -> memref<64xi32, #tpu.memory_space<vmem>>
        %dma_wait3A_119 = arith.constant 0 : i32
        %dma_wait3A_120 = arith.constant 0 : i32
        %dma_wait3A_121 = tpu.memref_slice %arg13[%dma_wait3A_119, %dma_wait3A_120] : memref<10240x128xf32, #tpu.memory_space<vmem_shared>> -> memref<10240x128xf32, #tpu.memory_space<vmem_shared>>
        tpu.wait_indirect_dma semaphore(%arg19 : memref<!tpu.dma_semaphore, #tpu.memory_space<semaphore_mem>>) src(%arg10 : memref<64x128xf32, #tpu.memory_space<vmem>>) dst(%dma_wait3A_121 : memref<10240x128xf32, #tpu.memory_space<vmem_shared>>)
        %dma_wait3A_122 = arith.constant 0 : i32
        %dma_wait3A_123 = tpu.memref_slice %arg8[%add3A_89, %dma_wait3A_122] : memref<16x64xi32, #tpu.memory_space<vmem>> -> memref<1x64xi32, #tpu.memory_space<vmem>>
        %dma_wait3A_124 = tpu.memref_squeeze %dma_wait3A_123 : memref<1x64xi32, #tpu.memory_space<vmem>> -> memref<64xi32, #tpu.memory_space<vmem>>
        %dma_wait3A_125 = arith.constant 0 : i32
        %dma_wait3A_126 = arith.constant 0 : i32
        %dma_wait3A_127 = tpu.memref_slice %arg13[%dma_wait3A_125, %dma_wait3A_126] : memref<10240x128xf32, #tpu.memory_space<vmem_shared>> -> memref<10240x128xf32, #tpu.memory_space<vmem_shared>>
        tpu.wait_indirect_dma semaphore(%arg20 : memref<!tpu.dma_semaphore, #tpu.memory_space<semaphore_mem>>) src(%arg11 : memref<64x128xf32, #tpu.memory_space<vmem>>) dst(%dma_wait3A_127 : memref<10240x128xf32, #tpu.memory_space<vmem_shared>>)
        %dma_wait3A_128 = arith.constant 0 : i32
        %dma_wait3A_129 = tpu.memref_slice %arg8[%add3A_103, %dma_wait3A_128] : memref<16x64xi32, #tpu.memory_space<vmem>> -> memref<1x64xi32, #tpu.memory_space<vmem>>
        %dma_wait3A_130 = tpu.memref_squeeze %dma_wait3A_129 : memref<1x64xi32, #tpu.memory_space<vmem>> -> memref<64xi32, #tpu.memory_space<vmem>>
        %dma_wait3A_131 = arith.constant 0 : i32
        %dma_wait3A_132 = arith.constant 0 : i32
        %dma_wait3A_133 = tpu.memref_slice %arg13[%dma_wait3A_131, %dma_wait3A_132] : memref<10240x128xf32, #tpu.memory_space<vmem_shared>> -> memref<10240x128xf32, #tpu.memory_space<vmem_shared>>
        tpu.wait_indirect_dma semaphore(%arg21 : memref<!tpu.dma_semaphore, #tpu.memory_space<semaphore_mem>>) src(%arg12 : memref<64x128xf32, #tpu.memory_space<vmem>>) dst(%dma_wait3A_133 : memref<10240x128xf32, #tpu.memory_space<vmem_shared>>)
      }
      %scan3A_20 = arith.constant 4 : i32
    }
    %scan3A_5 = arith.constant 20 : i32
    %barrier3A_6 = arith.constant 0 : index
    tpu.barrier barrier_id(%barrier3A_6)
    %mul3A_7 = arith.constant 624 : i32
    %mul3A_8 = arith.muli %arg1, %mul3A_7 : i32
    %multiple_of3A_9 = tpu.assume_multiple %mul3A_8, 16 : i32
    %mul3A_10 = arith.constant 10000 : i32
    %mul3A_11 = arith.muli %arg0, %mul3A_10 : i32
    %add3A = arith.addi %mul3A_11, %multiple_of3A_9 : i32
    "tpu.region"() ({
      %run_scoped3A = tpu.sem_alloc : memref<!tpu.dma_semaphore, #tpu.memory_space<semaphore_mem>>
      %dma_start3A = arith.constant 0 : i32
      %dma_start3A_14 = tpu.memref_slice %arg6[%add3A, %dma_start3A] : memref<20000x128xf32, #tpu.memory_space<hbm>> -> memref<624x128xf32, #tpu.memory_space<hbm>>
      %dma_start3A_15 = arith.constant 0 : i32
      %dma_start3A_16 = tpu.memref_slice %arg13[%multiple_of3A_9, %dma_start3A_15] : memref<10240x128xf32, #tpu.memory_space<vmem_shared>> -> memref<624x128xf32, #tpu.memory_space<vmem_shared>>
      tpu.enqueue_dma source(%dma_start3A_16 : memref<624x128xf32, #tpu.memory_space<vmem_shared>>) target(%dma_start3A_14 : memref<624x128xf32, #tpu.memory_space<hbm>>) target_semaphore(%run_scoped3A : memref<!tpu.dma_semaphore, #tpu.memory_space<semaphore_mem>>)
      %dma_wait3A = arith.constant 0 : i32
      %dma_wait3A_17 = tpu.memref_slice %arg6[%add3A, %dma_wait3A] : memref<20000x128xf32, #tpu.memory_space<hbm>> -> memref<624x128xf32, #tpu.memory_space<hbm>>
      %dma_wait3A_18 = arith.constant 0 : i32
      %dma_wait3A_19 = tpu.memref_slice %arg13[%multiple_of3A_9, %dma_wait3A_18] : memref<10240x128xf32, #tpu.memory_space<vmem_shared>> -> memref<624x128xf32, #tpu.memory_space<vmem_shared>>
      tpu.wait_dma2 semaphore(%run_scoped3A : memref<!tpu.dma_semaphore, #tpu.memory_space<semaphore_mem>>) src(%dma_wait3A_19 : memref<624x128xf32, #tpu.memory_space<vmem_shared>>) dst(%dma_wait3A_17 : memref<624x128xf32, #tpu.memory_space<hbm>>)
      tpu.yield
    }) : () -> ()
    %eq3A = arith.constant 0 : i32
    %eq3A_12 = arith.cmpi eq, %arg1, %eq3A : i32
    %convert_element_type3A = arith.extui %eq3A_12 : i1 to i32
    %cond3A = arith.constant 0 : i32
    %cond3A_13 = arith.cmpi ne, %convert_element_type3A, %cond3A : i32
    scf.if %cond3A_13 {
      %mul3A_14 = arith.constant 10000 : i32
      %mul3A_15 = arith.muli %arg0, %mul3A_14 : i32
      %add3A_16 = arith.constant 9984 : i32
      %add3A_17 = arith.addi %mul3A_15, %add3A_16 : i32
      "tpu.region"() ({
        %run_scoped3A = tpu.sem_alloc : memref<!tpu.dma_semaphore, #tpu.memory_space<semaphore_mem>>
        %dma_start3A = arith.constant 0 : i32
        %dma_start3A_18 = tpu.memref_slice %arg6[%add3A_17, %dma_start3A] : memref<20000x128xf32, #tpu.memory_space<hbm>> -> memref<16x128xf32, #tpu.memory_space<hbm>>
        %dma_start3A_19 = arith.constant 9984 : i32
        %dma_start3A_20 = arith.constant 0 : i32
        %dma_start3A_21 = tpu.memref_slice %arg13[%dma_start3A_19, %dma_start3A_20] : memref<10240x128xf32, #tpu.memory_space<vmem_shared>> -> memref<16x128xf32, #tpu.memory_space<vmem_shared>>
        tpu.enqueue_dma source(%dma_start3A_21 : memref<16x128xf32, #tpu.memory_space<vmem_shared>>) target(%dma_start3A_18 : memref<16x128xf32, #tpu.memory_space<hbm>>) target_semaphore(%run_scoped3A : memref<!tpu.dma_semaphore, #tpu.memory_space<semaphore_mem>>)
        %dma_wait3A = arith.constant 0 : i32
        %dma_wait3A_22 = tpu.memref_slice %arg6[%add3A_17, %dma_wait3A] : memref<20000x128xf32, #tpu.memory_space<hbm>> -> memref<16x128xf32, #tpu.memory_space<hbm>>
        %dma_wait3A_23 = arith.constant 9984 : i32
        %dma_wait3A_24 = arith.constant 0 : i32
        %dma_wait3A_25 = tpu.memref_slice %arg13[%dma_wait3A_23, %dma_wait3A_24] : memref<10240x128xf32, #tpu.memory_space<vmem_shared>> -> memref<16x128xf32, #tpu.memory_space<vmem_shared>>
        tpu.wait_dma2 semaphore(%run_scoped3A : memref<!tpu.dma_semaphore, #tpu.memory_space<semaphore_mem>>) src(%dma_wait3A_25 : memref<16x128xf32, #tpu.memory_space<vmem_shared>>) dst(%dma_wait3A_22 : memref<16x128xf32, #tpu.memory_space<hbm>>)
        tpu.yield
      }) : () -> ()
    } else {
    }
    return
  }
}

#map = affine_map<(d0, d1) -> (0, 0)>
#map1 = affine_map<(d0, d1) -> (0, 0, 0, 0, 0)>
module attributes {stable_mosaic.version = 14 : i64} {
  func.func @_segsum_body(%arg0: i32, %arg1: i32, %arg2: memref<20000x128xf32, #tpu.memory_space<hbm>>, %arg3: memref<2x16x20x16x64xi32, #tpu.memory_space<hbm>>, %arg4: memref<2x16x20x16x64xi32, #tpu.memory_space<hbm>>, %arg5: memref<10240x128xf32, #tpu.memory_space<hbm>>, %arg6: memref<20000x128xf32, #tpu.memory_space<hbm>>, %arg7: memref<16x64xi32, #tpu.memory_space<vmem>>, %arg8: memref<16x64xi32, #tpu.memory_space<vmem>>, %arg9: memref<64x128xf32, #tpu.memory_space<vmem>>, %arg10: memref<64x128xf32, #tpu.memory_space<vmem>>, %arg11: memref<64x128xf32, #tpu.memory_space<vmem>>, %arg12: memref<64x128xf32, #tpu.memory_space<vmem>>, %arg13: memref<10240x128xf32, #tpu.memory_space<vmem_shared>>, %arg14: memref<!tpu.dma_semaphore, #tpu.memory_space<semaphore_mem>>, %arg15: memref<!tpu.dma_semaphore, #tpu.memory_space<semaphore_mem>>, %arg16: memref<!tpu.dma_semaphore, #tpu.memory_space<semaphore_mem>>, %arg17: memref<!tpu.dma_semaphore, #tpu.memory_space<semaphore_mem>>, %arg18: memref<!tpu.dma_semaphore, #tpu.memory_space<semaphore_mem>>, %arg19: memref<!tpu.dma_semaphore, #tpu.memory_space<semaphore_mem>>, %arg20: memref<!tpu.dma_semaphore, #tpu.memory_space<semaphore_mem>>, %arg21: memref<!tpu.dma_semaphore, #tpu.memory_space<semaphore_mem>>) attributes {dimension_semantics = [#tpu.dimension_semantics<core_parallel>, #tpu.dimension_semantics<subcore_parallel>], iteration_bounds = array<i64: 2, 16>, scalar_prefetch = 0 : i64, scratch_operands = 15 : i64, tpu.core_type = #tpu.core_type<sc_vector_subcore>, window_params = [{transform_indices = #map}, {transform_indices = #map1}, {transform_indices = #map1}, {transform_indices = #map}, {transform_indices = #map}]} {
    %mul3A = arith.constant 640 : i32
    %mul3A_0 = arith.muli %arg1, %mul3A : i32
    %multiple_of3A = tpu.assume_multiple %mul3A_0, 16 : i32
    "tpu.region"() ({
      %run_scoped3A = tpu.sem_alloc : memref<!tpu.dma_semaphore, #tpu.memory_space<semaphore_mem>>
      %dma_start3A = arith.constant 0 : i32
      %dma_start3A_14 = tpu.memref_slice %arg13[%multiple_of3A, %dma_start3A] : memref<10240x128xf32, #tpu.memory_space<vmem_shared>> -> memref<640x128xf32, #tpu.memory_space<vmem_shared>>
      %dma_start3A_15 = arith.constant 0 : i32
      %dma_start3A_16 = tpu.memref_slice %arg5[%multiple_of3A, %dma_start3A_15] : memref<10240x128xf32, #tpu.memory_space<hbm>> -> memref<640x128xf32, #tpu.memory_space<hbm>>
      tpu.enqueue_dma source(%dma_start3A_16 : memref<640x128xf32, #tpu.memory_space<hbm>>) target(%dma_start3A_14 : memref<640x128xf32, #tpu.memory_space<vmem_shared>>) target_semaphore(%run_scoped3A : memref<!tpu.dma_semaphore, #tpu.memory_space<semaphore_mem>>)
      %dma_wait3A = arith.constant 0 : i32
      %dma_wait3A_17 = tpu.memref_slice %arg13[%multiple_of3A, %dma_wait3A] : memref<10240x128xf32, #tpu.memory_space<vmem_shared>> -> memref<640x128xf32, #tpu.memory_space<vmem_shared>>
      %dma_wait3A_18 = arith.constant 0 : i32
      %dma_wait3A_19 = tpu.memref_slice %arg5[%multiple_of3A, %dma_wait3A_18] : memref<10240x128xf32, #tpu.memory_space<hbm>> -> memref<640x128xf32, #tpu.memory_space<hbm>>
      tpu.wait_dma2 semaphore(%run_scoped3A : memref<!tpu.dma_semaphore, #tpu.memory_space<semaphore_mem>>) src(%dma_wait3A_19 : memref<640x128xf32, #tpu.memory_space<hbm>>) dst(%dma_wait3A_17 : memref<640x128xf32, #tpu.memory_space<vmem_shared>>)
      tpu.yield
    }) : () -> ()
    %barrier3A = arith.constant 0 : index
    tpu.barrier barrier_id(%barrier3A)
    %scan3A = arith.constant 0 : i32
    %scan3A_1 = arith.constant 0 : i32
    %scan3A_2 = arith.constant 20 : i32
    %scan3A_3 = arith.addi %scan3A_1, %scan3A_2 : i32
    %scan3A_4 = arith.constant 1 : i32
    scf.for %scan3A_14 = %scan3A_1 to %scan3A_3 step %scan3A_4  : i32 {
      "tpu.region"() ({
        %run_scoped3A = tpu.sem_alloc : memref<!tpu.dma_semaphore, #tpu.memory_space<semaphore_mem>>
        %dma_start3A = arith.constant 0 : i32
        %dma_start3A_21 = arith.constant 0 : i32
        %dma_start3A_22 = tpu.memref_slice %arg3[%arg0, %arg1, %scan3A_14, %dma_start3A, %dma_start3A_21] : memref<2x16x20x16x64xi32, #tpu.memory_space<hbm>> -> memref<1x1x1x16x64xi32, #tpu.memory_space<hbm>>
        %dma_start3A_23 = tpu.memref_squeeze %dma_start3A_22 : memref<1x1x1x16x64xi32, #tpu.memory_space<hbm>> -> memref<16x64xi32, #tpu.memory_space<hbm>>
        %dma_start3A_24 = arith.constant 0 : i32
        %dma_start3A_25 = arith.constant 0 : i32
        %dma_start3A_26 = tpu.memref_slice %arg3[%arg0, %arg1, %scan3A_14, %dma_start3A_24, %dma_start3A_25] : memref<2x16x20x16x64xi32, #tpu.memory_space<hbm>> -> memref<1x1x1x16x64xi32, #tpu.memory_space<hbm>>
        %dma_start3A_27 = tpu.memref_squeeze %dma_start3A_26 : memref<1x1x1x16x64xi32, #tpu.memory_space<hbm>> -> memref<16x64xi32, #tpu.memory_space<hbm>>
        tpu.enqueue_dma source(%dma_start3A_27 : memref<16x64xi32, #tpu.memory_space<hbm>>) target(%arg7 : memref<16x64xi32, #tpu.memory_space<vmem>>) target_semaphore(%run_scoped3A : memref<!tpu.dma_semaphore, #tpu.memory_space<semaphore_mem>>)
        %dma_wait3A = arith.constant 0 : i32
        %dma_wait3A_28 = arith.constant 0 : i32
        %dma_wait3A_29 = tpu.memref_slice %arg3[%arg0, %arg1, %scan3A_14, %dma_wait3A, %dma_wait3A_28] : memref<2x16x20x16x64xi32, #tpu.memory_space<hbm>> -> memref<1x1x1x16x64xi32, #tpu.memory_space<hbm>>
        %dma_wait3A_30 = tpu.memref_squeeze %dma_wait3A_29 : memref<1x1x1x16x64xi32, #tpu.memory_space<hbm>> -> memref<16x64xi32, #tpu.memory_space<hbm>>
        %dma_wait3A_31 = arith.constant 0 : i32
        %dma_wait3A_32 = arith.constant 0 : i32
        %dma_wait3A_33 = tpu.memref_slice %arg3[%arg0, %arg1, %scan3A_14, %dma_wait3A_31, %dma_wait3A_32] : memref<2x16x20x16x64xi32, #tpu.memory_space<hbm>> -> memref<1x1x1x16x64xi32, #tpu.memory_space<hbm>>
        %dma_wait3A_34 = tpu.memref_squeeze %dma_wait3A_33 : memref<1x1x1x16x64xi32, #tpu.memory_space<hbm>> -> memref<16x64xi32, #tpu.memory_space<hbm>>
        tpu.wait_dma2 semaphore(%run_scoped3A : memref<!tpu.dma_semaphore, #tpu.memory_space<semaphore_mem>>) src(%dma_wait3A_34 : memref<16x64xi32, #tpu.memory_space<hbm>>) dst(%arg7 : memref<16x64xi32, #tpu.memory_space<vmem>>)
        tpu.yield
      }) : () -> ()
      "tpu.region"() ({
        %run_scoped3A = tpu.sem_alloc : memref<!tpu.dma_semaphore, #tpu.memory_space<semaphore_mem>>
        %dma_start3A = arith.constant 0 : i32
        %dma_start3A_21 = arith.constant 0 : i32
        %dma_start3A_22 = tpu.memref_slice %arg4[%arg0, %arg1, %scan3A_14, %dma_start3A, %dma_start3A_21] : memref<2x16x20x16x64xi32, #tpu.memory_space<hbm>> -> memref<1x1x1x16x64xi32, #tpu.memory_space<hbm>>
        %dma_start3A_23 = tpu.memref_squeeze %dma_start3A_22 : memref<1x1x1x16x64xi32, #tpu.memory_space<hbm>> -> memref<16x64xi32, #tpu.memory_space<hbm>>
        %dma_start3A_24 = arith.constant 0 : i32
        %dma_start3A_25 = arith.constant 0 : i32
        %dma_start3A_26 = tpu.memref_slice %arg4[%arg0, %arg1, %scan3A_14, %dma_start3A_24, %dma_start3A_25] : memref<2x16x20x16x64xi32, #tpu.memory_space<hbm>> -> memref<1x1x1x16x64xi32, #tpu.memory_space<hbm>>
        %dma_start3A_27 = tpu.memref_squeeze %dma_start3A_26 : memref<1x1x1x16x64xi32, #tpu.memory_space<hbm>> -> memref<16x64xi32, #tpu.memory_space<hbm>>
        tpu.enqueue_dma source(%dma_start3A_27 : memref<16x64xi32, #tpu.memory_space<hbm>>) target(%arg8 : memref<16x64xi32, #tpu.memory_space<vmem>>) target_semaphore(%run_scoped3A : memref<!tpu.dma_semaphore, #tpu.memory_space<semaphore_mem>>)
        %dma_wait3A = arith.constant 0 : i32
        %dma_wait3A_28 = arith.constant 0 : i32
        %dma_wait3A_29 = tpu.memref_slice %arg4[%arg0, %arg1, %scan3A_14, %dma_wait3A, %dma_wait3A_28] : memref<2x16x20x16x64xi32, #tpu.memory_space<hbm>> -> memref<1x1x1x16x64xi32, #tpu.memory_space<hbm>>
        %dma_wait3A_30 = tpu.memref_squeeze %dma_wait3A_29 : memref<1x1x1x16x64xi32, #tpu.memory_space<hbm>> -> memref<16x64xi32, #tpu.memory_space<hbm>>
        %dma_wait3A_31 = arith.constant 0 : i32
        %dma_wait3A_32 = arith.constant 0 : i32
        %dma_wait3A_33 = tpu.memref_slice %arg4[%arg0, %arg1, %scan3A_14, %dma_wait3A_31, %dma_wait3A_32] : memref<2x16x20x16x64xi32, #tpu.memory_space<hbm>> -> memref<1x1x1x16x64xi32, #tpu.memory_space<hbm>>
        %dma_wait3A_34 = tpu.memref_squeeze %dma_wait3A_33 : memref<1x1x1x16x64xi32, #tpu.memory_space<hbm>> -> memref<16x64xi32, #tpu.memory_space<hbm>>
        tpu.wait_dma2 semaphore(%run_scoped3A : memref<!tpu.dma_semaphore, #tpu.memory_space<semaphore_mem>>) src(%dma_wait3A_34 : memref<16x64xi32, #tpu.memory_space<hbm>>) dst(%arg8 : memref<16x64xi32, #tpu.memory_space<vmem>>)
        tpu.yield
      }) : () -> ()
      %scan3A_15 = arith.constant 0 : i32
      %scan3A_16 = arith.constant 0 : i32
      %scan3A_17 = arith.constant 4 : i32
      %scan3A_18 = arith.addi %scan3A_16, %scan3A_17 : i32
      %scan3A_19 = arith.constant 1 : i32
      scf.for %scan3A_21 = %scan3A_16 to %scan3A_18 step %scan3A_19  : i32 {
        %mul3A_22 = arith.constant 4 : i32
        %mul3A_23 = arith.muli %mul3A_22, %scan3A_21 : i32
        %add3A_24 = arith.constant 0 : i32
        %add3A_25 = arith.addi %mul3A_23, %add3A_24 : i32
        %dma_start3A = arith.constant 0 : i32
        %dma_start3A_26 = tpu.memref_slice %arg7[%add3A_25, %dma_start3A] : memref<16x64xi32, #tpu.memory_space<vmem>> -> memref<1x64xi32, #tpu.memory_space<vmem>>
        %dma_start3A_27 = tpu.memref_squeeze %dma_start3A_26 : memref<1x64xi32, #tpu.memory_space<vmem>> -> memref<64xi32, #tpu.memory_space<vmem>>
        %dma_start3A_28 = arith.constant 0 : i32
        %dma_start3A_29 = arith.constant 0 : i32
        %dma_start3A_30 = tpu.memref_slice %arg2[%dma_start3A_28, %dma_start3A_29] : memref<20000x128xf32, #tpu.memory_space<hbm>> -> memref<20000x128xf32, #tpu.memory_space<hbm>>
        tpu.enqueue_indirect_dma source(%dma_start3A_30 : memref<20000x128xf32, #tpu.memory_space<hbm>>) target(%arg9 : memref<64x128xf32, #tpu.memory_space<vmem>>) offsets(%dma_start3A_27 : memref<64xi32, #tpu.memory_space<vmem>>) semaphore(%arg14 : memref<!tpu.dma_semaphore, #tpu.memory_space<semaphore_mem>>)
        %add3A_31 = arith.constant 1 : i32
        %add3A_32 = arith.addi %mul3A_23, %add3A_31 : i32
        %dma_start3A_33 = arith.constant 0 : i32
        %dma_start3A_34 = tpu.memref_slice %arg7[%add3A_32, %dma_start3A_33] : memref<16x64xi32, #tpu.memory_space<vmem>> -> memref<1x64xi32, #tpu.memory_space<vmem>>
        %dma_start3A_35 = tpu.memref_squeeze %dma_start3A_34 : memref<1x64xi32, #tpu.memory_space<vmem>> -> memref<64xi32, #tpu.memory_space<vmem>>
        %dma_start3A_36 = arith.constant 0 : i32
        %dma_start3A_37 = arith.constant 0 : i32
        %dma_start3A_38 = tpu.memref_slice %arg2[%dma_start3A_36, %dma_start3A_37] : memref<20000x128xf32, #tpu.memory_space<hbm>> -> memref<20000x128xf32, #tpu.memory_space<hbm>>
        tpu.enqueue_indirect_dma source(%dma_start3A_38 : memref<20000x128xf32, #tpu.memory_space<hbm>>) target(%arg10 : memref<64x128xf32, #tpu.memory_space<vmem>>) offsets(%dma_start3A_35 : memref<64xi32, #tpu.memory_space<vmem>>) semaphore(%arg15 : memref<!tpu.dma_semaphore, #tpu.memory_space<semaphore_mem>>)
        %add3A_39 = arith.constant 2 : i32
        %add3A_40 = arith.addi %mul3A_23, %add3A_39 : i32
        %dma_start3A_41 = arith.constant 0 : i32
        %dma_start3A_42 = tpu.memref_slice %arg7[%add3A_40, %dma_start3A_41] : memref<16x64xi32, #tpu.memory_space<vmem>> -> memref<1x64xi32, #tpu.memory_space<vmem>>
        %dma_start3A_43 = tpu.memref_squeeze %dma_start3A_42 : memref<1x64xi32, #tpu.memory_space<vmem>> -> memref<64xi32, #tpu.memory_space<vmem>>
        %dma_start3A_44 = arith.constant 0 : i32
        %dma_start3A_45 = arith.constant 0 : i32
        %dma_start3A_46 = tpu.memref_slice %arg2[%dma_start3A_44, %dma_start3A_45] : memref<20000x128xf32, #tpu.memory_space<hbm>> -> memref<20000x128xf32, #tpu.memory_space<hbm>>
        tpu.enqueue_indirect_dma source(%dma_start3A_46 : memref<20000x128xf32, #tpu.memory_space<hbm>>) target(%arg11 : memref<64x128xf32, #tpu.memory_space<vmem>>) offsets(%dma_start3A_43 : memref<64xi32, #tpu.memory_space<vmem>>) semaphore(%arg16 : memref<!tpu.dma_semaphore, #tpu.memory_space<semaphore_mem>>)
        %add3A_47 = arith.constant 3 : i32
        %add3A_48 = arith.addi %mul3A_23, %add3A_47 : i32
        %dma_start3A_49 = arith.constant 0 : i32
        %dma_start3A_50 = tpu.memref_slice %arg7[%add3A_48, %dma_start3A_49] : memref<16x64xi32, #tpu.memory_space<vmem>> -> memref<1x64xi32, #tpu.memory_space<vmem>>
        %dma_start3A_51 = tpu.memref_squeeze %dma_start3A_50 : memref<1x64xi32, #tpu.memory_space<vmem>> -> memref<64xi32, #tpu.memory_space<vmem>>
        %dma_start3A_52 = arith.constant 0 : i32
        %dma_start3A_53 = arith.constant 0 : i32
        %dma_start3A_54 = tpu.memref_slice %arg2[%dma_start3A_52, %dma_start3A_53] : memref<20000x128xf32, #tpu.memory_space<hbm>> -> memref<20000x128xf32, #tpu.memory_space<hbm>>
        tpu.enqueue_indirect_dma source(%dma_start3A_54 : memref<20000x128xf32, #tpu.memory_space<hbm>>) target(%arg12 : memref<64x128xf32, #tpu.memory_space<vmem>>) offsets(%dma_start3A_51 : memref<64xi32, #tpu.memory_space<vmem>>) semaphore(%arg17 : memref<!tpu.dma_semaphore, #tpu.memory_space<semaphore_mem>>)
        %dma_wait3A = arith.constant 0 : i32
        %dma_wait3A_55 = tpu.memref_slice %arg7[%add3A_25, %dma_wait3A] : memref<16x64xi32, #tpu.memory_space<vmem>> -> memref<1x64xi32, #tpu.memory_space<vmem>>
        %dma_wait3A_56 = tpu.memref_squeeze %dma_wait3A_55 : memref<1x64xi32, #tpu.memory_space<vmem>> -> memref<64xi32, #tpu.memory_space<vmem>>
        %dma_wait3A_57 = arith.constant 0 : i32
        %dma_wait3A_58 = arith.constant 0 : i32
        %dma_wait3A_59 = tpu.memref_slice %arg2[%dma_wait3A_57, %dma_wait3A_58] : memref<20000x128xf32, #tpu.memory_space<hbm>> -> memref<20000x128xf32, #tpu.memory_space<hbm>>
        tpu.wait_indirect_dma semaphore(%arg14 : memref<!tpu.dma_semaphore, #tpu.memory_space<semaphore_mem>>) src(%dma_wait3A_59 : memref<20000x128xf32, #tpu.memory_space<hbm>>) dst(%arg9 : memref<64x128xf32, #tpu.memory_space<vmem>>)
        %add3A_60 = arith.constant 0 : i32
        %add3A_61 = arith.addi %mul3A_23, %add3A_60 : i32
        %dma_start3A_62 = arith.constant 0 : i32
        %dma_start3A_63 = tpu.memref_slice %arg8[%add3A_61, %dma_start3A_62] : memref<16x64xi32, #tpu.memory_space<vmem>> -> memref<1x64xi32, #tpu.memory_space<vmem>>
        %dma_start3A_64 = tpu.memref_squeeze %dma_start3A_63 : memref<1x64xi32, #tpu.memory_space<vmem>> -> memref<64xi32, #tpu.memory_space<vmem>>
        %dma_start3A_65 = arith.constant 0 : i32
        %dma_start3A_66 = arith.constant 0 : i32
        %dma_start3A_67 = tpu.memref_slice %arg13[%dma_start3A_65, %dma_start3A_66] : memref<10240x128xf32, #tpu.memory_space<vmem_shared>> -> memref<10240x128xf32, #tpu.memory_space<vmem_shared>>
        tpu.enqueue_indirect_dma source(%arg9 : memref<64x128xf32, #tpu.memory_space<vmem>>) target(%dma_start3A_67 : memref<10240x128xf32, #tpu.memory_space<vmem_shared>>) offsets(%dma_start3A_64 : memref<64xi32, #tpu.memory_space<vmem>>) semaphore(%arg18 : memref<!tpu.dma_semaphore, #tpu.memory_space<semaphore_mem>>) {add = true}
        %dma_wait3A_68 = arith.constant 0 : i32
        %dma_wait3A_69 = tpu.memref_slice %arg7[%add3A_32, %dma_wait3A_68] : memref<16x64xi32, #tpu.memory_space<vmem>> -> memref<1x64xi32, #tpu.memory_space<vmem>>
        %dma_wait3A_70 = tpu.memref_squeeze %dma_wait3A_69 : memref<1x64xi32, #tpu.memory_space<vmem>> -> memref<64xi32, #tpu.memory_space<vmem>>
        %dma_wait3A_71 = arith.constant 0 : i32
        %dma_wait3A_72 = arith.constant 0 : i32
        %dma_wait3A_73 = tpu.memref_slice %arg2[%dma_wait3A_71, %dma_wait3A_72] : memref<20000x128xf32, #tpu.memory_space<hbm>> -> memref<20000x128xf32, #tpu.memory_space<hbm>>
        tpu.wait_indirect_dma semaphore(%arg15 : memref<!tpu.dma_semaphore, #tpu.memory_space<semaphore_mem>>) src(%dma_wait3A_73 : memref<20000x128xf32, #tpu.memory_space<hbm>>) dst(%arg10 : memref<64x128xf32, #tpu.memory_space<vmem>>)
        %add3A_74 = arith.constant 1 : i32
        %add3A_75 = arith.addi %mul3A_23, %add3A_74 : i32
        %dma_start3A_76 = arith.constant 0 : i32
        %dma_start3A_77 = tpu.memref_slice %arg8[%add3A_75, %dma_start3A_76] : memref<16x64xi32, #tpu.memory_space<vmem>> -> memref<1x64xi32, #tpu.memory_space<vmem>>
        %dma_start3A_78 = tpu.memref_squeeze %dma_start3A_77 : memref<1x64xi32, #tpu.memory_space<vmem>> -> memref<64xi32, #tpu.memory_space<vmem>>
        %dma_start3A_79 = arith.constant 0 : i32
        %dma_start3A_80 = arith.constant 0 : i32
        %dma_start3A_81 = tpu.memref_slice %arg13[%dma_start3A_79, %dma_start3A_80] : memref<10240x128xf32, #tpu.memory_space<vmem_shared>> -> memref<10240x128xf32, #tpu.memory_space<vmem_shared>>
        tpu.enqueue_indirect_dma source(%arg10 : memref<64x128xf32, #tpu.memory_space<vmem>>) target(%dma_start3A_81 : memref<10240x128xf32, #tpu.memory_space<vmem_shared>>) offsets(%dma_start3A_78 : memref<64xi32, #tpu.memory_space<vmem>>) semaphore(%arg19 : memref<!tpu.dma_semaphore, #tpu.memory_space<semaphore_mem>>) {add = true}
        %dma_wait3A_82 = arith.constant 0 : i32
        %dma_wait3A_83 = tpu.memref_slice %arg7[%add3A_40, %dma_wait3A_82] : memref<16x64xi32, #tpu.memory_space<vmem>> -> memref<1x64xi32, #tpu.memory_space<vmem>>
        %dma_wait3A_84 = tpu.memref_squeeze %dma_wait3A_83 : memref<1x64xi32, #tpu.memory_space<vmem>> -> memref<64xi32, #tpu.memory_space<vmem>>
        %dma_wait3A_85 = arith.constant 0 : i32
        %dma_wait3A_86 = arith.constant 0 : i32
        %dma_wait3A_87 = tpu.memref_slice %arg2[%dma_wait3A_85, %dma_wait3A_86] : memref<20000x128xf32, #tpu.memory_space<hbm>> -> memref<20000x128xf32, #tpu.memory_space<hbm>>
        tpu.wait_indirect_dma semaphore(%arg16 : memref<!tpu.dma_semaphore, #tpu.memory_space<semaphore_mem>>) src(%dma_wait3A_87 : memref<20000x128xf32, #tpu.memory_space<hbm>>) dst(%arg11 : memref<64x128xf32, #tpu.memory_space<vmem>>)
        %add3A_88 = arith.constant 2 : i32
        %add3A_89 = arith.addi %mul3A_23, %add3A_88 : i32
        %dma_start3A_90 = arith.constant 0 : i32
        %dma_start3A_91 = tpu.memref_slice %arg8[%add3A_89, %dma_start3A_90] : memref<16x64xi32, #tpu.memory_space<vmem>> -> memref<1x64xi32, #tpu.memory_space<vmem>>
        %dma_start3A_92 = tpu.memref_squeeze %dma_start3A_91 : memref<1x64xi32, #tpu.memory_space<vmem>> -> memref<64xi32, #tpu.memory_space<vmem>>
        %dma_start3A_93 = arith.constant 0 : i32
        %dma_start3A_94 = arith.constant 0 : i32
        %dma_start3A_95 = tpu.memref_slice %arg13[%dma_start3A_93, %dma_start3A_94] : memref<10240x128xf32, #tpu.memory_space<vmem_shared>> -> memref<10240x128xf32, #tpu.memory_space<vmem_shared>>
        tpu.enqueue_indirect_dma source(%arg11 : memref<64x128xf32, #tpu.memory_space<vmem>>) target(%dma_start3A_95 : memref<10240x128xf32, #tpu.memory_space<vmem_shared>>) offsets(%dma_start3A_92 : memref<64xi32, #tpu.memory_space<vmem>>) semaphore(%arg20 : memref<!tpu.dma_semaphore, #tpu.memory_space<semaphore_mem>>) {add = true}
        %dma_wait3A_96 = arith.constant 0 : i32
        %dma_wait3A_97 = tpu.memref_slice %arg7[%add3A_48, %dma_wait3A_96] : memref<16x64xi32, #tpu.memory_space<vmem>> -> memref<1x64xi32, #tpu.memory_space<vmem>>
        %dma_wait3A_98 = tpu.memref_squeeze %dma_wait3A_97 : memref<1x64xi32, #tpu.memory_space<vmem>> -> memref<64xi32, #tpu.memory_space<vmem>>
        %dma_wait3A_99 = arith.constant 0 : i32
        %dma_wait3A_100 = arith.constant 0 : i32
        %dma_wait3A_101 = tpu.memref_slice %arg2[%dma_wait3A_99, %dma_wait3A_100] : memref<20000x128xf32, #tpu.memory_space<hbm>> -> memref<20000x128xf32, #tpu.memory_space<hbm>>
        tpu.wait_indirect_dma semaphore(%arg17 : memref<!tpu.dma_semaphore, #tpu.memory_space<semaphore_mem>>) src(%dma_wait3A_101 : memref<20000x128xf32, #tpu.memory_space<hbm>>) dst(%arg12 : memref<64x128xf32, #tpu.memory_space<vmem>>)
        %add3A_102 = arith.constant 3 : i32
        %add3A_103 = arith.addi %mul3A_23, %add3A_102 : i32
        %dma_start3A_104 = arith.constant 0 : i32
        %dma_start3A_105 = tpu.memref_slice %arg8[%add3A_103, %dma_start3A_104] : memref<16x64xi32, #tpu.memory_space<vmem>> -> memref<1x64xi32, #tpu.memory_space<vmem>>
        %dma_start3A_106 = tpu.memref_squeeze %dma_start3A_105 : memref<1x64xi32, #tpu.memory_space<vmem>> -> memref<64xi32, #tpu.memory_space<vmem>>
        %dma_start3A_107 = arith.constant 0 : i32
        %dma_start3A_108 = arith.constant 0 : i32
        %dma_start3A_109 = tpu.memref_slice %arg13[%dma_start3A_107, %dma_start3A_108] : memref<10240x128xf32, #tpu.memory_space<vmem_shared>> -> memref<10240x128xf32, #tpu.memory_space<vmem_shared>>
        tpu.enqueue_indirect_dma source(%arg12 : memref<64x128xf32, #tpu.memory_space<vmem>>) target(%dma_start3A_109 : memref<10240x128xf32, #tpu.memory_space<vmem_shared>>) offsets(%dma_start3A_106 : memref<64xi32, #tpu.memory_space<vmem>>) semaphore(%arg21 : memref<!tpu.dma_semaphore, #tpu.memory_space<semaphore_mem>>) {add = true}
        %dma_wait3A_110 = arith.constant 0 : i32
        %dma_wait3A_111 = tpu.memref_slice %arg8[%add3A_61, %dma_wait3A_110] : memref<16x64xi32, #tpu.memory_space<vmem>> -> memref<1x64xi32, #tpu.memory_space<vmem>>
        %dma_wait3A_112 = tpu.memref_squeeze %dma_wait3A_111 : memref<1x64xi32, #tpu.memory_space<vmem>> -> memref<64xi32, #tpu.memory_space<vmem>>
        %dma_wait3A_113 = arith.constant 0 : i32
        %dma_wait3A_114 = arith.constant 0 : i32
        %dma_wait3A_115 = tpu.memref_slice %arg13[%dma_wait3A_113, %dma_wait3A_114] : memref<10240x128xf32, #tpu.memory_space<vmem_shared>> -> memref<10240x128xf32, #tpu.memory_space<vmem_shared>>
        tpu.wait_indirect_dma semaphore(%arg18 : memref<!tpu.dma_semaphore, #tpu.memory_space<semaphore_mem>>) src(%arg9 : memref<64x128xf32, #tpu.memory_space<vmem>>) dst(%dma_wait3A_115 : memref<10240x128xf32, #tpu.memory_space<vmem_shared>>)
        %dma_wait3A_116 = arith.constant 0 : i32
        %dma_wait3A_117 = tpu.memref_slice %arg8[%add3A_75, %dma_wait3A_116] : memref<16x64xi32, #tpu.memory_space<vmem>> -> memref<1x64xi32, #tpu.memory_space<vmem>>
        %dma_wait3A_118 = tpu.memref_squeeze %dma_wait3A_117 : memref<1x64xi32, #tpu.memory_space<vmem>> -> memref<64xi32, #tpu.memory_space<vmem>>
        %dma_wait3A_119 = arith.constant 0 : i32
        %dma_wait3A_120 = arith.constant 0 : i32
        %dma_wait3A_121 = tpu.memref_slice %arg13[%dma_wait3A_119, %dma_wait3A_120] : memref<10240x128xf32, #tpu.memory_space<vmem_shared>> -> memref<10240x128xf32, #tpu.memory_space<vmem_shared>>
        tpu.wait_indirect_dma semaphore(%arg19 : memref<!tpu.dma_semaphore, #tpu.memory_space<semaphore_mem>>) src(%arg10 : memref<64x128xf32, #tpu.memory_space<vmem>>) dst(%dma_wait3A_121 : memref<10240x128xf32, #tpu.memory_space<vmem_shared>>)
        %dma_wait3A_122 = arith.constant 0 : i32
        %dma_wait3A_123 = tpu.memref_slice %arg8[%add3A_89, %dma_wait3A_122] : memref<16x64xi32, #tpu.memory_space<vmem>> -> memref<1x64xi32, #tpu.memory_space<vmem>>
        %dma_wait3A_124 = tpu.memref_squeeze %dma_wait3A_123 : memref<1x64xi32, #tpu.memory_space<vmem>> -> memref<64xi32, #tpu.memory_space<vmem>>
        %dma_wait3A_125 = arith.constant 0 : i32
        %dma_wait3A_126 = arith.constant 0 : i32
        %dma_wait3A_127 = tpu.memref_slice %arg13[%dma_wait3A_125, %dma_wait3A_126] : memref<10240x128xf32, #tpu.memory_space<vmem_shared>> -> memref<10240x128xf32, #tpu.memory_space<vmem_shared>>
        tpu.wait_indirect_dma semaphore(%arg20 : memref<!tpu.dma_semaphore, #tpu.memory_space<semaphore_mem>>) src(%arg11 : memref<64x128xf32, #tpu.memory_space<vmem>>) dst(%dma_wait3A_127 : memref<10240x128xf32, #tpu.memory_space<vmem_shared>>)
        %dma_wait3A_128 = arith.constant 0 : i32
        %dma_wait3A_129 = tpu.memref_slice %arg8[%add3A_103, %dma_wait3A_128] : memref<16x64xi32, #tpu.memory_space<vmem>> -> memref<1x64xi32, #tpu.memory_space<vmem>>
        %dma_wait3A_130 = tpu.memref_squeeze %dma_wait3A_129 : memref<1x64xi32, #tpu.memory_space<vmem>> -> memref<64xi32, #tpu.memory_space<vmem>>
        %dma_wait3A_131 = arith.constant 0 : i32
        %dma_wait3A_132 = arith.constant 0 : i32
        %dma_wait3A_133 = tpu.memref_slice %arg13[%dma_wait3A_131, %dma_wait3A_132] : memref<10240x128xf32, #tpu.memory_space<vmem_shared>> -> memref<10240x128xf32, #tpu.memory_space<vmem_shared>>
        tpu.wait_indirect_dma semaphore(%arg21 : memref<!tpu.dma_semaphore, #tpu.memory_space<semaphore_mem>>) src(%arg12 : memref<64x128xf32, #tpu.memory_space<vmem>>) dst(%dma_wait3A_133 : memref<10240x128xf32, #tpu.memory_space<vmem_shared>>)
      }
      %scan3A_20 = arith.constant 4 : i32
    }
    %scan3A_5 = arith.constant 20 : i32
    %barrier3A_6 = arith.constant 0 : index
    tpu.barrier barrier_id(%barrier3A_6)
    %mul3A_7 = arith.constant 624 : i32
    %mul3A_8 = arith.muli %arg1, %mul3A_7 : i32
    %multiple_of3A_9 = tpu.assume_multiple %mul3A_8, 16 : i32
    %mul3A_10 = arith.constant 10000 : i32
    %mul3A_11 = arith.muli %arg0, %mul3A_10 : i32
    %add3A = arith.addi %mul3A_11, %multiple_of3A_9 : i32
    "tpu.region"() ({
      %run_scoped3A = tpu.sem_alloc : memref<!tpu.dma_semaphore, #tpu.memory_space<semaphore_mem>>
      %dma_start3A = arith.constant 0 : i32
      %dma_start3A_14 = tpu.memref_slice %arg6[%add3A, %dma_start3A] : memref<20000x128xf32, #tpu.memory_space<hbm>> -> memref<624x128xf32, #tpu.memory_space<hbm>>
      %dma_start3A_15 = arith.constant 0 : i32
      %dma_start3A_16 = tpu.memref_slice %arg13[%multiple_of3A_9, %dma_start3A_15] : memref<10240x128xf32, #tpu.memory_space<vmem_shared>> -> memref<624x128xf32, #tpu.memory_space<vmem_shared>>
      tpu.enqueue_dma source(%dma_start3A_16 : memref<624x128xf32, #tpu.memory_space<vmem_shared>>) target(%dma_start3A_14 : memref<624x128xf32, #tpu.memory_space<hbm>>) target_semaphore(%run_scoped3A : memref<!tpu.dma_semaphore, #tpu.memory_space<semaphore_mem>>)
      %dma_wait3A = arith.constant 0 : i32
      %dma_wait3A_17 = tpu.memref_slice %arg6[%add3A, %dma_wait3A] : memref<20000x128xf32, #tpu.memory_space<hbm>> -> memref<624x128xf32, #tpu.memory_space<hbm>>
      %dma_wait3A_18 = arith.constant 0 : i32
      %dma_wait3A_19 = tpu.memref_slice %arg13[%multiple_of3A_9, %dma_wait3A_18] : memref<10240x128xf32, #tpu.memory_space<vmem_shared>> -> memref<624x128xf32, #tpu.memory_space<vmem_shared>>
      tpu.wait_dma2 semaphore(%run_scoped3A : memref<!tpu.dma_semaphore, #tpu.memory_space<semaphore_mem>>) src(%dma_wait3A_19 : memref<624x128xf32, #tpu.memory_space<vmem_shared>>) dst(%dma_wait3A_17 : memref<624x128xf32, #tpu.memory_space<hbm>>)
      tpu.yield
    }) : () -> ()
    %eq3A = arith.constant 0 : i32
    %eq3A_12 = arith.cmpi eq, %arg1, %eq3A : i32
    %convert_element_type3A = arith.extui %eq3A_12 : i1 to i32
    %cond3A = arith.constant 0 : i32
    %cond3A_13 = arith.cmpi ne, %convert_element_type3A, %cond3A : i32
    scf.if %cond3A_13 {
      %mul3A_14 = arith.constant 10000 : i32
      %mul3A_15 = arith.muli %arg0, %mul3A_14 : i32
      %add3A_16 = arith.constant 9984 : i32
      %add3A_17 = arith.addi %mul3A_15, %add3A_16 : i32
      "tpu.region"() ({
        %run_scoped3A = tpu.sem_alloc : memref<!tpu.dma_semaphore, #tpu.memory_space<semaphore_mem>>
        %dma_start3A = arith.constant 0 : i32
        %dma_start3A_18 = tpu.memref_slice %arg6[%add3A_17, %dma_start3A] : memref<20000x128xf32, #tpu.memory_space<hbm>> -> memref<16x128xf32, #tpu.memory_space<hbm>>
        %dma_start3A_19 = arith.constant 9984 : i32
        %dma_start3A_20 = arith.constant 0 : i32
        %dma_start3A_21 = tpu.memref_slice %arg13[%dma_start3A_19, %dma_start3A_20] : memref<10240x128xf32, #tpu.memory_space<vmem_shared>> -> memref<16x128xf32, #tpu.memory_space<vmem_shared>>
        tpu.enqueue_dma source(%dma_start3A_21 : memref<16x128xf32, #tpu.memory_space<vmem_shared>>) target(%dma_start3A_18 : memref<16x128xf32, #tpu.memory_space<hbm>>) target_semaphore(%run_scoped3A : memref<!tpu.dma_semaphore, #tpu.memory_space<semaphore_mem>>)
        %dma_wait3A = arith.constant 0 : i32
        %dma_wait3A_22 = tpu.memref_slice %arg6[%add3A_17, %dma_wait3A] : memref<20000x128xf32, #tpu.memory_space<hbm>> -> memref<16x128xf32, #tpu.memory_space<hbm>>
        %dma_wait3A_23 = arith.constant 9984 : i32
        %dma_wait3A_24 = arith.constant 0 : i32
        %dma_wait3A_25 = tpu.memref_slice %arg13[%dma_wait3A_23, %dma_wait3A_24] : memref<10240x128xf32, #tpu.memory_space<vmem_shared>> -> memref<16x128xf32, #tpu.memory_space<vmem_shared>>
        tpu.wait_dma2 semaphore(%run_scoped3A : memref<!tpu.dma_semaphore, #tpu.memory_space<semaphore_mem>>) src(%dma_wait3A_25 : memref<16x128xf32, #tpu.memory_space<vmem_shared>>) dst(%dma_wait3A_22 : memref<16x128xf32, #tpu.memory_space<hbm>>)
        tpu.yield
      }) : () -> ()
    } else {
    }
    return
  }
}

#map = affine_map<(d0, d1) -> (0, 0)>
#map1 = affine_map<(d0, d1) -> (0, 0, 0, 0, 0)>
module attributes {stable_mosaic.version = 14 : i64} {
  func.func @_segsum_body(%arg0: i32, %arg1: i32, %arg2: memref<20000x128xf32, #tpu.memory_space<hbm>>, %arg3: memref<2x16x20x16x64xi32, #tpu.memory_space<hbm>>, %arg4: memref<2x16x20x16x64xi32, #tpu.memory_space<hbm>>, %arg5: memref<10240x128xf32, #tpu.memory_space<hbm>>, %arg6: memref<20000x128xf32, #tpu.memory_space<hbm>>, %arg7: memref<16x64xi32, #tpu.memory_space<vmem>>, %arg8: memref<16x64xi32, #tpu.memory_space<vmem>>, %arg9: memref<64x128xf32, #tpu.memory_space<vmem>>, %arg10: memref<64x128xf32, #tpu.memory_space<vmem>>, %arg11: memref<64x128xf32, #tpu.memory_space<vmem>>, %arg12: memref<64x128xf32, #tpu.memory_space<vmem>>, %arg13: memref<10240x128xf32, #tpu.memory_space<vmem_shared>>, %arg14: memref<!tpu.dma_semaphore, #tpu.memory_space<semaphore_mem>>, %arg15: memref<!tpu.dma_semaphore, #tpu.memory_space<semaphore_mem>>, %arg16: memref<!tpu.dma_semaphore, #tpu.memory_space<semaphore_mem>>, %arg17: memref<!tpu.dma_semaphore, #tpu.memory_space<semaphore_mem>>, %arg18: memref<!tpu.dma_semaphore, #tpu.memory_space<semaphore_mem>>, %arg19: memref<!tpu.dma_semaphore, #tpu.memory_space<semaphore_mem>>, %arg20: memref<!tpu.dma_semaphore, #tpu.memory_space<semaphore_mem>>, %arg21: memref<!tpu.dma_semaphore, #tpu.memory_space<semaphore_mem>>) attributes {dimension_semantics = [#tpu.dimension_semantics<core_parallel>, #tpu.dimension_semantics<subcore_parallel>], iteration_bounds = array<i64: 2, 16>, scalar_prefetch = 0 : i64, scratch_operands = 15 : i64, tpu.core_type = #tpu.core_type<sc_vector_subcore>, window_params = [{transform_indices = #map}, {transform_indices = #map1}, {transform_indices = #map1}, {transform_indices = #map}, {transform_indices = #map}]} {
    %mul3A = arith.constant 640 : i32
    %mul3A_0 = arith.muli %arg1, %mul3A : i32
    %multiple_of3A = tpu.assume_multiple %mul3A_0, 16 : i32
    "tpu.region"() ({
      %run_scoped3A = tpu.sem_alloc : memref<!tpu.dma_semaphore, #tpu.memory_space<semaphore_mem>>
      %dma_start3A = arith.constant 0 : i32
      %dma_start3A_14 = tpu.memref_slice %arg13[%multiple_of3A, %dma_start3A] : memref<10240x128xf32, #tpu.memory_space<vmem_shared>> -> memref<640x128xf32, #tpu.memory_space<vmem_shared>>
      %dma_start3A_15 = arith.constant 0 : i32
      %dma_start3A_16 = tpu.memref_slice %arg5[%multiple_of3A, %dma_start3A_15] : memref<10240x128xf32, #tpu.memory_space<hbm>> -> memref<640x128xf32, #tpu.memory_space<hbm>>
      tpu.enqueue_dma source(%dma_start3A_16 : memref<640x128xf32, #tpu.memory_space<hbm>>) target(%dma_start3A_14 : memref<640x128xf32, #tpu.memory_space<vmem_shared>>) target_semaphore(%run_scoped3A : memref<!tpu.dma_semaphore, #tpu.memory_space<semaphore_mem>>)
      %dma_wait3A = arith.constant 0 : i32
      %dma_wait3A_17 = tpu.memref_slice %arg13[%multiple_of3A, %dma_wait3A] : memref<10240x128xf32, #tpu.memory_space<vmem_shared>> -> memref<640x128xf32, #tpu.memory_space<vmem_shared>>
      %dma_wait3A_18 = arith.constant 0 : i32
      %dma_wait3A_19 = tpu.memref_slice %arg5[%multiple_of3A, %dma_wait3A_18] : memref<10240x128xf32, #tpu.memory_space<hbm>> -> memref<640x128xf32, #tpu.memory_space<hbm>>
      tpu.wait_dma2 semaphore(%run_scoped3A : memref<!tpu.dma_semaphore, #tpu.memory_space<semaphore_mem>>) src(%dma_wait3A_19 : memref<640x128xf32, #tpu.memory_space<hbm>>) dst(%dma_wait3A_17 : memref<640x128xf32, #tpu.memory_space<vmem_shared>>)
      tpu.yield
    }) : () -> ()
    %barrier3A = arith.constant 0 : index
    tpu.barrier barrier_id(%barrier3A)
    %scan3A = arith.constant 0 : i32
    %scan3A_1 = arith.constant 0 : i32
    %scan3A_2 = arith.constant 20 : i32
    %scan3A_3 = arith.addi %scan3A_1, %scan3A_2 : i32
    %scan3A_4 = arith.constant 1 : i32
    scf.for %scan3A_14 = %scan3A_1 to %scan3A_3 step %scan3A_4  : i32 {
      "tpu.region"() ({
        %run_scoped3A = tpu.sem_alloc : memref<!tpu.dma_semaphore, #tpu.memory_space<semaphore_mem>>
        %dma_start3A = arith.constant 0 : i32
        %dma_start3A_21 = arith.constant 0 : i32
        %dma_start3A_22 = tpu.memref_slice %arg3[%arg0, %arg1, %scan3A_14, %dma_start3A, %dma_start3A_21] : memref<2x16x20x16x64xi32, #tpu.memory_space<hbm>> -> memref<1x1x1x16x64xi32, #tpu.memory_space<hbm>>
        %dma_start3A_23 = tpu.memref_squeeze %dma_start3A_22 : memref<1x1x1x16x64xi32, #tpu.memory_space<hbm>> -> memref<16x64xi32, #tpu.memory_space<hbm>>
        %dma_start3A_24 = arith.constant 0 : i32
        %dma_start3A_25 = arith.constant 0 : i32
        %dma_start3A_26 = tpu.memref_slice %arg3[%arg0, %arg1, %scan3A_14, %dma_start3A_24, %dma_start3A_25] : memref<2x16x20x16x64xi32, #tpu.memory_space<hbm>> -> memref<1x1x1x16x64xi32, #tpu.memory_space<hbm>>
        %dma_start3A_27 = tpu.memref_squeeze %dma_start3A_26 : memref<1x1x1x16x64xi32, #tpu.memory_space<hbm>> -> memref<16x64xi32, #tpu.memory_space<hbm>>
        tpu.enqueue_dma source(%dma_start3A_27 : memref<16x64xi32, #tpu.memory_space<hbm>>) target(%arg7 : memref<16x64xi32, #tpu.memory_space<vmem>>) target_semaphore(%run_scoped3A : memref<!tpu.dma_semaphore, #tpu.memory_space<semaphore_mem>>)
        %dma_wait3A = arith.constant 0 : i32
        %dma_wait3A_28 = arith.constant 0 : i32
        %dma_wait3A_29 = tpu.memref_slice %arg3[%arg0, %arg1, %scan3A_14, %dma_wait3A, %dma_wait3A_28] : memref<2x16x20x16x64xi32, #tpu.memory_space<hbm>> -> memref<1x1x1x16x64xi32, #tpu.memory_space<hbm>>
        %dma_wait3A_30 = tpu.memref_squeeze %dma_wait3A_29 : memref<1x1x1x16x64xi32, #tpu.memory_space<hbm>> -> memref<16x64xi32, #tpu.memory_space<hbm>>
        %dma_wait3A_31 = arith.constant 0 : i32
        %dma_wait3A_32 = arith.constant 0 : i32
        %dma_wait3A_33 = tpu.memref_slice %arg3[%arg0, %arg1, %scan3A_14, %dma_wait3A_31, %dma_wait3A_32] : memref<2x16x20x16x64xi32, #tpu.memory_space<hbm>> -> memref<1x1x1x16x64xi32, #tpu.memory_space<hbm>>
        %dma_wait3A_34 = tpu.memref_squeeze %dma_wait3A_33 : memref<1x1x1x16x64xi32, #tpu.memory_space<hbm>> -> memref<16x64xi32, #tpu.memory_space<hbm>>
        tpu.wait_dma2 semaphore(%run_scoped3A : memref<!tpu.dma_semaphore, #tpu.memory_space<semaphore_mem>>) src(%dma_wait3A_34 : memref<16x64xi32, #tpu.memory_space<hbm>>) dst(%arg7 : memref<16x64xi32, #tpu.memory_space<vmem>>)
        tpu.yield
      }) : () -> ()
      "tpu.region"() ({
        %run_scoped3A = tpu.sem_alloc : memref<!tpu.dma_semaphore, #tpu.memory_space<semaphore_mem>>
        %dma_start3A = arith.constant 0 : i32
        %dma_start3A_21 = arith.constant 0 : i32
        %dma_start3A_22 = tpu.memref_slice %arg4[%arg0, %arg1, %scan3A_14, %dma_start3A, %dma_start3A_21] : memref<2x16x20x16x64xi32, #tpu.memory_space<hbm>> -> memref<1x1x1x16x64xi32, #tpu.memory_space<hbm>>
        %dma_start3A_23 = tpu.memref_squeeze %dma_start3A_22 : memref<1x1x1x16x64xi32, #tpu.memory_space<hbm>> -> memref<16x64xi32, #tpu.memory_space<hbm>>
        %dma_start3A_24 = arith.constant 0 : i32
        %dma_start3A_25 = arith.constant 0 : i32
        %dma_start3A_26 = tpu.memref_slice %arg4[%arg0, %arg1, %scan3A_14, %dma_start3A_24, %dma_start3A_25] : memref<2x16x20x16x64xi32, #tpu.memory_space<hbm>> -> memref<1x1x1x16x64xi32, #tpu.memory_space<hbm>>
        %dma_start3A_27 = tpu.memref_squeeze %dma_start3A_26 : memref<1x1x1x16x64xi32, #tpu.memory_space<hbm>> -> memref<16x64xi32, #tpu.memory_space<hbm>>
        tpu.enqueue_dma source(%dma_start3A_27 : memref<16x64xi32, #tpu.memory_space<hbm>>) target(%arg8 : memref<16x64xi32, #tpu.memory_space<vmem>>) target_semaphore(%run_scoped3A : memref<!tpu.dma_semaphore, #tpu.memory_space<semaphore_mem>>)
        %dma_wait3A = arith.constant 0 : i32
        %dma_wait3A_28 = arith.constant 0 : i32
        %dma_wait3A_29 = tpu.memref_slice %arg4[%arg0, %arg1, %scan3A_14, %dma_wait3A, %dma_wait3A_28] : memref<2x16x20x16x64xi32, #tpu.memory_space<hbm>> -> memref<1x1x1x16x64xi32, #tpu.memory_space<hbm>>
        %dma_wait3A_30 = tpu.memref_squeeze %dma_wait3A_29 : memref<1x1x1x16x64xi32, #tpu.memory_space<hbm>> -> memref<16x64xi32, #tpu.memory_space<hbm>>
        %dma_wait3A_31 = arith.constant 0 : i32
        %dma_wait3A_32 = arith.constant 0 : i32
        %dma_wait3A_33 = tpu.memref_slice %arg4[%arg0, %arg1, %scan3A_14, %dma_wait3A_31, %dma_wait3A_32] : memref<2x16x20x16x64xi32, #tpu.memory_space<hbm>> -> memref<1x1x1x16x64xi32, #tpu.memory_space<hbm>>
        %dma_wait3A_34 = tpu.memref_squeeze %dma_wait3A_33 : memref<1x1x1x16x64xi32, #tpu.memory_space<hbm>> -> memref<16x64xi32, #tpu.memory_space<hbm>>
        tpu.wait_dma2 semaphore(%run_scoped3A : memref<!tpu.dma_semaphore, #tpu.memory_space<semaphore_mem>>) src(%dma_wait3A_34 : memref<16x64xi32, #tpu.memory_space<hbm>>) dst(%arg8 : memref<16x64xi32, #tpu.memory_space<vmem>>)
        tpu.yield
      }) : () -> ()
      %scan3A_15 = arith.constant 0 : i32
      %scan3A_16 = arith.constant 0 : i32
      %scan3A_17 = arith.constant 4 : i32
      %scan3A_18 = arith.addi %scan3A_16, %scan3A_17 : i32
      %scan3A_19 = arith.constant 1 : i32
      scf.for %scan3A_21 = %scan3A_16 to %scan3A_18 step %scan3A_19  : i32 {
        %mul3A_22 = arith.constant 4 : i32
        %mul3A_23 = arith.muli %mul3A_22, %scan3A_21 : i32
        %add3A_24 = arith.constant 0 : i32
        %add3A_25 = arith.addi %mul3A_23, %add3A_24 : i32
        %dma_start3A = arith.constant 0 : i32
        %dma_start3A_26 = tpu.memref_slice %arg7[%add3A_25, %dma_start3A] : memref<16x64xi32, #tpu.memory_space<vmem>> -> memref<1x64xi32, #tpu.memory_space<vmem>>
        %dma_start3A_27 = tpu.memref_squeeze %dma_start3A_26 : memref<1x64xi32, #tpu.memory_space<vmem>> -> memref<64xi32, #tpu.memory_space<vmem>>
        %dma_start3A_28 = arith.constant 0 : i32
        %dma_start3A_29 = arith.constant 0 : i32
        %dma_start3A_30 = tpu.memref_slice %arg2[%dma_start3A_28, %dma_start3A_29] : memref<20000x128xf32, #tpu.memory_space<hbm>> -> memref<20000x128xf32, #tpu.memory_space<hbm>>
        tpu.enqueue_indirect_dma source(%dma_start3A_30 : memref<20000x128xf32, #tpu.memory_space<hbm>>) target(%arg9 : memref<64x128xf32, #tpu.memory_space<vmem>>) offsets(%dma_start3A_27 : memref<64xi32, #tpu.memory_space<vmem>>) semaphore(%arg14 : memref<!tpu.dma_semaphore, #tpu.memory_space<semaphore_mem>>)
        %add3A_31 = arith.constant 1 : i32
        %add3A_32 = arith.addi %mul3A_23, %add3A_31 : i32
        %dma_start3A_33 = arith.constant 0 : i32
        %dma_start3A_34 = tpu.memref_slice %arg7[%add3A_32, %dma_start3A_33] : memref<16x64xi32, #tpu.memory_space<vmem>> -> memref<1x64xi32, #tpu.memory_space<vmem>>
        %dma_start3A_35 = tpu.memref_squeeze %dma_start3A_34 : memref<1x64xi32, #tpu.memory_space<vmem>> -> memref<64xi32, #tpu.memory_space<vmem>>
        %dma_start3A_36 = arith.constant 0 : i32
        %dma_start3A_37 = arith.constant 0 : i32
        %dma_start3A_38 = tpu.memref_slice %arg2[%dma_start3A_36, %dma_start3A_37] : memref<20000x128xf32, #tpu.memory_space<hbm>> -> memref<20000x128xf32, #tpu.memory_space<hbm>>
        tpu.enqueue_indirect_dma source(%dma_start3A_38 : memref<20000x128xf32, #tpu.memory_space<hbm>>) target(%arg10 : memref<64x128xf32, #tpu.memory_space<vmem>>) offsets(%dma_start3A_35 : memref<64xi32, #tpu.memory_space<vmem>>) semaphore(%arg15 : memref<!tpu.dma_semaphore, #tpu.memory_space<semaphore_mem>>)
        %add3A_39 = arith.constant 2 : i32
        %add3A_40 = arith.addi %mul3A_23, %add3A_39 : i32
        %dma_start3A_41 = arith.constant 0 : i32
        %dma_start3A_42 = tpu.memref_slice %arg7[%add3A_40, %dma_start3A_41] : memref<16x64xi32, #tpu.memory_space<vmem>> -> memref<1x64xi32, #tpu.memory_space<vmem>>
        %dma_start3A_43 = tpu.memref_squeeze %dma_start3A_42 : memref<1x64xi32, #tpu.memory_space<vmem>> -> memref<64xi32, #tpu.memory_space<vmem>>
        %dma_start3A_44 = arith.constant 0 : i32
        %dma_start3A_45 = arith.constant 0 : i32
        %dma_start3A_46 = tpu.memref_slice %arg2[%dma_start3A_44, %dma_start3A_45] : memref<20000x128xf32, #tpu.memory_space<hbm>> -> memref<20000x128xf32, #tpu.memory_space<hbm>>
        tpu.enqueue_indirect_dma source(%dma_start3A_46 : memref<20000x128xf32, #tpu.memory_space<hbm>>) target(%arg11 : memref<64x128xf32, #tpu.memory_space<vmem>>) offsets(%dma_start3A_43 : memref<64xi32, #tpu.memory_space<vmem>>) semaphore(%arg16 : memref<!tpu.dma_semaphore, #tpu.memory_space<semaphore_mem>>)
        %add3A_47 = arith.constant 3 : i32
        %add3A_48 = arith.addi %mul3A_23, %add3A_47 : i32
        %dma_start3A_49 = arith.constant 0 : i32
        %dma_start3A_50 = tpu.memref_slice %arg7[%add3A_48, %dma_start3A_49] : memref<16x64xi32, #tpu.memory_space<vmem>> -> memref<1x64xi32, #tpu.memory_space<vmem>>
        %dma_start3A_51 = tpu.memref_squeeze %dma_start3A_50 : memref<1x64xi32, #tpu.memory_space<vmem>> -> memref<64xi32, #tpu.memory_space<vmem>>
        %dma_start3A_52 = arith.constant 0 : i32
        %dma_start3A_53 = arith.constant 0 : i32
        %dma_start3A_54 = tpu.memref_slice %arg2[%dma_start3A_52, %dma_start3A_53] : memref<20000x128xf32, #tpu.memory_space<hbm>> -> memref<20000x128xf32, #tpu.memory_space<hbm>>
        tpu.enqueue_indirect_dma source(%dma_start3A_54 : memref<20000x128xf32, #tpu.memory_space<hbm>>) target(%arg12 : memref<64x128xf32, #tpu.memory_space<vmem>>) offsets(%dma_start3A_51 : memref<64xi32, #tpu.memory_space<vmem>>) semaphore(%arg17 : memref<!tpu.dma_semaphore, #tpu.memory_space<semaphore_mem>>)
        %dma_wait3A = arith.constant 0 : i32
        %dma_wait3A_55 = tpu.memref_slice %arg7[%add3A_25, %dma_wait3A] : memref<16x64xi32, #tpu.memory_space<vmem>> -> memref<1x64xi32, #tpu.memory_space<vmem>>
        %dma_wait3A_56 = tpu.memref_squeeze %dma_wait3A_55 : memref<1x64xi32, #tpu.memory_space<vmem>> -> memref<64xi32, #tpu.memory_space<vmem>>
        %dma_wait3A_57 = arith.constant 0 : i32
        %dma_wait3A_58 = arith.constant 0 : i32
        %dma_wait3A_59 = tpu.memref_slice %arg2[%dma_wait3A_57, %dma_wait3A_58] : memref<20000x128xf32, #tpu.memory_space<hbm>> -> memref<20000x128xf32, #tpu.memory_space<hbm>>
        tpu.wait_indirect_dma semaphore(%arg14 : memref<!tpu.dma_semaphore, #tpu.memory_space<semaphore_mem>>) src(%dma_wait3A_59 : memref<20000x128xf32, #tpu.memory_space<hbm>>) dst(%arg9 : memref<64x128xf32, #tpu.memory_space<vmem>>)
        %add3A_60 = arith.constant 0 : i32
        %add3A_61 = arith.addi %mul3A_23, %add3A_60 : i32
        %dma_start3A_62 = arith.constant 0 : i32
        %dma_start3A_63 = tpu.memref_slice %arg8[%add3A_61, %dma_start3A_62] : memref<16x64xi32, #tpu.memory_space<vmem>> -> memref<1x64xi32, #tpu.memory_space<vmem>>
        %dma_start3A_64 = tpu.memref_squeeze %dma_start3A_63 : memref<1x64xi32, #tpu.memory_space<vmem>> -> memref<64xi32, #tpu.memory_space<vmem>>
        %dma_start3A_65 = arith.constant 0 : i32
        %dma_start3A_66 = arith.constant 0 : i32
        %dma_start3A_67 = tpu.memref_slice %arg13[%dma_start3A_65, %dma_start3A_66] : memref<10240x128xf32, #tpu.memory_space<vmem_shared>> -> memref<10240x128xf32, #tpu.memory_space<vmem_shared>>
        tpu.enqueue_indirect_dma source(%arg9 : memref<64x128xf32, #tpu.memory_space<vmem>>) target(%dma_start3A_67 : memref<10240x128xf32, #tpu.memory_space<vmem_shared>>) offsets(%dma_start3A_64 : memref<64xi32, #tpu.memory_space<vmem>>) semaphore(%arg18 : memref<!tpu.dma_semaphore, #tpu.memory_space<semaphore_mem>>) {add = true}
        %dma_wait3A_68 = arith.constant 0 : i32
        %dma_wait3A_69 = tpu.memref_slice %arg7[%add3A_32, %dma_wait3A_68] : memref<16x64xi32, #tpu.memory_space<vmem>> -> memref<1x64xi32, #tpu.memory_space<vmem>>
        %dma_wait3A_70 = tpu.memref_squeeze %dma_wait3A_69 : memref<1x64xi32, #tpu.memory_space<vmem>> -> memref<64xi32, #tpu.memory_space<vmem>>
        %dma_wait3A_71 = arith.constant 0 : i32
        %dma_wait3A_72 = arith.constant 0 : i32
        %dma_wait3A_73 = tpu.memref_slice %arg2[%dma_wait3A_71, %dma_wait3A_72] : memref<20000x128xf32, #tpu.memory_space<hbm>> -> memref<20000x128xf32, #tpu.memory_space<hbm>>
        tpu.wait_indirect_dma semaphore(%arg15 : memref<!tpu.dma_semaphore, #tpu.memory_space<semaphore_mem>>) src(%dma_wait3A_73 : memref<20000x128xf32, #tpu.memory_space<hbm>>) dst(%arg10 : memref<64x128xf32, #tpu.memory_space<vmem>>)
        %add3A_74 = arith.constant 1 : i32
        %add3A_75 = arith.addi %mul3A_23, %add3A_74 : i32
        %dma_start3A_76 = arith.constant 0 : i32
        %dma_start3A_77 = tpu.memref_slice %arg8[%add3A_75, %dma_start3A_76] : memref<16x64xi32, #tpu.memory_space<vmem>> -> memref<1x64xi32, #tpu.memory_space<vmem>>
        %dma_start3A_78 = tpu.memref_squeeze %dma_start3A_77 : memref<1x64xi32, #tpu.memory_space<vmem>> -> memref<64xi32, #tpu.memory_space<vmem>>
        %dma_start3A_79 = arith.constant 0 : i32
        %dma_start3A_80 = arith.constant 0 : i32
        %dma_start3A_81 = tpu.memref_slice %arg13[%dma_start3A_79, %dma_start3A_80] : memref<10240x128xf32, #tpu.memory_space<vmem_shared>> -> memref<10240x128xf32, #tpu.memory_space<vmem_shared>>
        tpu.enqueue_indirect_dma source(%arg10 : memref<64x128xf32, #tpu.memory_space<vmem>>) target(%dma_start3A_81 : memref<10240x128xf32, #tpu.memory_space<vmem_shared>>) offsets(%dma_start3A_78 : memref<64xi32, #tpu.memory_space<vmem>>) semaphore(%arg19 : memref<!tpu.dma_semaphore, #tpu.memory_space<semaphore_mem>>) {add = true}
        %dma_wait3A_82 = arith.constant 0 : i32
        %dma_wait3A_83 = tpu.memref_slice %arg7[%add3A_40, %dma_wait3A_82] : memref<16x64xi32, #tpu.memory_space<vmem>> -> memref<1x64xi32, #tpu.memory_space<vmem>>
        %dma_wait3A_84 = tpu.memref_squeeze %dma_wait3A_83 : memref<1x64xi32, #tpu.memory_space<vmem>> -> memref<64xi32, #tpu.memory_space<vmem>>
        %dma_wait3A_85 = arith.constant 0 : i32
        %dma_wait3A_86 = arith.constant 0 : i32
        %dma_wait3A_87 = tpu.memref_slice %arg2[%dma_wait3A_85, %dma_wait3A_86] : memref<20000x128xf32, #tpu.memory_space<hbm>> -> memref<20000x128xf32, #tpu.memory_space<hbm>>
        tpu.wait_indirect_dma semaphore(%arg16 : memref<!tpu.dma_semaphore, #tpu.memory_space<semaphore_mem>>) src(%dma_wait3A_87 : memref<20000x128xf32, #tpu.memory_space<hbm>>) dst(%arg11 : memref<64x128xf32, #tpu.memory_space<vmem>>)
        %add3A_88 = arith.constant 2 : i32
        %add3A_89 = arith.addi %mul3A_23, %add3A_88 : i32
        %dma_start3A_90 = arith.constant 0 : i32
        %dma_start3A_91 = tpu.memref_slice %arg8[%add3A_89, %dma_start3A_90] : memref<16x64xi32, #tpu.memory_space<vmem>> -> memref<1x64xi32, #tpu.memory_space<vmem>>
        %dma_start3A_92 = tpu.memref_squeeze %dma_start3A_91 : memref<1x64xi32, #tpu.memory_space<vmem>> -> memref<64xi32, #tpu.memory_space<vmem>>
        %dma_start3A_93 = arith.constant 0 : i32
        %dma_start3A_94 = arith.constant 0 : i32
        %dma_start3A_95 = tpu.memref_slice %arg13[%dma_start3A_93, %dma_start3A_94] : memref<10240x128xf32, #tpu.memory_space<vmem_shared>> -> memref<10240x128xf32, #tpu.memory_space<vmem_shared>>
        tpu.enqueue_indirect_dma source(%arg11 : memref<64x128xf32, #tpu.memory_space<vmem>>) target(%dma_start3A_95 : memref<10240x128xf32, #tpu.memory_space<vmem_shared>>) offsets(%dma_start3A_92 : memref<64xi32, #tpu.memory_space<vmem>>) semaphore(%arg20 : memref<!tpu.dma_semaphore, #tpu.memory_space<semaphore_mem>>) {add = true}
        %dma_wait3A_96 = arith.constant 0 : i32
        %dma_wait3A_97 = tpu.memref_slice %arg7[%add3A_48, %dma_wait3A_96] : memref<16x64xi32, #tpu.memory_space<vmem>> -> memref<1x64xi32, #tpu.memory_space<vmem>>
        %dma_wait3A_98 = tpu.memref_squeeze %dma_wait3A_97 : memref<1x64xi32, #tpu.memory_space<vmem>> -> memref<64xi32, #tpu.memory_space<vmem>>
        %dma_wait3A_99 = arith.constant 0 : i32
        %dma_wait3A_100 = arith.constant 0 : i32
        %dma_wait3A_101 = tpu.memref_slice %arg2[%dma_wait3A_99, %dma_wait3A_100] : memref<20000x128xf32, #tpu.memory_space<hbm>> -> memref<20000x128xf32, #tpu.memory_space<hbm>>
        tpu.wait_indirect_dma semaphore(%arg17 : memref<!tpu.dma_semaphore, #tpu.memory_space<semaphore_mem>>) src(%dma_wait3A_101 : memref<20000x128xf32, #tpu.memory_space<hbm>>) dst(%arg12 : memref<64x128xf32, #tpu.memory_space<vmem>>)
        %add3A_102 = arith.constant 3 : i32
        %add3A_103 = arith.addi %mul3A_23, %add3A_102 : i32
        %dma_start3A_104 = arith.constant 0 : i32
        %dma_start3A_105 = tpu.memref_slice %arg8[%add3A_103, %dma_start3A_104] : memref<16x64xi32, #tpu.memory_space<vmem>> -> memref<1x64xi32, #tpu.memory_space<vmem>>
        %dma_start3A_106 = tpu.memref_squeeze %dma_start3A_105 : memref<1x64xi32, #tpu.memory_space<vmem>> -> memref<64xi32, #tpu.memory_space<vmem>>
        %dma_start3A_107 = arith.constant 0 : i32
        %dma_start3A_108 = arith.constant 0 : i32
        %dma_start3A_109 = tpu.memref_slice %arg13[%dma_start3A_107, %dma_start3A_108] : memref<10240x128xf32, #tpu.memory_space<vmem_shared>> -> memref<10240x128xf32, #tpu.memory_space<vmem_shared>>
        tpu.enqueue_indirect_dma source(%arg12 : memref<64x128xf32, #tpu.memory_space<vmem>>) target(%dma_start3A_109 : memref<10240x128xf32, #tpu.memory_space<vmem_shared>>) offsets(%dma_start3A_106 : memref<64xi32, #tpu.memory_space<vmem>>) semaphore(%arg21 : memref<!tpu.dma_semaphore, #tpu.memory_space<semaphore_mem>>) {add = true}
        %dma_wait3A_110 = arith.constant 0 : i32
        %dma_wait3A_111 = tpu.memref_slice %arg8[%add3A_61, %dma_wait3A_110] : memref<16x64xi32, #tpu.memory_space<vmem>> -> memref<1x64xi32, #tpu.memory_space<vmem>>
        %dma_wait3A_112 = tpu.memref_squeeze %dma_wait3A_111 : memref<1x64xi32, #tpu.memory_space<vmem>> -> memref<64xi32, #tpu.memory_space<vmem>>
        %dma_wait3A_113 = arith.constant 0 : i32
        %dma_wait3A_114 = arith.constant 0 : i32
        %dma_wait3A_115 = tpu.memref_slice %arg13[%dma_wait3A_113, %dma_wait3A_114] : memref<10240x128xf32, #tpu.memory_space<vmem_shared>> -> memref<10240x128xf32, #tpu.memory_space<vmem_shared>>
        tpu.wait_indirect_dma semaphore(%arg18 : memref<!tpu.dma_semaphore, #tpu.memory_space<semaphore_mem>>) src(%arg9 : memref<64x128xf32, #tpu.memory_space<vmem>>) dst(%dma_wait3A_115 : memref<10240x128xf32, #tpu.memory_space<vmem_shared>>)
        %dma_wait3A_116 = arith.constant 0 : i32
        %dma_wait3A_117 = tpu.memref_slice %arg8[%add3A_75, %dma_wait3A_116] : memref<16x64xi32, #tpu.memory_space<vmem>> -> memref<1x64xi32, #tpu.memory_space<vmem>>
        %dma_wait3A_118 = tpu.memref_squeeze %dma_wait3A_117 : memref<1x64xi32, #tpu.memory_space<vmem>> -> memref<64xi32, #tpu.memory_space<vmem>>
        %dma_wait3A_119 = arith.constant 0 : i32
        %dma_wait3A_120 = arith.constant 0 : i32
        %dma_wait3A_121 = tpu.memref_slice %arg13[%dma_wait3A_119, %dma_wait3A_120] : memref<10240x128xf32, #tpu.memory_space<vmem_shared>> -> memref<10240x128xf32, #tpu.memory_space<vmem_shared>>
        tpu.wait_indirect_dma semaphore(%arg19 : memref<!tpu.dma_semaphore, #tpu.memory_space<semaphore_mem>>) src(%arg10 : memref<64x128xf32, #tpu.memory_space<vmem>>) dst(%dma_wait3A_121 : memref<10240x128xf32, #tpu.memory_space<vmem_shared>>)
        %dma_wait3A_122 = arith.constant 0 : i32
        %dma_wait3A_123 = tpu.memref_slice %arg8[%add3A_89, %dma_wait3A_122] : memref<16x64xi32, #tpu.memory_space<vmem>> -> memref<1x64xi32, #tpu.memory_space<vmem>>
        %dma_wait3A_124 = tpu.memref_squeeze %dma_wait3A_123 : memref<1x64xi32, #tpu.memory_space<vmem>> -> memref<64xi32, #tpu.memory_space<vmem>>
        %dma_wait3A_125 = arith.constant 0 : i32
        %dma_wait3A_126 = arith.constant 0 : i32
        %dma_wait3A_127 = tpu.memref_slice %arg13[%dma_wait3A_125, %dma_wait3A_126] : memref<10240x128xf32, #tpu.memory_space<vmem_shared>> -> memref<10240x128xf32, #tpu.memory_space<vmem_shared>>
        tpu.wait_indirect_dma semaphore(%arg20 : memref<!tpu.dma_semaphore, #tpu.memory_space<semaphore_mem>>) src(%arg11 : memref<64x128xf32, #tpu.memory_space<vmem>>) dst(%dma_wait3A_127 : memref<10240x128xf32, #tpu.memory_space<vmem_shared>>)
        %dma_wait3A_128 = arith.constant 0 : i32
        %dma_wait3A_129 = tpu.memref_slice %arg8[%add3A_103, %dma_wait3A_128] : memref<16x64xi32, #tpu.memory_space<vmem>> -> memref<1x64xi32, #tpu.memory_space<vmem>>
        %dma_wait3A_130 = tpu.memref_squeeze %dma_wait3A_129 : memref<1x64xi32, #tpu.memory_space<vmem>> -> memref<64xi32, #tpu.memory_space<vmem>>
        %dma_wait3A_131 = arith.constant 0 : i32
        %dma_wait3A_132 = arith.constant 0 : i32
        %dma_wait3A_133 = tpu.memref_slice %arg13[%dma_wait3A_131, %dma_wait3A_132] : memref<10240x128xf32, #tpu.memory_space<vmem_shared>> -> memref<10240x128xf32, #tpu.memory_space<vmem_shared>>
        tpu.wait_indirect_dma semaphore(%arg21 : memref<!tpu.dma_semaphore, #tpu.memory_space<semaphore_mem>>) src(%arg12 : memref<64x128xf32, #tpu.memory_space<vmem>>) dst(%dma_wait3A_133 : memref<10240x128xf32, #tpu.memory_space<vmem_shared>>)
      }
      %scan3A_20 = arith.constant 4 : i32
    }
    %scan3A_5 = arith.constant 20 : i32
    %barrier3A_6 = arith.constant 0 : index
    tpu.barrier barrier_id(%barrier3A_6)
    %mul3A_7 = arith.constant 624 : i32
    %mul3A_8 = arith.muli %arg1, %mul3A_7 : i32
    %multiple_of3A_9 = tpu.assume_multiple %mul3A_8, 16 : i32
    %mul3A_10 = arith.constant 10000 : i32
    %mul3A_11 = arith.muli %arg0, %mul3A_10 : i32
    %add3A = arith.addi %mul3A_11, %multiple_of3A_9 : i32
    "tpu.region"() ({
      %run_scoped3A = tpu.sem_alloc : memref<!tpu.dma_semaphore, #tpu.memory_space<semaphore_mem>>
      %dma_start3A = arith.constant 0 : i32
      %dma_start3A_14 = tpu.memref_slice %arg6[%add3A, %dma_start3A] : memref<20000x128xf32, #tpu.memory_space<hbm>> -> memref<624x128xf32, #tpu.memory_space<hbm>>
      %dma_start3A_15 = arith.constant 0 : i32
      %dma_start3A_16 = tpu.memref_slice %arg13[%multiple_of3A_9, %dma_start3A_15] : memref<10240x128xf32, #tpu.memory_space<vmem_shared>> -> memref<624x128xf32, #tpu.memory_space<vmem_shared>>
      tpu.enqueue_dma source(%dma_start3A_16 : memref<624x128xf32, #tpu.memory_space<vmem_shared>>) target(%dma_start3A_14 : memref<624x128xf32, #tpu.memory_space<hbm>>) target_semaphore(%run_scoped3A : memref<!tpu.dma_semaphore, #tpu.memory_space<semaphore_mem>>)
      %dma_wait3A = arith.constant 0 : i32
      %dma_wait3A_17 = tpu.memref_slice %arg6[%add3A, %dma_wait3A] : memref<20000x128xf32, #tpu.memory_space<hbm>> -> memref<624x128xf32, #tpu.memory_space<hbm>>
      %dma_wait3A_18 = arith.constant 0 : i32
      %dma_wait3A_19 = tpu.memref_slice %arg13[%multiple_of3A_9, %dma_wait3A_18] : memref<10240x128xf32, #tpu.memory_space<vmem_shared>> -> memref<624x128xf32, #tpu.memory_space<vmem_shared>>
      tpu.wait_dma2 semaphore(%run_scoped3A : memref<!tpu.dma_semaphore, #tpu.memory_space<semaphore_mem>>) src(%dma_wait3A_19 : memref<624x128xf32, #tpu.memory_space<vmem_shared>>) dst(%dma_wait3A_17 : memref<624x128xf32, #tpu.memory_space<hbm>>)
      tpu.yield
    }) : () -> ()
    %eq3A = arith.constant 0 : i32
    %eq3A_12 = arith.cmpi eq, %arg1, %eq3A : i32
    %convert_element_type3A = arith.extui %eq3A_12 : i1 to i32
    %cond3A = arith.constant 0 : i32
    %cond3A_13 = arith.cmpi ne, %convert_element_type3A, %cond3A : i32
    scf.if %cond3A_13 {
      %mul3A_14 = arith.constant 10000 : i32
      %mul3A_15 = arith.muli %arg0, %mul3A_14 : i32
      %add3A_16 = arith.constant 9984 : i32
      %add3A_17 = arith.addi %mul3A_15, %add3A_16 : i32
      "tpu.region"() ({
        %run_scoped3A = tpu.sem_alloc : memref<!tpu.dma_semaphore, #tpu.memory_space<semaphore_mem>>
        %dma_start3A = arith.constant 0 : i32
        %dma_start3A_18 = tpu.memref_slice %arg6[%add3A_17, %dma_start3A] : memref<20000x128xf32, #tpu.memory_space<hbm>> -> memref<16x128xf32, #tpu.memory_space<hbm>>
        %dma_start3A_19 = arith.constant 9984 : i32
        %dma_start3A_20 = arith.constant 0 : i32
        %dma_start3A_21 = tpu.memref_slice %arg13[%dma_start3A_19, %dma_start3A_20] : memref<10240x128xf32, #tpu.memory_space<vmem_shared>> -> memref<16x128xf32, #tpu.memory_space<vmem_shared>>
        tpu.enqueue_dma source(%dma_start3A_21 : memref<16x128xf32, #tpu.memory_space<vmem_shared>>) target(%dma_start3A_18 : memref<16x128xf32, #tpu.memory_space<hbm>>) target_semaphore(%run_scoped3A : memref<!tpu.dma_semaphore, #tpu.memory_space<semaphore_mem>>)
        %dma_wait3A = arith.constant 0 : i32
        %dma_wait3A_22 = tpu.memref_slice %arg6[%add3A_17, %dma_wait3A] : memref<20000x128xf32, #tpu.memory_space<hbm>> -> memref<16x128xf32, #tpu.memory_space<hbm>>
        %dma_wait3A_23 = arith.constant 9984 : i32
        %dma_wait3A_24 = arith.constant 0 : i32
        %dma_wait3A_25 = tpu.memref_slice %arg13[%dma_wait3A_23, %dma_wait3A_24] : memref<10240x128xf32, #tpu.memory_space<vmem_shared>> -> memref<16x128xf32, #tpu.memory_space<vmem_shared>>
        tpu.wait_dma2 semaphore(%run_scoped3A : memref<!tpu.dma_semaphore, #tpu.memory_space<semaphore_mem>>) src(%dma_wait3A_25 : memref<16x128xf32, #tpu.memory_space<vmem_shared>>) dst(%dma_wait3A_22 : memref<16x128xf32, #tpu.memory_space<hbm>>)
        tpu.yield
      }) : () -> ()
    } else {
    }
    return
  }
}

#map = affine_map<(d0, d1) -> (0, 0)>
#map1 = affine_map<(d0, d1) -> (0)>
module attributes {stable_mosaic.version = 14 : i64} {
  func.func @_rootgather_body(%arg0: i32, %arg1: i32, %arg2: memref<20000x128xf32, #tpu.memory_space<hbm>>, %arg3: memref<1792xi32, #tpu.memory_space<hbm>>, %arg4: memref<1792x128xf32, #tpu.memory_space<hbm>>, %arg5: memref<56xi32, #tpu.memory_space<vmem>>, %arg6: memref<56x128xf32, #tpu.memory_space<vmem>>, %arg7: memref<!tpu.dma_semaphore, #tpu.memory_space<semaphore_mem>>) attributes {dimension_semantics = [#tpu.dimension_semantics<core_parallel>, #tpu.dimension_semantics<subcore_parallel>], iteration_bounds = array<i64: 2, 16>, scalar_prefetch = 0 : i64, scratch_operands = 3 : i64, tpu.core_type = #tpu.core_type<sc_vector_subcore>, window_params = [{transform_indices = #map}, {transform_indices = #map1}, {transform_indices = #map}]} {
    %mul3A = arith.constant 2 : i32
    %mul3A_0 = arith.muli %arg1, %mul3A : i32
    %add3A = arith.addi %mul3A_0, %arg0 : i32
    %mul3A_1 = arith.constant 56 : i32
    %mul3A_2 = arith.muli %add3A, %mul3A_1 : i32
    %multiple_of3A = tpu.assume_multiple %mul3A_2, 8 : i32
    "tpu.region"() ({
      %run_scoped3A = tpu.sem_alloc : memref<!tpu.dma_semaphore, #tpu.memory_space<semaphore_mem>>
      %dma_start3A_7 = tpu.memref_slice %arg3[%multiple_of3A] : memref<1792xi32, #tpu.memory_space<hbm>> -> memref<56xi32, #tpu.memory_space<hbm>>
      %dma_start3A_8 = tpu.memref_slice %arg3[%multiple_of3A] : memref<1792xi32, #tpu.memory_space<hbm>> -> memref<56xi32, #tpu.memory_space<hbm>>
      tpu.enqueue_dma source(%dma_start3A_8 : memref<56xi32, #tpu.memory_space<hbm>>) target(%arg5 : memref<56xi32, #tpu.memory_space<vmem>>) target_semaphore(%run_scoped3A : memref<!tpu.dma_semaphore, #tpu.memory_space<semaphore_mem>>)
      %dma_wait3A_9 = tpu.memref_slice %arg3[%multiple_of3A] : memref<1792xi32, #tpu.memory_space<hbm>> -> memref<56xi32, #tpu.memory_space<hbm>>
      %dma_wait3A_10 = tpu.memref_slice %arg3[%multiple_of3A] : memref<1792xi32, #tpu.memory_space<hbm>> -> memref<56xi32, #tpu.memory_space<hbm>>
      tpu.wait_dma2 semaphore(%run_scoped3A : memref<!tpu.dma_semaphore, #tpu.memory_space<semaphore_mem>>) src(%dma_wait3A_10 : memref<56xi32, #tpu.memory_space<hbm>>) dst(%arg5 : memref<56xi32, #tpu.memory_space<vmem>>)
      tpu.yield
    }) : () -> ()
    %dma_start3A = arith.constant 0 : i32
    %dma_start3A_3 = arith.constant 0 : i32
    %dma_start3A_4 = tpu.memref_slice %arg2[%dma_start3A, %dma_start3A_3] : memref<20000x128xf32, #tpu.memory_space<hbm>> -> memref<20000x128xf32, #tpu.memory_space<hbm>>
    tpu.enqueue_indirect_dma source(%dma_start3A_4 : memref<20000x128xf32, #tpu.memory_space<hbm>>) target(%arg6 : memref<56x128xf32, #tpu.memory_space<vmem>>) offsets(%arg5 : memref<56xi32, #tpu.memory_space<vmem>>) semaphore(%arg7 : memref<!tpu.dma_semaphore, #tpu.memory_space<semaphore_mem>>)
    %dma_wait3A = arith.constant 0 : i32
    %dma_wait3A_5 = arith.constant 0 : i32
    %dma_wait3A_6 = tpu.memref_slice %arg2[%dma_wait3A, %dma_wait3A_5] : memref<20000x128xf32, #tpu.memory_space<hbm>> -> memref<20000x128xf32, #tpu.memory_space<hbm>>
    tpu.wait_indirect_dma semaphore(%arg7 : memref<!tpu.dma_semaphore, #tpu.memory_space<semaphore_mem>>) src(%dma_wait3A_6 : memref<20000x128xf32, #tpu.memory_space<hbm>>) dst(%arg6 : memref<56x128xf32, #tpu.memory_space<vmem>>)
    "tpu.region"() ({
      %run_scoped3A = tpu.sem_alloc : memref<!tpu.dma_semaphore, #tpu.memory_space<semaphore_mem>>
      %dma_start3A_7 = arith.constant 0 : i32
      %dma_start3A_8 = tpu.memref_slice %arg4[%multiple_of3A, %dma_start3A_7] : memref<1792x128xf32, #tpu.memory_space<hbm>> -> memref<56x128xf32, #tpu.memory_space<hbm>>
      %dma_start3A_9 = arith.constant 0 : i32
      %dma_start3A_10 = tpu.memref_slice %arg4[%multiple_of3A, %dma_start3A_9] : memref<1792x128xf32, #tpu.memory_space<hbm>> -> memref<56x128xf32, #tpu.memory_space<hbm>>
      tpu.enqueue_dma source(%arg6 : memref<56x128xf32, #tpu.memory_space<vmem>>) target(%dma_start3A_10 : memref<56x128xf32, #tpu.memory_space<hbm>>) target_semaphore(%run_scoped3A : memref<!tpu.dma_semaphore, #tpu.memory_space<semaphore_mem>>)
      %dma_wait3A_11 = arith.constant 0 : i32
      %dma_wait3A_12 = tpu.memref_slice %arg4[%multiple_of3A, %dma_wait3A_11] : memref<1792x128xf32, #tpu.memory_space<hbm>> -> memref<56x128xf32, #tpu.memory_space<hbm>>
      %dma_wait3A_13 = arith.constant 0 : i32
      %dma_wait3A_14 = tpu.memref_slice %arg4[%multiple_of3A, %dma_wait3A_13] : memref<1792x128xf32, #tpu.memory_space<hbm>> -> memref<56x128xf32, #tpu.memory_space<hbm>>
      tpu.wait_dma2 semaphore(%run_scoped3A : memref<!tpu.dma_semaphore, #tpu.memory_space<semaphore_mem>>) src(%arg6 : memref<56x128xf32, #tpu.memory_space<vmem>>) dst(%dma_wait3A_14 : memref<56x128xf32, #tpu.memory_space<hbm>>)
      tpu.yield
    }) : () -> ()
    return
  }
}

module attributes {stable_mosaic.version = 14 : i64} {
  func.func @_embed_body(%arg0: i32, %arg1: memref<1x2000x1xi32, #tpu.memory_space<vmem>>, %arg2: memref<64x128xf32, #tpu.memory_space<vmem>>, %arg3: memref<2000x128xf32, #tpu.memory_space<vmem>>) attributes {dimension_semantics = [#tpu.dimension_semantics<arbitrary>], iteration_bounds = array<i64: 10>, scalar_prefetch = 0 : i64, scratch_operands = 0 : i64, tpu.core_type = #tpu.core_type<tc>, window_params = [{transform_indices = @transform_0, window_bounds = array<i64: 1, 2000, 1>}, {pipeline_mode = #tpu.pipeline_mode<synchronous>, transform_indices = @transform_1, window_bounds = array<i64: 64, 128>}, {transform_indices = @transform_2, window_bounds = array<i64: 2000, 128>}]} {
    %get3A = arith.constant 0 : index
    %get3A_0 = arith.constant 0 : index
    %get3A_1 = arith.constant 0 : index
    %get3A_2 = vector.load %arg1[%get3A, %get3A_0, %get3A_1] : memref<1x2000x1xi32, #tpu.memory_space<vmem>>, vector<1x2000x1xi32>
    %get3A_3 = vector.shape_cast %get3A_2 : vector<1x2000x1xi32> to vector<2000x1xi32>
    %iota3A = tpu.iota {dimensions = array<i32: 1>} : vector<2000x64xi32>
    %eq3A = vector.broadcast %get3A_3 : vector<2000x1xi32> to vector<2000x64xi32>
    %eq3A_4 = arith.cmpi eq, %eq3A, %iota3A : vector<2000x64xi32>
    %convert_element_type3A = arith.extui %eq3A_4 : vector<2000x64xi1> to vector<2000x64xi32>
    %convert_element_type3A_5 = arith.sitofp %convert_element_type3A : vector<2000x64xi32> to vector<2000x64xf32>
    %get3A_6 = arith.constant 0 : index
    %get3A_7 = arith.constant 0 : index
    %get3A_8 = vector.load %arg2[%get3A_6, %get3A_7] : memref<64x128xf32, #tpu.memory_space<vmem>>, vector<64x128xf32>
    %dot_general3A = arith.constant dense<0.000000e+00> : vector<2000x128xf32>
    %dot_general3A_9 = tpu.matmul %convert_element_type3A_5, %get3A_8, %dot_general3A {dimension_numbers = #tpu.dot_dimension_numbers<[1], [0], [0], [1], [0, 0, 1, 1], [], []>, transpose_lhs_hint = false} : vector<2000x64xf32>, vector<64x128xf32>, vector<2000x128xf32> -> vector<2000x128xf32>
    %swap3A = arith.constant 0 : index
    %swap3A_10 = arith.constant 0 : index
    %swap3A_11 = vector.load %arg3[%swap3A, %swap3A_10] : memref<2000x128xf32, #tpu.memory_space<vmem>>, vector<2000x128xf32>
    tpu.vector_store %arg3[%swap3A, %swap3A_10], %dot_general3A_9 {strides = array<i32>} : memref<2000x128xf32, #tpu.memory_space<vmem>>, vector<2000x128xf32>,
    return
  }
  func.func @transform_0(%arg0: i32) -> (i32, i32, i32) {
    %c0_i32 = arith.constant 0 : i32
    %c0_i32_0 = arith.constant 0 : i32
    %c0_i32_1 = arith.constant 0 : i32
    return %arg0, %c0_i32, %c0_i32_0 : i32, i32, i32
  }
  func.func @transform_1(%arg0: i32) -> (i32, i32) {
    %c0_i32 = arith.constant 0 : i32
    %c0_i32_0 = arith.constant 0 : i32
    %c0_i32_1 = arith.constant 0 : i32
    return %c0_i32, %c0_i32_0 : i32, i32
  }
  func.func @transform_2(%arg0: i32) -> (i32, i32) {
    %c0_i32 = arith.constant 0 : i32
    %c0_i32_0 = arith.constant 0 : i32
    return %arg0, %c0_i32 : i32, i32
  }
}

module attributes {stable_mosaic.version = 14 : i64} {
  func.func @_dense_body(%arg0: i32, %arg1: memref<2000x128xf32, #tpu.memory_space<vmem>>, %arg2: memref<2000x128xf32, #tpu.memory_space<vmem>>, %arg3: memref<128x128xf32, #tpu.memory_space<vmem>>, %arg4: memref<128x128xf32, #tpu.memory_space<vmem>>, %arg5: memref<1x128xf32, #tpu.memory_space<vmem>>, %arg6: memref<2000x128xf32, #tpu.memory_space<vmem>>) attributes {dimension_semantics = [#tpu.dimension_semantics<arbitrary>], iteration_bounds = array<i64: 10>, scalar_prefetch = 0 : i64, scratch_operands = 0 : i64, tpu.core_type = #tpu.core_type<tc>, window_params = [{transform_indices = @transform_0, window_bounds = array<i64: 2000, 128>}, {transform_indices = @transform_1, window_bounds = array<i64: 2000, 128>}, {pipeline_mode = #tpu.pipeline_mode<synchronous>, transform_indices = @transform_2, window_bounds = array<i64: 128, 128>}, {pipeline_mode = #tpu.pipeline_mode<synchronous>, transform_indices = @transform_3, window_bounds = array<i64: 128, 128>}, {pipeline_mode = #tpu.pipeline_mode<synchronous>, transform_indices = @transform_4, window_bounds = array<i64: 1, 128>}, {transform_indices = @transform_5, window_bounds = array<i64: 2000, 128>}]} {
    %get3A = arith.constant 0 : index
    %get3A_0 = arith.constant 0 : index
    %get3A_1 = vector.load %arg1[%get3A, %get3A_0] : memref<2000x128xf32, #tpu.memory_space<vmem>>, vector<2000x128xf32>
    %get3A_2 = arith.constant 0 : index
    %get3A_3 = arith.constant 0 : index
    %get3A_4 = vector.load %arg3[%get3A_2, %get3A_3] : memref<128x128xf32, #tpu.memory_space<vmem>>, vector<128x128xf32>
    %dot_general3A = arith.constant dense<0.000000e+00> : vector<2000x128xf32>
    %dot_general3A_5 = tpu.matmul %get3A_1, %get3A_4, %dot_general3A {dimension_numbers = #tpu.dot_dimension_numbers<[1], [0], [0], [1], [0, 0, 1, 1], [], []>, transpose_lhs_hint = false} : vector<2000x128xf32>, vector<128x128xf32>, vector<2000x128xf32> -> vector<2000x128xf32>
    %get3A_6 = arith.constant 0 : index
    %get3A_7 = arith.constant 0 : index
    %get3A_8 = vector.load %arg2[%get3A_6, %get3A_7] : memref<2000x128xf32, #tpu.memory_space<vmem>>, vector<2000x128xf32>
    %get3A_9 = arith.constant 0 : index
    %get3A_10 = arith.constant 0 : index
    %get3A_11 = vector.load %arg4[%get3A_9, %get3A_10] : memref<128x128xf32, #tpu.memory_space<vmem>>, vector<128x128xf32>
    %dot_general3A_12 = arith.constant dense<0.000000e+00> : vector<2000x128xf32>
    %dot_general3A_13 = tpu.matmul %get3A_8, %get3A_11, %dot_general3A_12 {dimension_numbers = #tpu.dot_dimension_numbers<[1], [0], [0], [1], [0, 0, 1, 1], [], []>, transpose_lhs_hint = false} : vector<2000x128xf32>, vector<128x128xf32>, vector<2000x128xf32> -> vector<2000x128xf32>
    %add3A = arith.addf %dot_general3A_5, %dot_general3A_13 : vector<2000x128xf32>
    %get3A_14 = arith.constant 0 : index
    %get3A_15 = arith.constant 0 : index
    %get3A_16 = vector.load %arg5[%get3A_14, %get3A_15] : memref<1x128xf32, #tpu.memory_space<vmem>>, vector<1x128xf32>
    %add3A_17 = vector.broadcast %get3A_16 : vector<1x128xf32> to vector<2000x128xf32>
    %add3A_18 = arith.addf %add3A, %add3A_17 : vector<2000x128xf32>
    %max3A = arith.constant 0.000000e+00 : f32
    %max3A_19 = vector.broadcast %max3A : f32 to vector<2000x128xf32>
    %max3A_20 = arith.maximumf %add3A_18, %max3A_19 : vector<2000x128xf32>
    %swap3A = arith.constant 0 : index
    %swap3A_21 = arith.constant 0 : index
    %swap3A_22 = vector.load %arg6[%swap3A, %swap3A_21] : memref<2000x128xf32, #tpu.memory_space<vmem>>, vector<2000x128xf32>
    tpu.vector_store %arg6[%swap3A, %swap3A_21], %max3A_20 {strides = array<i32>} : memref<2000x128xf32, #tpu.memory_space<vmem>>, vector<2000x128xf32>,
    return
  }
  func.func @transform_0(%arg0: i32) -> (i32, i32) {
    %c0_i32 = arith.constant 0 : i32
    %c0_i32_0 = arith.constant 0 : i32
    return %arg0, %c0_i32 : i32, i32
  }
  func.func @transform_1(%arg0: i32) -> (i32, i32) {
    %c0_i32 = arith.constant 0 : i32
    %c0_i32_0 = arith.constant 0 : i32
    return %arg0, %c0_i32 : i32, i32
  }
  func.func @transform_2(%arg0: i32) -> (i32, i32) {
    %c0_i32 = arith.constant 0 : i32
    %c0_i32_0 = arith.constant 0 : i32
    %c0_i32_1 = arith.constant 0 : i32
    return %c0_i32, %c0_i32_0 : i32, i32
  }
  func.func @transform_3(%arg0: i32) -> (i32, i32) {
    %c0_i32 = arith.constant 0 : i32
    %c0_i32_0 = arith.constant 0 : i32
    %c0_i32_1 = arith.constant 0 : i32
    return %c0_i32, %c0_i32_0 : i32, i32
  }
  func.func @transform_4(%arg0: i32) -> (i32, i32) {
    %c0_i32 = arith.constant 0 : i32
    %c0_i32_0 = arith.constant 0 : i32
    %c0_i32_1 = arith.constant 0 : i32
    return %c0_i32, %c0_i32_0 : i32, i32
  }
  func.func @transform_5(%arg0: i32) -> (i32, i32) {
    %c0_i32 = arith.constant 0 : i32
    %c0_i32_0 = arith.constant 0 : i32
    return %arg0, %c0_i32 : i32, i32
  }
}

module attributes {stable_mosaic.version = 14 : i64} {
  func.func @_gru_body(%arg0: memref<800x256xf32, #tpu.memory_space<vmem>>, %arg1: memref<256x768xf32, #tpu.memory_space<vmem>>, %arg2: memref<1x768xf32, #tpu.memory_space<vmem>>, %arg3: memref<512x2304xf32, #tpu.memory_space<vmem>>, %arg4: memref<1x2304xf32, #tpu.memory_space<vmem>>, %arg5: memref<1x768xf32, #tpu.memory_space<vmem>>, %arg6: memref<16x1xi32, #tpu.memory_space<vmem>>, %arg7: memref<16x256xf32, #tpu.memory_space<vmem>>, %arg8: memref<800x768xf32, #tpu.memory_space<vmem>>) attributes {dimension_semantics = [], scalar_prefetch = 0 : i64, scratch_operands = 1 : i64, tpu.core_type = #tpu.core_type<tc>} {
    %get3A = arith.constant 0 : index
    %get3A_0 = arith.constant 0 : index
    %get3A_1 = vector.load %arg0[%get3A, %get3A_0] : memref<800x256xf32, #tpu.memory_space<vmem>>, vector<800x256xf32>
    %get3A_2 = arith.constant 0 : index
    %get3A_3 = arith.constant 0 : index
    %get3A_4 = vector.load %arg1[%get3A_2, %get3A_3] : memref<256x768xf32, #tpu.memory_space<vmem>>, vector<256x768xf32>
    %dot_general3A = arith.constant dense<0.000000e+00> : vector<800x768xf32>
    %dot_general3A_5 = tpu.matmul %get3A_1, %get3A_4, %dot_general3A {dimension_numbers = #tpu.dot_dimension_numbers<[1], [0], [0], [1], [0, 0, 1, 1], [], []>, transpose_lhs_hint = false} : vector<800x256xf32>, vector<256x768xf32>, vector<800x768xf32> -> vector<800x768xf32>
    %get3A_6 = arith.constant 0 : index
    %get3A_7 = arith.constant 0 : index
    %get3A_8 = vector.load %arg2[%get3A_6, %get3A_7] : memref<1x768xf32, #tpu.memory_space<vmem>>, vector<1x768xf32>
    %add3A = vector.broadcast %get3A_8 : vector<1x768xf32> to vector<800x768xf32>
    %add3A_9 = arith.addf %dot_general3A_5, %add3A : vector<800x768xf32>
    %swap3A = arith.constant 0 : index
    %swap3A_10 = arith.constant 0 : index
    %swap3A_11 = vector.load %arg8[%swap3A, %swap3A_10] : memref<800x768xf32, #tpu.memory_space<vmem>>, vector<800x768xf32>
    tpu.vector_store %arg8[%swap3A, %swap3A_10], %add3A_9 {strides = array<i32>} : memref<800x768xf32, #tpu.memory_space<vmem>>, vector<800x768xf32>,
    %get3A_12 = arith.constant 0 : index
    %get3A_13 = arith.constant 0 : index
    %get3A_14 = vector.load %arg6[%get3A_12, %get3A_13] : memref<16x1xi32, #tpu.memory_space<vmem>>, vector<16x1xi32>
    %broadcast_in_dim3A = arith.constant 0.000000e+00 : f32
    %broadcast_in_dim3A_15 = vector.broadcast %broadcast_in_dim3A : f32 to vector<16x256xf32>
    %get3A_16 = arith.constant 0 : index
    %get3A_17 = arith.constant 0 : index
    %get3A_18 = vector.load %arg5[%get3A_16, %get3A_17] : memref<1x768xf32, #tpu.memory_space<vmem>>, vector<1x768xf32>
    %broadcast_in_dim3A_19 = vector.shape_cast %get3A_18 : vector<1x768xf32> to vector<1x768xf32>
    %broadcast_in_dim3A_20 = vector.broadcast %broadcast_in_dim3A_19 : vector<1x768xf32> to vector<16x768xf32>
    %scan3A = arith.constant 0 : i32
    %scan3A_21 = arith.constant 50 : i32
    %scan3A_22 = arith.addi %scan3A, %scan3A_21 : i32
    %scan3A_23 = arith.constant 1 : i32
    %scan3A_24:3 = scf.for %scan3A_29 = %scan3A to %scan3A_22 step %scan3A_23 iter_args(%scan3A_30 = %broadcast_in_dim3A_15, %scan3A_31 = %broadcast_in_dim3A_15, %scan3A_32 = %broadcast_in_dim3A_20) -> (vector<16x256xf32>, vector<16x256xf32>, vector<16x768xf32>)  : i32 {
      %mul3A = arith.constant 16 : i32
      %mul3A_33 = arith.muli %scan3A_29, %mul3A : i32
      %get3A_34 = arith.index_cast %mul3A_33 : i32 to index
      %get3A_35 = arith.constant 0 : index
      %get3A_36 = vector.load %arg8[%get3A_34, %get3A_35] : memref<800x768xf32, #tpu.memory_space<vmem>>, vector<16x768xf32>
      %slice3A = vector.extract_strided_slice %get3A_36 {offsets = [0, 0], sizes = [16, 256], strides = [1, 1]} : vector<16x768xf32> to vector<16x256xf32>
      %slice3A_37 = vector.extract_strided_slice %scan3A_32 {offsets = [0, 0], sizes = [16, 256], strides = [1, 1]} : vector<16x768xf32> to vector<16x256xf32>
      %add3A_38 = arith.addf %slice3A, %slice3A_37 : vector<16x256xf32>
      %logistic3A = arith.negf %add3A_38 : vector<16x256xf32>
      %logistic3A_39 = math.exp %logistic3A : vector<16x256xf32>
      %logistic3A_40 = arith.constant 1.000000e+00 : f32
      %logistic3A_41 = vector.broadcast %logistic3A_40 : f32 to vector<16x256xf32>
      %logistic3A_42 = arith.addf %logistic3A_41, %logistic3A_39 : vector<16x256xf32>
      %logistic3A_43 = arith.divf %logistic3A_41, %logistic3A_42 : vector<16x256xf32>
      %slice3A_44 = vector.extract_strided_slice %get3A_36 {offsets = [0, 256], sizes = [16, 256], strides = [1, 1]} : vector<16x768xf32> to vector<16x256xf32>
      %slice3A_45 = vector.extract_strided_slice %scan3A_32 {offsets = [0, 256], sizes = [16, 256], strides = [1, 1]} : vector<16x768xf32> to vector<16x256xf32>
      %add3A_46 = arith.addf %slice3A_44, %slice3A_45 : vector<16x256xf32>
      %logistic3A_47 = arith.negf %add3A_46 : vector<16x256xf32>
      %logistic3A_48 = math.exp %logistic3A_47 : vector<16x256xf32>
      %logistic3A_49 = arith.constant 1.000000e+00 : f32
      %logistic3A_50 = vector.broadcast %logistic3A_49 : f32 to vector<16x256xf32>
      %logistic3A_51 = arith.addf %logistic3A_50, %logistic3A_48 : vector<16x256xf32>
      %logistic3A_52 = arith.divf %logistic3A_50, %logistic3A_51 : vector<16x256xf32>
      %slice3A_53 = vector.extract_strided_slice %get3A_36 {offsets = [0, 512], sizes = [16, 256], strides = [1, 1]} : vector<16x768xf32> to vector<16x256xf32>
      %slice3A_54 = vector.extract_strided_slice %scan3A_32 {offsets = [0, 512], sizes = [16, 256], strides = [1, 1]} : vector<16x768xf32> to vector<16x256xf32>
      %mul3A_55 = arith.mulf %logistic3A_43, %slice3A_54 : vector<16x256xf32>
      %add3A_56 = arith.addf %slice3A_53, %mul3A_55 : vector<16x256xf32>
      %tanh3A = math.tanh %add3A_56 : vector<16x256xf32>
      %sub3A = arith.constant 1.000000e+00 : f32
      %sub3A_57 = vector.broadcast %sub3A : f32 to vector<16x256xf32>
      %sub3A_58 = arith.subf %sub3A_57, %logistic3A_52 : vector<16x256xf32>
      %mul3A_59 = arith.mulf %sub3A_58, %tanh3A : vector<16x256xf32>
      %mul3A_60 = arith.mulf %logistic3A_52, %scan3A_30 : vector<16x256xf32>
      %add3A_61 = arith.addf %mul3A_59, %mul3A_60 : vector<16x256xf32>
      %lt3A = vector.broadcast %scan3A_29 : i32 to vector<16x1xi32>
      %lt3A_62 = arith.cmpi slt, %lt3A, %get3A_14 : vector<16x1xi32>
      %broadcast_in_dim3A_63 = vector.shape_cast %lt3A_62 : vector<16x1xi1> to vector<16x1xi1>
      %broadcast_in_dim3A_64 = vector.broadcast %broadcast_in_dim3A_63 : vector<16x1xi1> to vector<16x256xi1>
      %select_n3A = arith.select %broadcast_in_dim3A_64, %add3A_61, %scan3A_30 : vector<16x256xi1>, vector<16x256xf32>
      %concatenate3A = tpu.concatenate %select_n3A, %scan3A_31 in 1 : vector<16x256xf32>, vector<16x256xf32> -> vector<16x512xf32>
      %get3A_65 = arith.constant 0 : index
      %get3A_66 = arith.constant 0 : index
      %get3A_67 = vector.load %arg3[%get3A_65, %get3A_66] : memref<512x2304xf32, #tpu.memory_space<vmem>>, vector<512x2304xf32>
      %dot_general3A_68 = arith.constant dense<0.000000e+00> : vector<16x2304xf32>
      %dot_general3A_69 = tpu.matmul %concatenate3A, %get3A_67, %dot_general3A_68 {dimension_numbers = #tpu.dot_dimension_numbers<[1], [0], [0], [1], [0, 0, 1, 1], [], []>, transpose_lhs_hint = false} : vector<16x512xf32>, vector<512x2304xf32>, vector<16x2304xf32> -> vector<16x2304xf32>
      %get3A_70 = arith.constant 0 : index
      %get3A_71 = arith.constant 0 : index
      %get3A_72 = vector.load %arg4[%get3A_70, %get3A_71] : memref<1x2304xf32, #tpu.memory_space<vmem>>, vector<1x2304xf32>
      %add3A_73 = vector.broadcast %get3A_72 : vector<1x2304xf32> to vector<16x2304xf32>
      %add3A_74 = arith.addf %dot_general3A_69, %add3A_73 : vector<16x2304xf32>
      %slice3A_75 = vector.extract_strided_slice %add3A_74 {offsets = [0, 768], sizes = [16, 768], strides = [1, 1]} : vector<16x2304xf32> to vector<16x768xf32>
      %slice3A_76 = vector.extract_strided_slice %add3A_74 {offsets = [0, 1536], sizes = [16, 768], strides = [1, 1]} : vector<16x2304xf32> to vector<16x768xf32>
      %slice3A_77 = vector.extract_strided_slice %slice3A_75 {offsets = [0, 0], sizes = [16, 256], strides = [1, 1]} : vector<16x768xf32> to vector<16x256xf32>
      %slice3A_78 = vector.extract_strided_slice %slice3A_76 {offsets = [0, 0], sizes = [16, 256], strides = [1, 1]} : vector<16x768xf32> to vector<16x256xf32>
      %add3A_79 = arith.addf %slice3A_77, %slice3A_78 : vector<16x256xf32>
      %logistic3A_80 = arith.negf %add3A_79 : vector<16x256xf32>
      %logistic3A_81 = math.exp %logistic3A_80 : vector<16x256xf32>
      %logistic3A_82 = arith.constant 1.000000e+00 : f32
      %logistic3A_83 = vector.broadcast %logistic3A_82 : f32 to vector<16x256xf32>
      %logistic3A_84 = arith.addf %logistic3A_83, %logistic3A_81 : vector<16x256xf32>
      %logistic3A_85 = arith.divf %logistic3A_83, %logistic3A_84 : vector<16x256xf32>
      %slice3A_86 = vector.extract_strided_slice %slice3A_75 {offsets = [0, 256], sizes = [16, 256], strides = [1, 1]} : vector<16x768xf32> to vector<16x256xf32>
      %slice3A_87 = vector.extract_strided_slice %slice3A_76 {offsets = [0, 256], sizes = [16, 256], strides = [1, 1]} : vector<16x768xf32> to vector<16x256xf32>
      %add3A_88 = arith.addf %slice3A_86, %slice3A_87 : vector<16x256xf32>
      %logistic3A_89 = arith.negf %add3A_88 : vector<16x256xf32>
      %logistic3A_90 = math.exp %logistic3A_89 : vector<16x256xf32>
      %logistic3A_91 = arith.constant 1.000000e+00 : f32
      %logistic3A_92 = vector.broadcast %logistic3A_91 : f32 to vector<16x256xf32>
      %logistic3A_93 = arith.addf %logistic3A_92, %logistic3A_90 : vector<16x256xf32>
      %logistic3A_94 = arith.divf %logistic3A_92, %logistic3A_93 : vector<16x256xf32>
      %slice3A_95 = vector.extract_strided_slice %slice3A_75 {offsets = [0, 512], sizes = [16, 256], strides = [1, 1]} : vector<16x768xf32> to vector<16x256xf32>
      %slice3A_96 = vector.extract_strided_slice %slice3A_76 {offsets = [0, 512], sizes = [16, 256], strides = [1, 1]} : vector<16x768xf32> to vector<16x256xf32>
      %mul3A_97 = arith.mulf %logistic3A_85, %slice3A_96 : vector<16x256xf32>
      %add3A_98 = arith.addf %slice3A_95, %mul3A_97 : vector<16x256xf32>
      %tanh3A_99 = math.tanh %add3A_98 : vector<16x256xf32>
      %sub3A_100 = arith.constant 1.000000e+00 : f32
      %sub3A_101 = vector.broadcast %sub3A_100 : f32 to vector<16x256xf32>
      %sub3A_102 = arith.subf %sub3A_101, %logistic3A_94 : vector<16x256xf32>
      %mul3A_103 = arith.mulf %sub3A_102, %tanh3A_99 : vector<16x256xf32>
      %mul3A_104 = arith.mulf %logistic3A_94, %scan3A_31 : vector<16x256xf32>
      %add3A_105 = arith.addf %mul3A_103, %mul3A_104 : vector<16x256xf32>
      %broadcast_in_dim3A_106 = vector.shape_cast %lt3A_62 : vector<16x1xi1> to vector<16x1xi1>
      %broadcast_in_dim3A_107 = vector.broadcast %broadcast_in_dim3A_106 : vector<16x1xi1> to vector<16x256xi1>
      %select_n3A_108 = arith.select %broadcast_in_dim3A_107, %add3A_105, %scan3A_31 : vector<16x256xi1>, vector<16x256xf32>
      %slice3A_109 = vector.extract_strided_slice %add3A_74 {offsets = [0, 0], sizes = [16, 768], strides = [1, 1]} : vector<16x2304xf32> to vector<16x768xf32>
      scf.yield %select_n3A, %select_n3A_108, %slice3A_109 : vector<16x256xf32>, vector<16x256xf32>, vector<16x768xf32>
    }
    %scan3A_25 = arith.constant 50 : i32
    %swap3A_26 = arith.constant 0 : index
    %swap3A_27 = arith.constant 0 : index
    %swap3A_28 = vector.load %arg7[%swap3A_26, %swap3A_27] : memref<16x256xf32, #tpu.memory_space<vmem>>, vector<16x256xf32>
    tpu.vector_store %arg7[%swap3A_26, %swap3A_27], %scan3A_24#1 {strides = array<i32>} : memref<16x256xf32, #tpu.memory_space<vmem>>, vector<16x256xf32>,
    return
  }
}

</mosaic_0001>

<sc_bundles>
// kernel: kernel.11.cloned.1.call-start
scs
__scs_entry_jumppad:
0x0: {  	(pc) =	sbr.rel $0x88, $3  }
0x1: {  	(tag) =	ssettag $0x0;
	lr =	simm.s32 $0x1  }
0x2: {  	[smem:$0x3F92] =	sst lr;
	_ =	strace $0xD0000000  }
0x3: {  	_ = 	snop  }
0x4: {  	_ = 	snop  }
0x5: {  	_ = 	snop  }
0x6: {  	_ = 	snop  }
0x7: {  	_ = 	snop  }
__scs_overlays_trampoline_lowered:
0x8: {  	[smem:$0x3FA1] =	sst s0  }
0x9: {  	[smem:$0x3FA2] =	sst s1  }
0xa: {  	[smem:$0x3FA3] =	sst s2  }
0xb: {  	[smem:$0x3FA4] =	sst s3  }
0xc: {  	[smem:$0x3FA5] =	sst s4  }
0xd: {  	[smem:$0x3FA6] =	sst s5  }
0xe: {  	[smem:$0x3FA7] =	sst s6  }
0xf: {  	[smem:$0x3FA8] =	sst s7  }
0x10: {  	[smem:$0x3FA9] =	sst s8  }
0x11: {  	[smem:$0x3FAA] =	sst s9;
	s0 =	simm.s32 @!p0 $0x0  }
0x12: {  	s1 =	sld [smem:$0x3F90];
	s0 =	simm.s32 @p0 $0x1  }
0x13: {  	[smem:$0x3FAB] =	sst s0;
	s0 =	simm.s32 @!p1 $0x0  }
0x14: {  	s2 =	sld [smem:$0x3F8F];
	s0 =	simm.s32 @p1 $0x1  }
0x15: {  	[smem:$0x3FAC] =	sst s0;
	s0 =	simm.s32 @!p2 $0x0  }
0x16: {  	s3 =	sld [smem:$0x3FDB];
	s0 =	simm.s32 @p2 $0x1  }
0x17: {  	s4 =	simm.s32 $0x1BF5;
	[smem:$0x3FAE] =	sst s0  }
0x18: {  	s0 =	sld [smem:$0x3F91];
	_ =	swait.ge [sflag:s4], $0x0  }
0x19: {  	s7 =	sld [smem:$0x3F92]  }
0x1a: {  	s8 =	sadd.s32 $0xFFFFE003, lr  }
0x1b: {  	s9 =	sadd.s32 $0xFFFFFEF7, lr;
	s5 =	simm.s32 $0xFFFFFFFF;
	p2 =	slt.u32 s8, $0xFFFFF086  }
0x1c: {  	p1 =	slt.u32 s9, $0xF7A;
	s5 =	simm.s32 @!p2 $0x0  }
0x1d: {  	s5 =	simm.s32 @p1 $0x1;
	p0 =	seq.s32 s7, s2  }
0x1e: {  	s7 =	smul.u32 @!p0 $0xF7A, s2;
	p2 =	seq.s32 @!p0 s5, $0x0  }
0x1f: {  	s9 =	smul.u32 $0xF7A, s1;
	s8 =	simm.s32 @!p0 $0x1BF5;
	p2 =	por !p2, p0  }
0x20: {  	[sflag:s8] =	ssyncset.s32 @!p0 $0xFFFFF086;
	s6 =	sadd.s32 @!p0 s3, s7;
	s7 =	simm.s32 @!p0 $0x108  }
0x21: {  	s3 =	sadd.s32 s3, s9;
	s6 =	sadd.s32 @!p0 $0x88, s6;
	s7 =	simm.s32 @p2 $0x1082  }
0x22: {  	[simem:s7], [sflag:s8] =	dma.local @!p0 [hbm:s6], $0xF7A  }
0x23: {  	s9 =	sor.u32 $0xD0000000, s2;
	s6 =	simm.s32 $0x108;
	_ =	swait.ge @!p0 [sflag:s8], $0x0  }
0x24: {  	s3 =	sadd.s32 $0x88, s3;
	s6 =	simm.s32 @!p1 $0x1082;
	[sflag:s4] =	ssyncset.s32 $0xFFFFF086  }
0x25: {  	[simem:s6], [sflag:s4] =	dma.local [hbm:s3], $0xF7A  }
0x26: {  	[smem:$0x3F92] =	sst s1;
	(tag) =	ssettag s2;
	_ =	strace s9  }
0x27: {  	s1 =	sld [smem:$0x3FA2]  }
0x28: {  	s2 =	sld [smem:$0x3FA3]  }
0x29: {  	s4 =	sld [smem:$0x3FA5]  }
0x2a: {  	p0 =	seq.s32 s5, $0x0;
	s5 =	sld [smem:$0x3FA6]  }
0x2b: {  	s6 =	sld [smem:$0x3FA7]  }
0x2c: {  	s7 =	sld [smem:$0x3FA8]  }
0x2d: {  	s3 =	simm.s32 $0x108;
	s8 =	sld [smem:$0x3FA9]  }
0x2e: {  	s3 =	simm.s32 @!p0 $0x1082;
	s9 =	sld [smem:$0x3FAA]  }
0x2f: {  	lr =	sadd.s32 s0, s3;
	s0 =	sld [smem:$0x3FA1]  }
0x30: {  	s3 =	sld [smem:$0x3FA4]  }
0x31: {  	[smem:$0x3FAD] =	sst s10  }
0x32: {  	s10 =	sld [smem:$0x3FAB];
	_ =	sdelay $0x3  }
0x33: {  	p0 =	seq.s32 s10, $0x1;
	s10 =	sld [smem:$0x3FAD];
	_ =	sdelay $0x3  }
0x34: {  	[smem:$0x3FAD] =	sst s10  }
0x35: {  	s10 =	sld [smem:$0x3FAC];
	_ =	sdelay $0x3  }
0x36: {  	p1 =	seq.s32 s10, $0x1;
	s10 =	sld [smem:$0x3FAD];
	_ =	sdelay $0x3  }
0x37: {  	[smem:$0x3FAD] =	sst s10  }
0x38: {  	s10 =	sld [smem:$0x3FAE]  }
0x39: {  	_ = 	snop;
	(pc) =	sbr.ind lr, $3  }
0x3a: {  	_ = 	snop  }
0x3b: {  	_ = 	snop  }
0x3c: {  	p2 =	seq.s32 s10, $0x1;
	s10 =	sld [smem:$0x3FAD]  }
0x3d: {  	_ =	shalt  }
0x3e: {  	_ =	shalt  }
0x3f: {  	_ =	shalt  }
0x40: {  	_ =	shalt  }
0x41: {  	_ =	shalt  }
0x42: {  	_ =	shalt  }
0x43: {  	_ =	shalt  }
0x44: {  	_ =	shalt  }
0x45: {  	_ =	shalt  }
0x46: {  	_ =	shalt  }
0x47: {  	_ =	shalt  }
0x48: {  	_ =	shalt  }
0x49: {  	_ =	shalt  }
0x4a: {  	_ =	shalt  }
0x4b: {  	_ =	shalt  }
0x4c: {  	_ =	shalt  }
0x4d: {  	_ =	shalt  }
0x4e: {  	_ =	shalt  }
0x4f: {  	_ =	shalt  }
0x50: {  	_ =	shalt  }
0x51: {  	_ =	shalt  }
0x52: {  	_ =	shalt  }
0x53: {  	_ =	shalt  }
0x54: {  	_ =	shalt  }
0x55: {  	_ =	shalt  }
0x56: {  	_ =	shalt  }
0x57: {  	_ =	shalt  }
0x58: {  	_ =	shalt  }
0x59: {  	_ =	shalt  }
0x5a: {  	_ =	shalt  }
0x5b: {  	_ =	shalt  }
0x5c: {  	_ =	shalt  }
0x5d: {  	_ =	shalt  }
0x5e: {  	_ =	shalt  }
0x5f: {  	_ =	shalt  }
0x60: {  	_ =	shalt  }
0x61: {  	_ =	shalt  }
0x62: {  	_ =	shalt  }
0x63: {  	_ =	shalt  }
0x64: {  	_ =	shalt  }
0x65: {  	_ =	shalt  }
0x66: {  	_ =	shalt  }
0x67: {  	_ =	shalt  }
0x68: {  	_ =	shalt  }
0x69: {  	_ =	shalt  }
0x6a: {  	_ =	shalt  }
0x6b: {  	_ =	shalt  }
0x6c: {  	_ =	shalt  }
0x6d: {  	_ =	shalt  }
0x6e: {  	_ =	shalt  }
0x6f: {  	_ =	shalt  }
0x70: {  	_ =	shalt  }
0x71: {  	_ =	shalt  }
0x72: {  	_ =	shalt  }
0x73: {  	_ =	shalt  }
0x74: {  	_ =	shalt  }
0x75: {  	_ =	shalt  }
0x76: {  	_ =	shalt  }
0x77: {  	_ =	shalt  }
0x78: {  	_ =	shalt  }
0x79: {  	_ =	shalt  }
0x7a: {  	_ =	shalt  }
0x7b: {  	_ =	shalt  }
0x7c: {  	_ =	shalt  }
0x7d: {  	_ =	shalt  }
0x7e: {  	_ =	shalt  }
0x7f: {  	_ =	shalt  }
0x80: {  	_ =	shalt  }
0x81: {  	_ =	shalt  }
0x82: {  	_ =	shalt  }
0x83: {  	_ =	shalt  }
0x84: {  	_ =	shalt  }
0x85: {  	_ =	shalt  }
0x86: {  	_ =	shalt  }
0x87: {  	_ =	shalt  }
.Lfunc_end0:
.L_simem_size_0:
called_computation_lowered:
.L_overlay_start_0:
0x88: {  	s2 =	sld [smem:$0x3FD9]  }
0x89: {  	s3 =	sld [smem:$0x3FFE];
	_ =	sdelay $0x1  }
0x8a: {  	s1 =	srdreg.scid  }
0x8b: {  	s0 =	sand.u32 $0x1, s1  }
0x8c: {  	s16 =	sshll.u32 s0, $0xA;
	s2 =	sadd.s32 s3, s2  }
0x8d: {  	s2 =	sadd.s32 s2, s16  }
0x8e: {  	[smem:$0x3FB9] =	sst s2  }
0x8f: {  	_ = 	snop  }
0x90: {  	(tm) =	ssettm $0x1  }
0x91: {  	s17 =	sld [smem:$0x3FFB];
	_ =	sdelay $0x3  }
0x92: {  	_ =	strace s17  }
0x93: {  	s2 =	sld [smem:$0x3FFC];
	_ =	sdelay $0x3  }
0x94: {  	_ =	strace s2  }
0x95: {  	s2 =	sld [smem:$0x3FFD];
	_ =	sdelay $0x3  }
0x96: {  	_ =	strace s2  }
0x97: {  	_ =	strace $0x8FFFFFFF  }
0x98: {  	s18 =	sld [smem:$0x3FDB];
	_ =	sdelay $0x1  }
0x99: {  	s19 =	simm.s32 $_scs_section_size  }
0x9a: {  	s4 =	simm.s32 $_size__tile_overlayer_lowered;
	s5 =	simm.s32 $_tile_overlayer_lowered  }
0x9b: {  	s22 =	simm.s32 $0x1BFF;
	s21 =	sshll.u32 s5, $0x1;
	s2 =	sadd.s32 s19, s18  }
0x9c: {  	s6 =	simm.s32 $0x0;
	s20 =	sshll.u32 s4, $0x1;
	s4 =	sadd.s32 s21, s2  }
0x9d: {  	[timem:s6], [sflag:s22] =	dma.local [hbm:s4], s20  }
0x9e: {  	_ =	swait.ge [sflag:s22], s20  }
0x9f: {  	s3 =	ssub.s32 $0x0, s20;
	[sflag:s22] =	ssyncset.done $0x0  }
0xa0: {  	[sflag:s22] =	ssyncadd.s32 s3;
	_ =	sdelay $0x1  }
0xa1: {  	s23 =	simm.s32 $0x1B8B  }
0xa2: {  	_ =	swait.ge [sflag:s23], $0x1  }
0xa3: {  	[sflag:s23] =	ssyncset.done $0x0  }
0xa4: {  	s25 =	simm.s32 $0x1B8E;
	s24 =	sld [smem:$0x3FFE];
	[sflag:s23] =	ssyncadd.s32 $0xFFFFFFFF  }
0xa5: {  	s26 =	simm.s32 $execute0_lowered;
	[smem:$0x3FD2] =	sst s25  }
0xa6: {  	s4 =	sshll.u32 s26, $0x1;
	_ =	strace $0x80000046;
	[dreg:$0x1] =	wrdreg $0xFFFFFFFF  }
0xa7: {  	s28 =	simm.s32 $_size_execute0_lowered;
	s2 =	sadd.s32 s2, s4;
	[dreg:$0x0] =	wrdreg $0x0  }
0xa8: {  	s4 =	sshll.u32 s28, $0x1;
	[dreg:$0x2] =	wrdreg s2  }
0xa9: {  	[dreg:$0x3] =	wrdreg s4  }
0xaa: {  	[dreg:$0x4] =	wrdreg $0xC0  }
0xab: {  	_ =	task [dreg:s6], $0x5FFFF  }
0xac: {  	[dreg:$0x1] =	wrdreg $0xFFFFFFFF  }
0xad: {  	[dreg:$0x0] =	wrdreg $0x60  }
0xae: {  	[dreg:$0x2] =	wrdreg s24  }
0xaf: {  	[dreg:$0x3] =	wrdreg $0x90000  }
0xb0: {  	[dreg:$0x4] =	wrdreg $0x9  }
0xb1: {  	_ =	task.clear_ibuf [dreg:s6], $0x5FFFF;
	_ =	strace $0x90000046  }
0xb2: {  	s29 =	simm.s32 $0x9;
	_ =	strace $0x80000048  }
0xb3: {  	_ =	swait.ge [sflag:s29], $0x1  }
0xb4: {  	[sflag:s29] =	ssyncadd.s32 $0xFFFFFFFF  }
0xb5: {  	_ =	strace $0x90000048  }
0xb6: {  	_ =	sfence  }
0xb7: {  	s30 =	sld [smem:$0x0];
	_ =	sdelay $0x2  }
0xb8: {  	s31 =	sshll.u32 s1, $0xD;
	s1 =	sshrl.u32 s1, $0x2  }
0xb9: {  	s3 =	sand.u32 $0x4000, s31;
	s1 =	sadd.s32 s1, s30  }
0xba: {  	s0 =	sor.u32 s3, s0;
	s1 =	sshll.u32 s1, $0x11  }
0xbb: {  	s0 =	sor.u32 s1, s0  }
0xbc: {  	s0 =	sadd.s32 $0x8F2B, s0  }
0xbd: {  	[sflag:s0] =	ssyncadd.remote.s32 $0x1  }
0xbe: {  	_ =	sfence.sel $0xFFFF  }
0xbf: {  	[dreg:$0x0] =	wrdreg $0xFFFFFFFF;
	(pc) =	sbr.abs _section_cstart, $3  }
0xc0: {  	[dreg:$0x1] =	wrdreg $0xFFFFFFFF  }
0xc1: {  	_ =	task.clear_ibuf [dreg:s6], $0x2FFFF;
	_ =	strace $0x9FFFFFFF  }
0xc2: {  	(tm) =	ssettm $0x7FFFFFFF  }
0xc3: {  	_ =	shalt  }
tec
execute0_lowered:
.L_overlay_start_1:
0x0: {  	(tag) =	ssettag $0x1  }
0x1: {  	s4 =	rddreg [dreg:$0x0];
	s0 =	srdreg.scid  }
0x2: {  	s1 =	rddreg [dreg:$0x1];
	s2 =	simm.s32 $0x0;
	s19 =	simm.s32 $0x80  }
0x3: {  	s20 =	simm.s32 $0x100;
	s21 =	simm.s32 $0x180;
	s22 =	simm.s32 $0x880  }
0x4: {  	s23 =	simm.s32 $0x900;
	s25 =	simm.s32 $0x980;
	s28 =	simm.s32 $0xD80  }
0x5: {  	s29 =	simm.s32 $0x600;
	s5 =	sand.u32 $0x1, s0;
	s0 =	stileid.u32  }
0x6: {  	s30 =	simm.s32 $0x680;
	[smem:$0x7FF] =	sst s2;
	s6 =	smul.u32 $0xA0000, s5  }
0x7: {  	s7 =	smul.u32 $0xA000, s0;
	_ =	strace $0x80000047;
	[dreg:$0x5] =	wrdreg s19  }
0x8: {  	s31 =	simm.s32 $0x700;
	s26 =	smul.u32 $0x2800, s0;
	[dreg:$0x6] =	wrdreg s20  }
0x9: {  	s3 =	sadd.s32 $0x52E00, s4;
	s10 =	smul.u32 $0x50000, s0;
	[dreg:$0x7] =	wrdreg s21  }
0xa: {  	s11 =	sadd.s32 $0xC9000, s4;
	s13 =	smul.u32 $0x4E000, s0;
	[dreg:$0x8] =	wrdreg s22  }
0xb: {  	s8 =	ssub.s32 $0x2, s5;
	s16 =	smul.u32 $0x27100, s5;
	[dreg:$0x9] =	wrdreg s23  }
0xc: {  	s18 =	smul.u32 $0x2700, s0;
	[dreg:$0xa] =	wrdreg s25;
	s19 =	simm.s32 $0x480  }
0xd: {  	s5 =	smul.u32 $0x138800, s5;
	s20 =	simm.s32 $0x500;
	[dreg:$0x14] =	wrdreg s19  }
0xe: {  	s21 =	simm.s32 $0x580;
	s22 =	simm.s32 $0xC00;
	[dreg:$0x15] =	wrdreg s20  }
0xf: {  	s23 =	simm.s32 $0xC80;
	s25 =	simm.s32 $0xD00;
	[dreg:$0x16] =	wrdreg s21  }
0x10: {  	p0 =	sne.s32 s0, $0x0;
	s9 =	sshrl.u32 s8, $0x1;
	[dreg:$0x17] =	wrdreg s22  }
0x11: {  	s19 =	simm.s32 $0x3;
	s20 =	simm.s32 $0x4;
	[dreg:$0x18] =	wrdreg s23  }
0x12: {  	s21 =	simm.s32 $0x5;
	[dreg:$0x19] =	wrdreg s25;
	s22 =	simm.s32 $0x6  }
0x13: {  	s23 =	simm.s32 $0x7;
	s25 =	simm.s32 $0x0;
	s6 =	sadd.s32 s7, s6  }
0x14: {  	s7 =	sadd.s32 s26, s4;
	s8 =	ssub.s32 s8, s9;
	s9 =	sshrl.u32 s10, $0x2  }
0x15: {  	s10 =	sshll.u32 s0, $0x6;
	s15 =	sshrl.u32 s13, $0x2;
	s5 =	sshrl.u32 s5, $0x3  }
0x16: {  	s26 =	simm.s32 $0x200;
	s13 =	simm.s32 $0x380;
	s6 =	sshrl.u32 s6, $0x3  }
0x17: {  	s12 =	sadd.s32 s9, s1;
	s14 =	sadd.s32 $0xA1000, s7;
	[dreg:$0xb] =	wrdreg s26  }
0x18: {  	s24 =	sor.u32 $0x1C09, s10;
	s7 =	sadd.s32 s18, s16;
	[dreg:$0xe] =	wrdreg s13  }
0x19: {  	s5 =	sadd.s32 s11, s5;
	s10 =	smax.u32 s8, $0x1;
	[dreg:$0x1a] =	wrdreg s14  }
0x1a: {  	s9 =	simm.s32 $0x280;
	s16 =	simm.s32 $0xB00;
	[dreg:$0x1e] =	wrdreg s10  }
0x1b: {  	s13 =	simm.s32 $0x1000;
	s18 =	simm.s32 $0x400;
	[dreg:$0xc] =	wrdreg s9  }
0x1c: {  	s8 =	simm.s32 $0xF80;
	s6 =	sadd.s32 s6, s4;
	[dreg:$0x11] =	wrdreg s16  }
0x1d: {  	s4 =	sadd.s32 s15, s1;
	s7 =	sadd.s32 s11, s7;
	[dreg:$0x13] =	wrdreg s18  }
0x1e: {  	s5 =	sadd.s32 $0x27000, s5;
	s11 =	simm.s32 $0x300;
	[dreg:$0x1b] =	wrdreg s24  }
0x1f: {  	s12 =	sshrl.u32 s12, $0x3;
	s10 =	simm.s32 $0x9;
	[dreg:$0x1c] =	wrdreg s7  }
0x20: {  	s14 =	simm.s32 $0xA00;
	s15 =	simm.s32 $0xA80;
	[dreg:$0x1d] =	wrdreg s5  }
0x21: {  	s16 =	simm.s32 $0x7000;
	s18 =	simm.s32 $0x2;
	[dreg:$0x1f] =	wrdreg s12  }
0x22: {  	s17 =	sadd.s32 $0x2E00, s6;
	s6 =	sadd.s32 $0x2AE00, s6;
	[dreg:$0xd] =	wrdreg s11  }
0x23: {  	s7 =	sadd.s32 $0x138000, s1;
	s11 =	simm.s32 $0x800;
	[dreg:$0xf] =	wrdreg s14  }
0x24: {  	s12 =	simm.s32 $0x40;
	[dreg:$0x10] =	wrdreg s15;
	s14 =	simm.s32 $0x3000  }
0x25: {  	s15 =	simm.s32 $0x5000;
	s26 =	sshrl.u32 s4, $0x3;
	[dreg:$0x3] =	wrdreg s17  }
0x26: {  	s4 =	simm.s32 $0xE00;
	[dreg:$0x4] =	wrdreg s6;
	s17 =	simm.s32 $0xB80  }
0x27: {  	[smem:$0x7FC] =	sst s26;
	s0 =	sshrl.u32 @!p0 s7, $0x3;
	s26 =	simm.s32 $0x8  }
0x28: {  	s6 =	simm.s32 $0xE80;
	s7 =	simm.s32 $0xF00;
	[dreg:$0x12] =	wrdreg s17  }
0x29: {  	s17 =	simm.s32 $0x1;
	[smem:$0x7FD] =	sst s0;
	s0 =	simm.s32 $0x780  }
.LBB2_1:
0x2a: {  	[smem:$0x7FB] =	sst s25  }
0x2b: {  	s5 =	rddreg [dreg:$0x1a]  }
0x2c: {  	s9 =	rddreg [dreg:$0x1f]  }
0x2d: {  	[spmem:s9], [sflag:s24] =	dma.local [hbm:s5], $0x2800  }
0x2e: {  	_ =	swait.ge [sflag:s10], $0x2800  }
0x2f: {  	[sflag:s10] =	ssyncset.done $0x0  }
0x30: {  	[sflag:s10] =	ssyncadd.s32 $0xFFFFD800  }
0x31: {  	[bflag:$0x0] =	sbarrier.arrive $0xFFFF  }
0x32: {  	s25 =	rddreg [dreg:$0x4]  }
0x33: {  	s5 =	sadd.s32 $0x0, s25  }
0x34: {  	[tilespmem:s2], [sflag:$0x9] =	stream.linear.gather [hbm4b:s5+s2], $0x800, $0x38;
	[tilespmem:$0x1D000] =	vst v63  }
0x35: {  	_ =	swait.ge [sflag:s10], $0x800  }
0x36: {  	s9 =	rddreg [dreg:$0x3];
	[sflag:s10] =	ssyncset.done $0x0  }
0x37: {  	[sflag:s10] =	ssyncadd.s32 $0xFFFFF800;
	s5 =	sadd.s32 $0x0, s9  }
0x38: {  	[tilespmem:s11], [sflag:$0x9] =	stream.linear.gather [hbm4b:s5+s2], $0x800, $0x38;
	[tilespmem:$0x1D000] =	vst v63  }
0x39: {  	_ =	swait.ge [sflag:s10], $0x800  }
0x3a: {  	[sflag:s10] =	ssyncset.done $0x0  }
0x3b: {  	[sflag:s10] =	ssyncadd.s32 $0xFFFFF800  }
0x3c: {  	[tilespmem:s13], [sflag:$0x1] =	stream.indirect.gather [hbm4b:s3+s12], $0x80, s2, s12, $0xb8;
	[tilespmem:$0x1D000] =	vst v63  }
0x3d: {  	s24 =	rddreg [dreg:$0x5]  }
0x3e: {  	[tilespmem:s14], [sflag:$0x2] =	stream.indirect.gather [hbm4b:s3+s12], $0x80, s24, s12, $0xb8;
	[tilespmem:$0x1D000] =	vst v63  }
0x3f: {  	s25 =	rddreg [dreg:$0x6]  }
0x40: {  	[tilespmem:s15], [sflag:$0x3] =	stream.indirect.gather [hbm4b:s3+s12], $0x80, s25, s12, $0xb8;
	[tilespmem:$0x1D000] =	vst v63  }
0x41: {  	s9 =	rddreg [dreg:$0x7]  }
0x42: {  	[tilespmem:s16], [sflag:$0x4] =	stream.indirect.gather [hbm4b:s3+s12], $0x80, s9, s12, $0xb8;
	[tilespmem:$0x1D000] =	vst v63  }
0x43: {  	_ =	swait.ge [sflag:s17], $0x2000  }
0x44: {  	[sflag:s17] =	ssyncset.done $0x0  }
0x45: {  	[sflag:s17] =	ssyncadd.s32 $0xFFFFE000  }
0x46: {  	[spmem:s1] =	stream.indirect.scatter.add.f32 [tilespmem:s13], [sflag:$0x5], $0x80, s11, s12, $0xb8;
	[tilespmem:$0x1D000] =	vst v63  }
0x47: {  	_ =	swait.ge [sflag:s18], $0x2000  }
0x48: {  	[sflag:s18] =	ssyncset.done $0x0  }
0x49: {  	s24 =	rddreg [dreg:$0x8];
	[sflag:s18] =	ssyncadd.s32 $0xFFFFE000  }
0x4a: {  	[spmem:s1] =	stream.indirect.scatter.add.f32 [tilespmem:s14], [sflag:$0x6], $0x80, s24, s12, $0xb8;
	[tilespmem:$0x1D000] =	vst v63  }
0x4b: {  	_ =	swait.ge [sflag:s19], $0x2000  }
0x4c: {  	[sflag:s19] =	ssyncset.done $0x0  }
0x4d: {  	s25 =	rddreg [dreg:$0x9];
	[sflag:s19] =	ssyncadd.s32 $0xFFFFE000  }
0x4e: {  	[spmem:s1] =	stream.indirect.scatter.add.f32 [tilespmem:s15], [sflag:$0x7], $0x80, s25, s12, $0xb8;
	[tilespmem:$0x1D000] =	vst v63  }
0x4f: {  	_ =	swait.ge [sflag:s20], $0x2000  }
0x50: {  	[sflag:s20] =	ssyncset.done $0x0  }
0x51: {  	s9 =	rddreg [dreg:$0xa];
	[sflag:s20] =	ssyncadd.s32 $0xFFFFE000  }
0x52: {  	[spmem:s1] =	stream.indirect.scatter.add.f32 [tilespmem:s16], [sflag:$0x8], $0x80, s9, s12, $0xb8;
	[tilespmem:$0x1D000] =	vst v63  }
0x53: {  	_ =	swait.ge [sflag:s21], $0x2000  }
0x54: {  	[sflag:s21] =	ssyncset.done $0x0  }
0x55: {  	[sflag:s21] =	ssyncadd.s32 $0xFFFFE000  }
0x56: {  	_ =	swait.ge [sflag:s22], $0x2000  }
0x57: {  	[sflag:s22] =	ssyncset.done $0x0  }
0x58: {  	[sflag:s22] =	ssyncadd.s32 $0xFFFFE000  }
0x59: {  	_ =	swait.ge [sflag:s23], $0x2000  }
0x5a: {  	[sflag:s23] =	ssyncset.done $0x0  }
0x5b: {  	[sflag:s23] =	ssyncadd.s32 $0xFFFFE000  }
0x5c: {  	_ =	swait.ge [sflag:s26], $0x2000  }
0x5d: {  	[sflag:s26] =	ssyncset.done $0x0  }
0x5e: {  	s24 =	rddreg [dreg:$0xb];
	[sflag:s26] =	ssyncadd.s32 $0xFFFFE000  }
0x5f: {  	[tilespmem:s13], [sflag:$0x1] =	stream.indirect.gather [hbm4b:s3+s12], $0x80, s24, s12, $0xb8;
	[tilespmem:$0x1D000] =	vst v63  }
0x60: {  	s25 =	rddreg [dreg:$0xc]  }
0x61: {  	[tilespmem:s14], [sflag:$0x2] =	stream.indirect.gather [hbm4b:s3+s12], $0x80, s25, s12, $0xb8;
	[tilespmem:$0x1D000] =	vst v63  }
0x62: {  	s9 =	rddreg [dreg:$0xd]  }
0x63: {  	[tilespmem:s15], [sflag:$0x3] =	stream.indirect.gather [hbm4b:s3+s12], $0x80, s9, s12, $0xb8;
	[tilespmem:$0x1D000] =	vst v63  }
0x64: {  	s25 =	rddreg [dreg:$0xe]  }
0x65: {  	[tilespmem:s16], [sflag:$0x4] =	stream.indirect.gather [hbm4b:s3+s12], $0x80, s25, s12, $0xb8;
	[tilespmem:$0x1D000] =	vst v63  }
0x66: {  	_ =	swait.ge [sflag:s17], $0x2000  }
0x67: {  	[sflag:s17] =	ssyncset.done $0x0  }
0x68: {  	s9 =	rddreg [dreg:$0xf];
	[sflag:s17] =	ssyncadd.s32 $0xFFFFE000  }
0x69: {  	[spmem:s1] =	stream.indirect.scatter.add.f32 [tilespmem:s13], [sflag:$0x5], $0x80, s9, s12, $0xb8;
	[tilespmem:$0x1D000] =	vst v63  }
0x6a: {  	_ =	swait.ge [sflag:s18], $0x2000  }
0x6b: {  	[sflag:s18] =	ssyncset.done $0x0  }
0x6c: {  	s24 =	rddreg [dreg:$0x10];
	[sflag:s18] =	ssyncadd.s32 $0xFFFFE000  }
0x6d: {  	[spmem:s1] =	stream.indirect.scatter.add.f32 [tilespmem:s14], [sflag:$0x6], $0x80, s24, s12, $0xb8;
	[tilespmem:$0x1D000] =	vst v63  }
0x6e: {  	_ =	swait.ge [sflag:s19], $0x2000  }
0x6f: {  	[sflag:s19] =	ssyncset.done $0x0  }
0x70: {  	s25 =	rddreg [dreg:$0x11];
	[sflag:s19] =	ssyncadd.s32 $0xFFFFE000  }
0x71: {  	[spmem:s1] =	stream.indirect.scatter.add.f32 [tilespmem:s15], [sflag:$0x7], $0x80, s25, s12, $0xb8;
	[tilespmem:$0x1D000] =	vst v63  }
0x72: {  	_ =	swait.ge [sflag:s20], $0x2000  }
0x73: {  	[sflag:s20] =	ssyncset.done $0x0  }
0x74: {  	s9 =	rddreg [dreg:$0x12];
	[sflag:s20] =	ssyncadd.s32 $0xFFFFE000  }
0x75: {  	[spmem:s1] =	stream.indirect.scatter.add.f32 [tilespmem:s16], [sflag:$0x8], $0x80, s9, s12, $0xb8;
	[tilespmem:$0x1D000] =	vst v63  }
0x76: {  	_ =	swait.ge [sflag:s21], $0x2000  }
0x77: {  	[sflag:s21] =	ssyncset.done $0x0  }
0x78: {  	[sflag:s21] =	ssyncadd.s32 $0xFFFFE000  }
0x79: {  	_ =	swait.ge [sflag:s22], $0x2000  }
0x7a: {  	[sflag:s22] =	ssyncset.done $0x0  }
0x7b: {  	[sflag:s22] =	ssyncadd.s32 $0xFFFFE000  }
0x7c: {  	_ =	swait.ge [sflag:s23], $0x2000  }
0x7d: {  	[sflag:s23] =	ssyncset.done $0x0  }
0x7e: {  	[sflag:s23] =	ssyncadd.s32 $0xFFFFE000  }
0x7f: {  	_ =	swait.ge [sflag:s26], $0x2000  }
0x80: {  	[sflag:s26] =	ssyncset.done $0x0  }
0x81: {  	s24 =	rddreg [dreg:$0x13];
	[sflag:s26] =	ssyncadd.s32 $0xFFFFE000  }
0x82: {  	[tilespmem:s13], [sflag:$0x1] =	stream.indirect.gather [hbm4b:s3+s12], $0x80, s24, s12, $0xb8;
	[tilespmem:$0x1D000] =	vst v63  }
0x83: {  	s25 =	rddreg [dreg:$0x14]  }
0x84: {  	[tilespmem:s14], [sflag:$0x2] =	stream.indirect.gather [hbm4b:s3+s12], $0x80, s25, s12, $0xb8;
	[tilespmem:$0x1D000] =	vst v63  }
0x85: {  	s9 =	rddreg [dreg:$0x15]  }
0x86: {  	[tilespmem:s15], [sflag:$0x3] =	stream.indirect.gather [hbm4b:s3+s12], $0x80, s9, s12, $0xb8;
	[tilespmem:$0x1D000] =	vst v63  }
0x87: {  	s25 =	rddreg [dreg:$0x16]  }
0x88: {  	[tilespmem:s16], [sflag:$0x4] =	stream.indirect.gather [hbm4b:s3+s12], $0x80, s25, s12, $0xb8;
	[tilespmem:$0x1D000] =	vst v63  }
0x89: {  	_ =	swait.ge [sflag:s17], $0x2000  }
0x8a: {  	[sflag:s17] =	ssyncset.done $0x0  }
0x8b: {  	s9 =	rddreg [dreg:$0x17];
	[sflag:s17] =	ssyncadd.s32 $0xFFFFE000  }
0x8c: {  	[spmem:s1] =	stream.indirect.scatter.add.f32 [tilespmem:s13], [sflag:$0x5], $0x80, s9, s12, $0xb8;
	[tilespmem:$0x1D000] =	vst v63  }
0x8d: {  	_ =	swait.ge [sflag:s18], $0x2000  }
0x8e: {  	[sflag:s18] =	ssyncset.done $0x0  }
0x8f: {  	s24 =	rddreg [dreg:$0x18];
	[sflag:s18] =	ssyncadd.s32 $0xFFFFE000  }
0x90: {  	[spmem:s1] =	stream.indirect.scatter.add.f32 [tilespmem:s14], [sflag:$0x6], $0x80, s24, s12, $0xb8;
	[tilespmem:$0x1D000] =	vst v63  }
0x91: {  	_ =	swait.ge [sflag:s19], $0x2000  }
0x92: {  	[sflag:s19] =	ssyncset.done $0x0  }
0x93: {  	s25 =	rddreg [dreg:$0x19];
	[sflag:s19] =	ssyncadd.s32 $0xFFFFE000  }
0x94: {  	[spmem:s1] =	stream.indirect.scatter.add.f32 [tilespmem:s15], [sflag:$0x7], $0x80, s25, s12, $0xb8;
	[tilespmem:$0x1D000] =	vst v63  }
0x95: {  	_ =	swait.ge [sflag:s20], $0x2000  }
0x96: {  	[sflag:s20] =	ssyncset.done $0x0  }
0x97: {  	[sflag:s20] =	ssyncadd.s32 $0xFFFFE000  }
0x98: {  	[spmem:s1] =	stream.indirect.scatter.add.f32 [tilespmem:s16], [sflag:$0x8], $0x80, s28, s12, $0xb8;
	[tilespmem:$0x1D000] =	vst v63  }
0x99: {  	_ =	swait.ge [sflag:s21], $0x2000  }
0x9a: {  	[sflag:s21] =	ssyncset.done $0x0  }
0x9b: {  	[sflag:s21] =	ssyncadd.s32 $0xFFFFE000  }
0x9c: {  	_ =	swait.ge [sflag:s22], $0x2000  }
0x9d: {  	[sflag:s22] =	ssyncset.done $0x0  }
0x9e: {  	[sflag:s22] =	ssyncadd.s32 $0xFFFFE000  }
0x9f: {  	_ =	swait.ge [sflag:s23], $0x2000  }
0xa0: {  	[sflag:s23] =	ssyncset.done $0x0  }
0xa1: {  	[sflag:s23] =	ssyncadd.s32 $0xFFFFE000  }
0xa2: {  	_ =	swait.ge [sflag:s26], $0x2000  }
0xa3: {  	[sflag:s26] =	ssyncset.done $0x0  }
0xa4: {  	[sflag:s26] =	ssyncadd.s32 $0xFFFFE000  }
0xa5: {  	[tilespmem:s13], [sflag:$0x1] =	stream.indirect.gather [hbm4b:s3+s12], $0x80, s29, s12, $0xb8;
	[tilespmem:$0x1D000] =	vst v63  }
0xa6: {  	_ = 	snop  }
0xa7: {  	[tilespmem:s14], [sflag:$0x2] =	stream.indirect.gather [hbm4b:s3+s12], $0x80, s30, s12, $0xb8;
	[tilespmem:$0x1D000] =	vst v63  }
0xa8: {  	_ = 	snop  }
0xa9: {  	[tilespmem:s15], [sflag:$0x3] =	stream.indirect.gather [hbm4b:s3+s12], $0x80, s31, s12, $0xb8;
	[tilespmem:$0x1D000] =	vst v63  }
0xaa: {  	_ = 	snop  }
0xab: {  	[tilespmem:s16], [sflag:$0x4] =	stream.indirect.gather [hbm4b:s3+s12], $0x80, s0, s12, $0xb8;
	[tilespmem:$0x1D000] =	vst v63  }
0xac: {  	_ =	swait.ge [sflag:s17], $0x2000  }
0xad: {  	[sflag:s17] =	ssyncset.done $0x0  }
0xae: {  	[sflag:s17] =	ssyncadd.s32 $0xFFFFE000  }
0xaf: {  	[spmem:s1] =	stream.indirect.scatter.add.f32 [tilespmem:s13], [sflag:$0x5], $0x80, s4, s12, $0xb8;
	[tilespmem:$0x1D000] =	vst v63  }
0xb0: {  	_ =	swait.ge [sflag:s18], $0x2000  }
0xb1: {  	[sflag:s18] =	ssyncset.done $0x0  }
0xb2: {  	[sflag:s18] =	ssyncadd.s32 $0xFFFFE000  }
0xb3: {  	[spmem:s1] =	stream.indirect.scatter.add.f32 [tilespmem:s14], [sflag:$0x6], $0x80, s6, s12, $0xb8;
	[tilespmem:$0x1D000] =	vst v63  }
0xb4: {  	_ =	swait.ge [sflag:s19], $0x2000  }
0xb5: {  	[sflag:s19] =	ssyncset.done $0x0  }
0xb6: {  	[sflag:s19] =	ssyncadd.s32 $0xFFFFE000  }
0xb7: {  	[spmem:s1] =	stream.indirect.scatter.add.f32 [tilespmem:s15], [sflag:$0x7], $0x80, s7, s12, $0xb8;
	[tilespmem:$0x1D000] =	vst v63  }
0xb8: {  	_ =	swait.ge [sflag:s20], $0x2000  }
0xb9: {  	[sflag:s20] =	ssyncset.done $0x0  }
0xba: {  	[sflag:s20] =	ssyncadd.s32 $0xFFFFE000  }
0xbb: {  	[spmem:s1] =	stream.indirect.scatter.add.f32 [tilespmem:s16], [sflag:$0x8], $0x80, s8, s12, $0xb8;
	[tilespmem:$0x1D000] =	vst v63  }
0xbc: {  	_ =	swait.ge [sflag:s21], $0x2000  }
0xbd: {  	[sflag:s21] =	ssyncset.done $0x0  }
0xbe: {  	[sflag:s21] =	ssyncadd.s32 $0xFFFFE000  }
0xbf: {  	_ =	swait.ge [sflag:s22], $0x2000  }
0xc0: {  	[sflag:s22] =	ssyncset.done $0x0  }
0xc1: {  	[sflag:s22] =	ssyncadd.s32 $0xFFFFE000  }
0xc2: {  	_ =	swait.ge [sflag:s23], $0x2000  }
0xc3: {  	[sflag:s23] =	ssyncset.done $0x0  }
0xc4: {  	[sflag:s23] =	ssyncadd.s32 $0xFFFFE000  }
0xc5: {  	s24 =	simm.s32 $0x100;
	_ =	swait.ge [sflag:s26], $0x2000  }
0xc6: {  	s25 =	simm.s32 $0x200;
	s5 =	rddreg [dreg:$0x4];
	[sflag:s26] =	ssyncset.done $0x0  }
.LBB2_2:
0xc7: {  	[sflag:s26] =	ssyncadd.s32 $0xFFFFE000;
	s5 =	sadd.s32 s24, s5  }
0xc8: {  	[tilespmem:s2], [sflag:$0x9] =	stream.linear.gather [hbm4b:s5+s2], $0x800, $0x38;
	[tilespmem:$0x1D000] =	vst v63  }
0xc9: {  	_ =	swait.ge [sflag:s10], $0x800  }
0xca: {  	s5 =	rddreg [dreg:$0x3];
	[sflag:s10] =	ssyncset.done $0x0  }
0xcb: {  	[sflag:s10] =	ssyncadd.s32 $0xFFFFF800;
	s5 =	sadd.s32 s24, s5  }
0xcc: {  	[tilespmem:s11], [sflag:$0x9] =	stream.linear.gather [hbm4b:s5+s2], $0x800, $0x38;
	[tilespmem:$0x1D000] =	vst v63  }
0xcd: {  	_ =	swait.ge [sflag:s10], $0x800  }
0xce: {  	[sflag:s10] =	ssyncset.done $0x0  }
0xcf: {  	[sflag:s10] =	ssyncadd.s32 $0xFFFFF800  }
0xd0: {  	[tilespmem:s13], [sflag:$0x1] =	stream.indirect.gather [hbm4b:s3+s12], $0x80, s2, s12, $0xb8;
	[tilespmem:$0x1D000] =	vst v63  }
0xd1: {  	s9 =	smov.u32 s25;
	s5 =	rddreg [dreg:$0x5]  }
0xd2: {  	[tilespmem:s14], [sflag:$0x2] =	stream.indirect.gather [hbm4b:s3+s12], $0x80, s5, s12, $0xb8;
	[tilespmem:$0x1D000] =	vst v63  }
0xd3: {  	s24 =	smov.u32 s9;
	s9 =	rddreg [dreg:$0x6]  }
0xd4: {  	[tilespmem:s15], [sflag:$0x3] =	stream.indirect.gather [hbm4b:s3+s12], $0x80, s9, s12, $0xb8;
	[tilespmem:$0x1D000] =	vst v63  }
0xd5: {  	s5 =	rddreg [dreg:$0x7]  }
0xd6: {  	[tilespmem:s16], [sflag:$0x4] =	stream.indirect.gather [hbm4b:s3+s12], $0x80, s5, s12, $0xb8;
	[tilespmem:$0x1D000] =	vst v63  }
0xd7: {  	_ =	swait.ge [sflag:s17], $0x2000  }
0xd8: {  	[sflag:s17] =	ssyncset.done $0x0  }
0xd9: {  	[sflag:s17] =	ssyncadd.s32 $0xFFFFE000  }
0xda: {  	[spmem:s1] =	stream.indirect.scatter.add.f32 [tilespmem:s13], [sflag:$0x5], $0x80, s11, s12, $0xb8;
	[tilespmem:$0x1D000] =	vst v63  }
0xdb: {  	_ =	swait.ge [sflag:s18], $0x2000  }
0xdc: {  	[sflag:s18] =	ssyncset.done $0x0  }
0xdd: {  	s9 =	rddreg [dreg:$0x8];
	[sflag:s18] =	ssyncadd.s32 $0xFFFFE000  }
0xde: {  	[spmem:s1] =	stream.indirect.scatter.add.f32 [tilespmem:s14], [sflag:$0x6], $0x80, s9, s12, $0xb8;
	[tilespmem:$0x1D000] =	vst v63  }
0xdf: {  	_ =	swait.ge [sflag:s19], $0x2000  }
0xe0: {  	[sflag:s19] =	ssyncset.done $0x0  }
0xe1: {  	s9 =	rddreg [dreg:$0x9];
	[sflag:s19] =	ssyncadd.s32 $0xFFFFE000  }
0xe2: {  	[spmem:s1] =	stream.indirect.scatter.add.f32 [tilespmem:s15], [sflag:$0x7], $0x80, s9, s12, $0xb8;
	[tilespmem:$0x1D000] =	vst v63  }
0xe3: {  	_ =	swait.ge [sflag:s20], $0x2000  }
0xe4: {  	[sflag:s20] =	ssyncset.done $0x0  }
0xe5: {  	s9 =	rddreg [dreg:$0xa];
	[sflag:s20] =	ssyncadd.s32 $0xFFFFE000  }
0xe6: {  	[spmem:s1] =	stream.indirect.scatter.add.f32 [tilespmem:s16], [sflag:$0x8], $0x80, s9, s12, $0xb8;
	[tilespmem:$0x1D000] =	vst v63  }
0xe7: {  	_ =	swait.ge [sflag:s21], $0x2000  }
0xe8: {  	[sflag:s21] =	ssyncset.done $0x0  }
0xe9: {  	[sflag:s21] =	ssyncadd.s32 $0xFFFFE000  }
0xea: {  	_ =	swait.ge [sflag:s22], $0x2000  }
0xeb: {  	[sflag:s22] =	ssyncset.done $0x0  }
0xec: {  	[sflag:s22] =	ssyncadd.s32 $0xFFFFE000  }
0xed: {  	_ =	swait.ge [sflag:s23], $0x2000  }
0xee: {  	[sflag:s23] =	ssyncset.done $0x0  }
0xef: {  	[sflag:s23] =	ssyncadd.s32 $0xFFFFE000  }
0xf0: {  	_ =	swait.ge [sflag:s26], $0x2000  }
0xf1: {  	[sflag:s26] =	ssyncset.done $0x0  }
0xf2: {  	s5 =	rddreg [dreg:$0xb];
	[sflag:s26] =	ssyncadd.s32 $0xFFFFE000  }
0xf3: {  	[tilespmem:s13], [sflag:$0x1] =	stream.indirect.gather [hbm4b:s3+s12], $0x80, s5, s12, $0xb8;
	[tilespmem:$0x1D000] =	vst v63  }
0xf4: {  	s9 =	rddreg [dreg:$0xc]  }
0xf5: {  	[tilespmem:s14], [sflag:$0x2] =	stream.indirect.gather [hbm4b:s3+s12], $0x80, s9, s12, $0xb8;
	[tilespmem:$0x1D000] =	vst v63  }
0xf6: {  	s5 =	rddreg [dreg:$0xd]  }
0xf7: {  	[tilespmem:s15], [sflag:$0x3] =	stream.indirect.gather [hbm4b:s3+s12], $0x80, s5, s12, $0xb8;
	[tilespmem:$0x1D000] =	vst v63  }
0xf8: {  	s9 =	rddreg [dreg:$0xe]  }
0xf9: {  	[tilespmem:s16], [sflag:$0x4] =	stream.indirect.gather [hbm4b:s3+s12], $0x80, s9, s12, $0xb8;
	[tilespmem:$0x1D000] =	vst v63  }
0xfa: {  	_ =	swait.ge [sflag:s17], $0x2000  }
0xfb: {  	[sflag:s17] =	ssyncset.done $0x0  }
0xfc: {  	s9 =	rddreg [dreg:$0xf];
	[sflag:s17] =	ssyncadd.s32 $0xFFFFE000  }
0xfd: {  	[spmem:s1] =	stream.indirect.scatter.add.f32 [tilespmem:s13], [sflag:$0x5], $0x80, s9, s12, $0xb8;
	[tilespmem:$0x1D000] =	vst v63  }
0xfe: {  	_ =	swait.ge [sflag:s18], $0x2000  }
0xff: {  	[sflag:s18] =	ssyncset.done $0x0  }
0x100: {  	s9 =	rddreg [dreg:$0x10];
	[sflag:s18] =	ssyncadd.s32 $0xFFFFE000  }
0x101: {  	[spmem:s1] =	stream.indirect.scatter.add.f32 [tilespmem:s14], [sflag:$0x6], $0x80, s9, s12, $0xb8;
	[tilespmem:$0x1D000] =	vst v63  }
0x102: {  	_ =	swait.ge [sflag:s19], $0x2000  }
0x103: {  	[sflag:s19] =	ssyncset.done $0x0  }
0x104: {  	s9 =	rddreg [dreg:$0x11];
	[sflag:s19] =	ssyncadd.s32 $0xFFFFE000  }
0x105: {  	[spmem:s1] =	stream.indirect.scatter.add.f32 [tilespmem:s15], [sflag:$0x7], $0x80, s9, s12, $0xb8;
	[tilespmem:$0x1D000] =	vst v63  }
0x106: {  	_ =	swait.ge [sflag:s20], $0x2000  }
0x107: {  	[sflag:s20] =	ssyncset.done $0x0  }
0x108: {  	s9 =	rddreg [dreg:$0x12];
	[sflag:s20] =	ssyncadd.s32 $0xFFFFE000  }
0x109: {  	[spmem:s1] =	stream.indirect.scatter.add.f32 [tilespmem:s16], [sflag:$0x8], $0x80, s9, s12, $0xb8;
	[tilespmem:$0x1D000] =	vst v63  }
0x10a: {  	_ =	swait.ge [sflag:s21], $0x2000  }
0x10b: {  	[sflag:s21] =	ssyncset.done $0x0  }
0x10c: {  	[sflag:s21] =	ssyncadd.s32 $0xFFFFE000  }
0x10d: {  	_ =	swait.ge [sflag:s22], $0x2000  }
0x10e: {  	[sflag:s22] =	ssyncset.done $0x0  }
0x10f: {  	[sflag:s22] =	ssyncadd.s32 $0xFFFFE000  }
0x110: {  	_ =	swait.ge [sflag:s23], $0x2000  }
0x111: {  	[sflag:s23] =	ssyncset.done $0x0  }
0x112: {  	[sflag:s23] =	ssyncadd.s32 $0xFFFFE000  }
0x113: {  	_ =	swait.ge [sflag:s26], $0x2000  }
0x114: {  	[sflag:s26] =	ssyncset.done $0x0  }
0x115: {  	s5 =	rddreg [dreg:$0x13];
	[sflag:s26] =	ssyncadd.s32 $0xFFFFE000  }
0x116: {  	[tilespmem:s13], [sflag:$0x1] =	stream.indirect.gather [hbm4b:s3+s12], $0x80, s5, s12, $0xb8;
	[tilespmem:$0x1D000] =	vst v63  }
0x117: {  	s9 =	rddreg [dreg:$0x14]  }
0x118: {  	[tilespmem:s14], [sflag:$0x2] =	stream.indirect.gather [hbm4b:s3+s12], $0x80, s9, s12, $0xb8;
	[tilespmem:$0x1D000] =	vst v63  }
0x119: {  	s5 =	rddreg [dreg:$0x15]  }
0x11a: {  	[tilespmem:s15], [sflag:$0x3] =	stream.indirect.gather [hbm4b:s3+s12], $0x80, s5, s12, $0xb8;
	[tilespmem:$0x1D000] =	vst v63  }
0x11b: {  	s9 =	rddreg [dreg:$0x16]  }
0x11c: {  	[tilespmem:s16], [sflag:$0x4] =	stream.indirect.gather [hbm4b:s3+s12], $0x80, s9, s12, $0xb8;
	[tilespmem:$0x1D000] =	vst v63  }
0x11d: {  	_ =	swait.ge [sflag:s17], $0x2000  }
0x11e: {  	[sflag:s17] =	ssyncset.done $0x0  }
0x11f: {  	s9 =	rddreg [dreg:$0x17];
	[sflag:s17] =	ssyncadd.s32 $0xFFFFE000  }
0x120: {  	[spmem:s1] =	stream.indirect.scatter.add.f32 [tilespmem:s13], [sflag:$0x5], $0x80, s9, s12, $0xb8;
	[tilespmem:$0x1D000] =	vst v63  }
0x121: {  	_ =	swait.ge [sflag:s18], $0x2000  }
0x122: {  	[sflag:s18] =	ssyncset.done $0x0  }
0x123: {  	s9 =	rddreg [dreg:$0x18];
	[sflag:s18] =	ssyncadd.s32 $0xFFFFE000  }
0x124: {  	[spmem:s1] =	stream.indirect.scatter.add.f32 [tilespmem:s14], [sflag:$0x6], $0x80, s9, s12, $0xb8;
	[tilespmem:$0x1D000] =	vst v63  }
0x125: {  	_ =	swait.ge [sflag:s19], $0x2000  }
0x126: {  	[sflag:s19] =	ssyncset.done $0x0  }
0x127: {  	s9 =	rddreg [dreg:$0x19];
	[sflag:s19] =	ssyncadd.s32 $0xFFFFE000  }
0x128: {  	[spmem:s1] =	stream.indirect.scatter.add.f32 [tilespmem:s15], [sflag:$0x7], $0x80, s9, s12, $0xb8;
	[tilespmem:$0x1D000] =	vst v63  }
0x129: {  	_ =	swait.ge [sflag:s20], $0x2000  }
0x12a: {  	[sflag:s20] =	ssyncset.done $0x0  }
0x12b: {  	[sflag:s20] =	ssyncadd.s32 $0xFFFFE000  }
0x12c: {  	[spmem:s1] =	stream.indirect.scatter.add.f32 [tilespmem:s16], [sflag:$0x8], $0x80, s28, s12, $0xb8;
	[tilespmem:$0x1D000] =	vst v63  }
0x12d: {  	_ =	swait.ge [sflag:s21], $0x2000  }
0x12e: {  	[sflag:s21] =	ssyncset.done $0x0  }
0x12f: {  	[sflag:s21] =	ssyncadd.s32 $0xFFFFE000  }
0x130: {  	_ =	swait.ge [sflag:s22], $0x2000  }
0x131: {  	[sflag:s22] =	ssyncset.done $0x0  }
0x132: {  	[sflag:s22] =	ssyncadd.s32 $0xFFFFE000  }
0x133: {  	_ =	swait.ge [sflag:s23], $0x2000  }
0x134: {  	[sflag:s23] =	ssyncset.done $0x0  }
0x135: {  	[sflag:s23] =	ssyncadd.s32 $0xFFFFE000  }
0x136: {  	_ =	swait.ge [sflag:s26], $0x2000  }
0x137: {  	[sflag:s26] =	ssyncset.done $0x0  }
0x138: {  	[sflag:s26] =	ssyncadd.s32 $0xFFFFE000  }
0x139: {  	[tilespmem:s13], [sflag:$0x1] =	stream.indirect.gather [hbm4b:s3+s12], $0x80, s29, s12, $0xb8;
	[tilespmem:$0x1D000] =	vst v63  }
0x13a: {  	_ = 	snop  }
0x13b: {  	[tilespmem:s14], [sflag:$0x2] =	stream.indirect.gather [hbm4b:s3+s12], $0x80, s30, s12, $0xb8;
	[tilespmem:$0x1D000] =	vst v63  }
0x13c: {  	_ = 	snop  }
0x13d: {  	[tilespmem:s15], [sflag:$0x3] =	stream.indirect.gather [hbm4b:s3+s12], $0x80, s31, s12, $0xb8;
	[tilespmem:$0x1D000] =	vst v63  }
0x13e: {  	_ = 	snop  }
0x13f: {  	[tilespmem:s16], [sflag:$0x4] =	stream.indirect.gather [hbm4b:s3+s12], $0x80, s0, s12, $0xb8;
	[tilespmem:$0x1D000] =	vst v63  }
0x140: {  	_ =	swait.ge [sflag:s17], $0x2000  }
0x141: {  	[sflag:s17] =	ssyncset.done $0x0  }
0x142: {  	[sflag:s17] =	ssyncadd.s32 $0xFFFFE000  }
0x143: {  	[spmem:s1] =	stream.indirect.scatter.add.f32 [tilespmem:s13], [sflag:$0x5], $0x80, s4, s12, $0xb8;
	[tilespmem:$0x1D000] =	vst v63  }
0x144: {  	_ =	swait.ge [sflag:s18], $0x2000  }
0x145: {  	[sflag:s18] =	ssyncset.done $0x0  }
0x146: {  	[sflag:s18] =	ssyncadd.s32 $0xFFFFE000  }
0x147: {  	[spmem:s1] =	stream.indirect.scatter.add.f32 [tilespmem:s14], [sflag:$0x6], $0x80, s6, s12, $0xb8;
	[tilespmem:$0x1D000] =	vst v63  }
0x148: {  	_ =	swait.ge [sflag:s19], $0x2000  }
0x149: {  	[sflag:s19] =	ssyncset.done $0x0  }
0x14a: {  	[sflag:s19] =	ssyncadd.s32 $0xFFFFE000  }
0x14b: {  	[spmem:s1] =	stream.indirect.scatter.add.f32 [tilespmem:s15], [sflag:$0x7], $0x80, s7, s12, $0xb8;
	[tilespmem:$0x1D000] =	vst v63  }
0x14c: {  	_ =	swait.ge [sflag:s20], $0x2000  }
0x14d: {  	[sflag:s20] =	ssyncset.done $0x0  }
0x14e: {  	[sflag:s20] =	ssyncadd.s32 $0xFFFFE000  }
0x14f: {  	[spmem:s1] =	stream.indirect.scatter.add.f32 [tilespmem:s16], [sflag:$0x8], $0x80, s8, s12, $0xb8;
	[tilespmem:$0x1D000] =	vst v63  }
0x150: {  	_ =	swait.ge [sflag:s21], $0x2000  }
0x151: {  	[sflag:s21] =	ssyncset.done $0x0  }
0x152: {  	[sflag:s21] =	ssyncadd.s32 $0xFFFFE000  }
0x153: {  	_ =	swait.ge [sflag:s22], $0x2000  }
0x154: {  	[sflag:s22] =	ssyncset.done $0x0  }
0x155: {  	p1 =	sne.s32 s25, $0x1300;
	[sflag:s22] =	ssyncadd.s32 $0xFFFFE000  }
.Ltmp0:
0x156: {  	_ =	swait.ge [sflag:s23], $0x2000;
	(pc) =	sbr.rel @p1 .LBB2_2-.Ltmp0, $4  }
0x157: {  	[sflag:s23] =	ssyncset.done $0x0  }
0x158: {  	[sflag:s23] =	ssyncadd.s32 $0xFFFFE000  }
0x159: {  	_ =	swait.ge [sflag:s26], $0x2000  }
0x15a: {  	s25 =	sadd.s32 $0x100, s25;
	s5 =	rddreg [dreg:$0x4];
	[sflag:s26] =	ssyncset.done $0x0  }
0x15b: {  	[sflag:s26] =	ssyncadd.s32 $0xFFFFE000;
	s5 =	sadd.s32 s24, s5  }
0x15c: {  	[tilespmem:s2], [sflag:$0x9] =	stream.linear.gather [hbm4b:s5+s2], $0x800, $0x38;
	[tilespmem:$0x1D000] =	vst v63  }
0x15d: {  	_ =	swait.ge [sflag:s10], $0x800  }
0x15e: {  	s9 =	rddreg [dreg:$0x3];
	[sflag:s10] =	ssyncset.done $0x0  }
0x15f: {  	[sflag:s10] =	ssyncadd.s32 $0xFFFFF800;
	s5 =	sadd.s32 s24, s9  }
0x160: {  	[tilespmem:s11], [sflag:$0x9] =	stream.linear.gather [hbm4b:s5+s2], $0x800, $0x38;
	[tilespmem:$0x1D000] =	vst v63  }
0x161: {  	_ =	swait.ge [sflag:s10], $0x800  }
0x162: {  	[sflag:s10] =	ssyncset.done $0x0  }
0x163: {  	[sflag:s10] =	ssyncadd.s32 $0xFFFFF800  }
0x164: {  	[tilespmem:s13], [sflag:$0x1] =	stream.indirect.gather [hbm4b:s3+s12], $0x80, s2, s12, $0xb8;
	[tilespmem:$0x1D000] =	vst v63  }
0x165: {  	s24 =	rddreg [dreg:$0x5]  }
0x166: {  	[tilespmem:s14], [sflag:$0x2] =	stream.indirect.gather [hbm4b:s3+s12], $0x80, s24, s12, $0xb8;
	[tilespmem:$0x1D000] =	vst v63  }
0x167: {  	s9 =	rddreg [dreg:$0x6]  }
0x168: {  	[tilespmem:s15], [sflag:$0x3] =	stream.indirect.gather [hbm4b:s3+s12], $0x80, s9, s12, $0xb8;
	[tilespmem:$0x1D000] =	vst v63  }
0x169: {  	s25 =	rddreg [dreg:$0x7]  }
0x16a: {  	[tilespmem:s16], [sflag:$0x4] =	stream.indirect.gather [hbm4b:s3+s12], $0x80, s25, s12, $0xb8;
	[tilespmem:$0x1D000] =	vst v63  }
0x16b: {  	_ =	swait.ge [sflag:s17], $0x2000  }
0x16c: {  	[sflag:s17] =	ssyncset.done $0x0  }
0x16d: {  	[sflag:s17] =	ssyncadd.s32 $0xFFFFE000  }
0x16e: {  	[spmem:s1] =	stream.indirect.scatter.add.f32 [tilespmem:s13], [sflag:$0x5], $0x80, s11, s12, $0xb8;
	[tilespmem:$0x1D000] =	vst v63  }
0x16f: {  	_ =	swait.ge [sflag:s18], $0x2000  }
0x170: {  	[sflag:s18] =	ssyncset.done $0x0  }
0x171: {  	s24 =	rddreg [dreg:$0x8];
	[sflag:s18] =	ssyncadd.s32 $0xFFFFE000  }
0x172: {  	[spmem:s1] =	stream.indirect.scatter.add.f32 [tilespmem:s14], [sflag:$0x6], $0x80, s24, s12, $0xb8;
	[tilespmem:$0x1D000] =	vst v63  }
0x173: {  	_ =	swait.ge [sflag:s19], $0x2000  }
0x174: {  	[sflag:s19] =	ssyncset.done $0x0  }
0x175: {  	s25 =	rddreg [dreg:$0x9];
	[sflag:s19] =	ssyncadd.s32 $0xFFFFE000  }
0x176: {  	[spmem:s1] =	stream.indirect.scatter.add.f32 [tilespmem:s15], [sflag:$0x7], $0x80, s25, s12, $0xb8;
	[tilespmem:$0x1D000] =	vst v63  }
0x177: {  	_ =	swait.ge [sflag:s20], $0x2000  }
0x178: {  	[sflag:s20] =	ssyncset.done $0x0  }
0x179: {  	s9 =	rddreg [dreg:$0xa];
	[sflag:s20] =	ssyncadd.s32 $0xFFFFE000  }
0x17a: {  	[spmem:s1] =	stream.indirect.scatter.add.f32 [tilespmem:s16], [sflag:$0x8], $0x80, s9, s12, $0xb8;
	[tilespmem:$0x1D000] =	vst v63  }
0x17b: {  	_ =	swait.ge [sflag:s21], $0x2000  }
0x17c: {  	[sflag:s21] =	ssyncset.done $0x0  }
0x17d: {  	[sflag:s21] =	ssyncadd.s32 $0xFFFFE000  }
0x17e: {  	_ =	swait.ge [sflag:s22], $0x2000  }
0x17f: {  	[sflag:s22] =	ssyncset.done $0x0  }
0x180: {  	[sflag:s22] =	ssyncadd.s32 $0xFFFFE000  }
0x181: {  	_ =	swait.ge [sflag:s23], $0x2000  }
0x182: {  	[sflag:s23] =	ssyncset.done $0x0  }
0x183: {  	[sflag:s23] =	ssyncadd.s32 $0xFFFFE000  }
0x184: {  	_ =	swait.ge [sflag:s26], $0x2000  }
0x185: {  	[sflag:s26] =	ssyncset.done $0x0  }
0x186: {  	s24 =	rddreg [dreg:$0xb];
	[sflag:s26] =	ssyncadd.s32 $0xFFFFE000  }
0x187: {  	[tilespmem:s13], [sflag:$0x1] =	stream.indirect.gather [hbm4b:s3+s12], $0x80, s24, s12, $0xb8;
	[tilespmem:$0x1D000] =	vst v63  }
0x188: {  	s25 =	rddreg [dreg:$0xc]  }
0x189: {  	[tilespmem:s14], [sflag:$0x2] =	stream.indirect.gather [hbm4b:s3+s12], $0x80, s25, s12, $0xb8;
	[tilespmem:$0x1D000] =	vst v63  }
0x18a: {  	s24 =	rddreg [dreg:$0xd]  }
0x18b: {  	[tilespmem:s15], [sflag:$0x3] =	stream.indirect.gather [hbm4b:s3+s12], $0x80, s24, s12, $0xb8;
	[tilespmem:$0x1D000] =	vst v63  }
0x18c: {  	s25 =	rddreg [dreg:$0xe]  }
0x18d: {  	[tilespmem:s16], [sflag:$0x4] =	stream.indirect.gather [hbm4b:s3+s12], $0x80, s25, s12, $0xb8;
	[tilespmem:$0x1D000] =	vst v63  }
0x18e: {  	_ =	swait.ge [sflag:s17], $0x2000  }
0x18f: {  	[sflag:s17] =	ssyncset.done $0x0  }
0x190: {  	s9 =	rddreg [dreg:$0xf];
	[sflag:s17] =	ssyncadd.s32 $0xFFFFE000  }
0x191: {  	[spmem:s1] =	stream.indirect.scatter.add.f32 [tilespmem:s13], [sflag:$0x5], $0x80, s9, s12, $0xb8;
	[tilespmem:$0x1D000] =	vst v63  }
0x192: {  	_ =	swait.ge [sflag:s18], $0x2000  }
0x193: {  	[sflag:s18] =	ssyncset.done $0x0  }
0x194: {  	s24 =	rddreg [dreg:$0x10];
	[sflag:s18] =	ssyncadd.s32 $0xFFFFE000  }
0x195: {  	[spmem:s1] =	stream.indirect.scatter.add.f32 [tilespmem:s14], [sflag:$0x6], $0x80, s24, s12, $0xb8;
	[tilespmem:$0x1D000] =	vst v63  }
0x196: {  	_ =	swait.ge [sflag:s19], $0x2000  }
0x197: {  	[sflag:s19] =	ssyncset.done $0x0  }
0x198: {  	s25 =	rddreg [dreg:$0x11];
	[sflag:s19] =	ssyncadd.s32 $0xFFFFE000  }
0x199: {  	[spmem:s1] =	stream.indirect.scatter.add.f32 [tilespmem:s15], [sflag:$0x7], $0x80, s25, s12, $0xb8;
	[tilespmem:$0x1D000] =	vst v63  }
0x19a: {  	_ =	swait.ge [sflag:s20], $0x2000  }
0x19b: {  	[sflag:s20] =	ssyncset.done $0x0  }
0x19c: {  	s9 =	rddreg [dreg:$0x12];
	[sflag:s20] =	ssyncadd.s32 $0xFFFFE000  }
0x19d: {  	[spmem:s1] =	stream.indirect.scatter.add.f32 [tilespmem:s16], [sflag:$0x8], $0x80, s9, s12, $0xb8;
	[tilespmem:$0x1D000] =	vst v63  }
0x19e: {  	_ =	swait.ge [sflag:s21], $0x2000  }
0x19f: {  	[sflag:s21] =	ssyncset.done $0x0  }
0x1a0: {  	[sflag:s21] =	ssyncadd.s32 $0xFFFFE000  }
0x1a1: {  	_ =	swait.ge [sflag:s22], $0x2000  }
0x1a2: {  	[sflag:s22] =	ssyncset.done $0x0  }
0x1a3: {  	[sflag:s22] =	ssyncadd.s32 $0xFFFFE000  }
0x1a4: {  	_ =	swait.ge [sflag:s23], $0x2000  }
0x1a5: {  	[sflag:s23] =	ssyncset.done $0x0  }
0x1a6: {  	[sflag:s23] =	ssyncadd.s32 $0xFFFFE000  }
0x1a7: {  	_ =	swait.ge [sflag:s26], $0x2000  }
0x1a8: {  	[sflag:s26] =	ssyncset.done $0x0  }
0x1a9: {  	s24 =	rddreg [dreg:$0x13];
	[sflag:s26] =	ssyncadd.s32 $0xFFFFE000  }
0x1aa: {  	[tilespmem:s13], [sflag:$0x1] =	stream.indirect.gather [hbm4b:s3+s12], $0x80, s24, s12, $0xb8;
	[tilespmem:$0x1D000] =	vst v63  }
0x1ab: {  	s25 =	rddreg [dreg:$0x14]  }
0x1ac: {  	[tilespmem:s14], [sflag:$0x2] =	stream.indirect.gather [hbm4b:s3+s12], $0x80, s25, s12, $0xb8;
	[tilespmem:$0x1D000] =	vst v63  }
0x1ad: {  	s24 =	rddreg [dreg:$0x15]  }
0x1ae: {  	[tilespmem:s15], [sflag:$0x3] =	stream.indirect.gather [hbm4b:s3+s12], $0x80, s24, s12, $0xb8;
	[tilespmem:$0x1D000] =	vst v63  }
0x1af: {  	s25 =	rddreg [dreg:$0x16]  }
0x1b0: {  	[tilespmem:s16], [sflag:$0x4] =	stream.indirect.gather [hbm4b:s3+s12], $0x80, s25, s12, $0xb8;
	[tilespmem:$0x1D000] =	vst v63  }
0x1b1: {  	_ =	swait.ge [sflag:s17], $0x2000  }
0x1b2: {  	[sflag:s17] =	ssyncset.done $0x0  }
0x1b3: {  	s9 =	rddreg [dreg:$0x17];
	[sflag:s17] =	ssyncadd.s32 $0xFFFFE000  }
0x1b4: {  	[spmem:s1] =	stream.indirect.scatter.add.f32 [tilespmem:s13], [sflag:$0x5], $0x80, s9, s12, $0xb8;
	[tilespmem:$0x1D000] =	vst v63  }
0x1b5: {  	_ =	swait.ge [sflag:s18], $0x2000  }
0x1b6: {  	[sflag:s18] =	ssyncset.done $0x0  }
0x1b7: {  	s24 =	rddreg [dreg:$0x18];
	[sflag:s18] =	ssyncadd.s32 $0xFFFFE000  }
0x1b8: {  	[spmem:s1] =	stream.indirect.scatter.add.f32 [tilespmem:s14], [sflag:$0x6], $0x80, s24, s12, $0xb8;
	[tilespmem:$0x1D000] =	vst v63  }
0x1b9: {  	_ =	swait.ge [sflag:s19], $0x2000  }
0x1ba: {  	[sflag:s19] =	ssyncset.done $0x0  }
0x1bb: {  	s25 =	rddreg [dreg:$0x19];
	[sflag:s19] =	ssyncadd.s32 $0xFFFFE000  }
0x1bc: {  	[spmem:s1] =	stream.indirect.scatter.add.f32 [tilespmem:s15], [sflag:$0x7], $0x80, s25, s12, $0xb8;
	[tilespmem:$0x1D000] =	vst v63  }
0x1bd: {  	_ =	swait.ge [sflag:s20], $0x2000  }
0x1be: {  	[sflag:s20] =	ssyncset.done $0x0  }
0x1bf: {  	[sflag:s20] =	ssyncadd.s32 $0xFFFFE000  }
0x1c0: {  	[spmem:s1] =	stream.indirect.scatter.add.f32 [tilespmem:s16], [sflag:$0x8], $0x80, s28, s12, $0xb8;
	[tilespmem:$0x1D000] =	vst v63  }
0x1c1: {  	_ =	swait.ge [sflag:s21], $0x2000  }
0x1c2: {  	[sflag:s21] =	ssyncset.done $0x0  }
0x1c3: {  	[sflag:s21] =	ssyncadd.s32 $0xFFFFE000  }
0x1c4: {  	_ =	swait.ge [sflag:s22], $0x2000  }
0x1c5: {  	[sflag:s22] =	ssyncset.done $0x0  }
0x1c6: {  	[sflag:s22] =	ssyncadd.s32 $0xFFFFE000  }
0x1c7: {  	_ =	swait.ge [sflag:s23], $0x2000  }
0x1c8: {  	[sflag:s23] =	ssyncset.done $0x0  }
0x1c9: {  	[sflag:s23] =	ssyncadd.s32 $0xFFFFE000  }
0x1ca: {  	_ =	swait.ge [sflag:s26], $0x2000  }
0x1cb: {  	[sflag:s26] =	ssyncset.done $0x0  }
0x1cc: {  	[sflag:s26] =	ssyncadd.s32 $0xFFFFE000  }
0x1cd: {  	[tilespmem:s13], [sflag:$0x1] =	stream.indirect.gather [hbm4b:s3+s12], $0x80, s29, s12, $0xb8;
	[tilespmem:$0x1D000] =	vst v63  }
0x1ce: {  	_ = 	snop  }
0x1cf: {  	[tilespmem:s14], [sflag:$0x2] =	stream.indirect.gather [hbm4b:s3+s12], $0x80, s30, s12, $0xb8;
	[tilespmem:$0x1D000] =	vst v63  }
0x1d0: {  	_ = 	snop  }
0x1d1: {  	[tilespmem:s15], [sflag:$0x3] =	stream.indirect.gather [hbm4b:s3+s12], $0x80, s31, s12, $0xb8;
	[tilespmem:$0x1D000] =	vst v63  }
0x1d2: {  	_ = 	snop  }
0x1d3: {  	[tilespmem:s16], [sflag:$0x4] =	stream.indirect.gather [hbm4b:s3+s12], $0x80, s0, s12, $0xb8;
	[tilespmem:$0x1D000] =	vst v63  }
0x1d4: {  	_ =	swait.ge [sflag:s17], $0x2000  }
0x1d5: {  	[sflag:s17] =	ssyncset.done $0x0  }
0x1d6: {  	[sflag:s17] =	ssyncadd.s32 $0xFFFFE000  }
0x1d7: {  	[spmem:s1] =	stream.indirect.scatter.add.f32 [tilespmem:s13], [sflag:$0x5], $0x80, s4, s12, $0xb8;
	[tilespmem:$0x1D000] =	vst v63  }
0x1d8: {  	_ =	swait.ge [sflag:s18], $0x2000  }
0x1d9: {  	[sflag:s18] =	ssyncset.done $0x0  }
0x1da: {  	[sflag:s18] =	ssyncadd.s32 $0xFFFFE000  }
0x1db: {  	[spmem:s1] =	stream.indirect.scatter.add.f32 [tilespmem:s14], [sflag:$0x6], $0x80, s6, s12, $0xb8;
	[tilespmem:$0x1D000] =	vst v63  }
0x1dc: {  	_ =	swait.ge [sflag:s19], $0x2000  }
0x1dd: {  	[sflag:s19] =	ssyncset.done $0x0  }
0x1de: {  	[sflag:s19] =	ssyncadd.s32 $0xFFFFE000  }
0x1df: {  	[spmem:s1] =	stream.indirect.scatter.add.f32 [tilespmem:s15], [sflag:$0x7], $0x80, s7, s12, $0xb8;
	[tilespmem:$0x1D000] =	vst v63  }
0x1e0: {  	_ =	swait.ge [sflag:s20], $0x2000  }
0x1e1: {  	[sflag:s20] =	ssyncset.done $0x0  }
0x1e2: {  	[sflag:s20] =	ssyncadd.s32 $0xFFFFE000  }
0x1e3: {  	[spmem:s1] =	stream.indirect.scatter.add.f32 [tilespmem:s16], [sflag:$0x8], $0x80, s8, s12, $0xb8;
	[tilespmem:$0x1D000] =	vst v63  }
0x1e4: {  	_ =	swait.ge [sflag:s21], $0x2000  }
0x1e5: {  	[sflag:s21] =	ssyncset.done $0x0  }
0x1e6: {  	[sflag:s21] =	ssyncadd.s32 $0xFFFFE000  }
0x1e7: {  	_ =	swait.ge [sflag:s22], $0x2000  }
0x1e8: {  	[sflag:s22] =	ssyncset.done $0x0  }
0x1e9: {  	[sflag:s22] =	ssyncadd.s32 $0xFFFFE000  }
0x1ea: {  	_ =	swait.ge [sflag:s23], $0x2000  }
0x1eb: {  	[sflag:s23] =	ssyncset.done $0x0  }
0x1ec: {  	[sflag:s23] =	ssyncadd.s32 $0xFFFFE000  }
0x1ed: {  	_ =	swait.ge [sflag:s26], $0x2000  }
0x1ee: {  	[sflag:s26] =	ssyncset.done $0x0  }
0x1ef: {  	[sflag:s26] =	ssyncadd.s32 $0xFFFFE000  }
0x1f0: {  	[bflag:$0x0] =	sbarrier.arrive $0xFFFF  }
0x1f1: {  	s25 =	sld [smem:$0x7FC]  }
0x1f2: {  	s24 =	rddreg [dreg:$0x1b]  }
0x1f3: {  	s9 =	rddreg [dreg:$0x1c]  }
0x1f4: {  	[hbm:s9], [sflag:s24] =	dma.local [spmem:s25], $0x2700  }
0x1f5: {  	_ =	swait.ge [sflag:s10], $0x2700  }
0x1f6: {  	s9 =	sld [smem:$0x7FD]  }
0x1f7: {  	[sflag:s10] =	ssyncset.done $0x0  }
0x1f8: {  	s5 =	rddreg [dreg:$0x1d];
	[sflag:s10] =	ssyncadd.s32 $0xFFFFD900  }
0x1f9: {  	[hbm:s5], [sflag:s24] =	dma.local @!p0 [spmem:s9], $0x100  }
0x1fa: {  	s5 =	simm.s32 @!p0 $0x9  }
0x1fb: {  	_ =	swait.ge @!p0 [sflag:s5], $0x100  }
0x1fc: {  	s25 =	sld [smem:$0x7FB];
	_ =	sdelay $0x2  }
0x1fd: {  	s9 =	rddreg [dreg:$0x1e];
	s25 =	sadd.s32 $0x1, s25  }
0x1fe: {  	p1 =	sne.s32 s25, s9  }
.Ltmp1:
0x1ff: {  	_ = 	snop;
	(pc) =	sbr.rel @p1 .LBB2_1-.Ltmp1, $3  }
0x200: {  	_ =	sdelay $0x1  }
0x201: {  	[sflag:s5] =	ssyncset.done @!p0 $0x0  }
0x202: {  	[sflag:s5] =	ssyncadd.s32 @!p0 $0xFFFFFF00  }
0x203: {  	_ =	sfence.sel $0x180000  }
0x204: {  	[bflag:$0x0] =	sbarrier.arrive $0xFFFF  }
0x205: {  	_ =	strace $0x90000047  }
0x206: {  	[bflag:$0x2] =	sbarrier.arrive $0xFFFF  }
0x207: {  	s0 =	rddreg [dreg:$0x2]  }
0x208: {  	s0 =	sadd.s32 @!p0 $0x100000, s0  }
0x209: {  	[sflag:s0] =	ssyncadd.tile.s32 @!p0 $0x1;
	_ =	shalt  }
.Lfunc_end2:
_tile_overlayer_lowered:
.L_overlay_start_2:
0x20a: {  	(tag) =	ssettag $0x2  }
0x20b: {  	s0 =	rddreg [dreg:$0x0];
	s2 =	stileid.u32  }
0x20c: {  	s1 =	rddreg [dreg:$0x1];
	p0 =	sne.s32 s2, $0x0  }
0x20d: {  	s3 =	rddreg [dreg:$0x2];
	[bflag:$0x3] =	sbarrier.arrive $0xFFFF;
	s2 =	simm.s32 @!p0 $0x1C09  }
0x20e: {  	[timem:s3], [sflag:s2] =	dma.local @!p0 [hbm:s0], s1  }
0x20f: {  	s0 =	simm.s32 @!p0 $0x9  }
0x210: {  	_ =	swait.ge @!p0 [sflag:s0], s1  }
0x211: {  	s1 =	ssub.s32 @!p0 $0x0, s1;
	[sflag:s0] =	ssyncset.done @!p0 $0x0  }
0x212: {  	[sflag:s0] =	ssyncadd.s32 @!p0 s1  }
0x213: {  	[bflag:$0x3] =	sbarrier.arrive $0xFFFF  }
0x214: {  	_ =	shalt  }

// kernel: kernel.14.cloned.1.call-start
scs
__scs_entry_jumppad:
0x0: {  	(pc) =	sbr.rel $0x88, $3  }
0x1: {  	(tag) =	ssettag $0x0;
	lr =	simm.s32 $0x1  }
0x2: {  	[smem:$0x3F92] =	sst lr;
	_ =	strace $0xD0000000  }
0x3: {  	_ = 	snop  }
0x4: {  	_ = 	snop  }
0x5: {  	_ = 	snop  }
0x6: {  	_ = 	snop  }
0x7: {  	_ = 	snop  }
__scs_overlays_trampoline_lowered:
0x8: {  	[smem:$0x3FA1] =	sst s0  }
0x9: {  	[smem:$0x3FA2] =	sst s1  }
0xa: {  	[smem:$0x3FA3] =	sst s2  }
0xb: {  	[smem:$0x3FA4] =	sst s3  }
0xc: {  	[smem:$0x3FA5] =	sst s4  }
0xd: {  	[smem:$0x3FA6] =	sst s5  }
0xe: {  	[smem:$0x3FA7] =	sst s6  }
0xf: {  	[smem:$0x3FA8] =	sst s7  }
0x10: {  	[smem:$0x3FA9] =	sst s8  }
0x11: {  	[smem:$0x3FAA] =	sst s9;
	s0 =	simm.s32 @!p0 $0x0  }
0x12: {  	s1 =	sld [smem:$0x3F90];
	s0 =	simm.s32 @p0 $0x1  }
0x13: {  	[smem:$0x3FAB] =	sst s0;
	s0 =	simm.s32 @!p1 $0x0  }
0x14: {  	s2 =	sld [smem:$0x3F8F];
	s0 =	simm.s32 @p1 $0x1  }
0x15: {  	[smem:$0x3FAC] =	sst s0;
	s0 =	simm.s32 @!p2 $0x0  }
0x16: {  	s3 =	sld [smem:$0x3FDB];
	s0 =	simm.s32 @p2 $0x1  }
0x17: {  	s4 =	simm.s32 $0x1BF5;
	[smem:$0x3FAE] =	sst s0  }
0x18: {  	s0 =	sld [smem:$0x3F91];
	_ =	swait.ge [sflag:s4], $0x0  }
0x19: {  	s7 =	sld [smem:$0x3F92]  }
0x1a: {  	s8 =	sadd.s32 $0xFFFFE003, lr  }
0x1b: {  	s9 =	sadd.s32 $0xFFFFFEF7, lr;
	s5 =	simm.s32 $0xFFFFFFFF;
	p2 =	slt.u32 s8, $0xFFFFF086  }
0x1c: {  	p1 =	slt.u32 s9, $0xF7A;
	s5 =	simm.s32 @!p2 $0x0  }
0x1d: {  	s5 =	simm.s32 @p1 $0x1;
	p0 =	seq.s32 s7, s2  }
0x1e: {  	s7 =	smul.u32 @!p0 $0xF7A, s2;
	p2 =	seq.s32 @!p0 s5, $0x0  }
0x1f: {  	s9 =	smul.u32 $0xF7A, s1;
	s8 =	simm.s32 @!p0 $0x1BF5;
	p2 =	por !p2, p0  }
0x20: {  	[sflag:s8] =	ssyncset.s32 @!p0 $0xFFFFF086;
	s6 =	sadd.s32 @!p0 s3, s7;
	s7 =	simm.s32 @!p0 $0x108  }
0x21: {  	s3 =	sadd.s32 s3, s9;
	s6 =	sadd.s32 @!p0 $0x88, s6;
	s7 =	simm.s32 @p2 $0x1082  }
0x22: {  	[simem:s7], [sflag:s8] =	dma.local @!p0 [hbm:s6], $0xF7A  }
0x23: {  	s9 =	sor.u32 $0xD0000000, s2;
	s6 =	simm.s32 $0x108;
	_ =	swait.ge @!p0 [sflag:s8], $0x0  }
0x24: {  	s3 =	sadd.s32 $0x88, s3;
	s6 =	simm.s32 @!p1 $0x1082;
	[sflag:s4] =	ssyncset.s32 $0xFFFFF086  }
0x25: {  	[simem:s6], [sflag:s4] =	dma.local [hbm:s3], $0xF7A  }
0x26: {  	[smem:$0x3F92] =	sst s1;
	(tag) =	ssettag s2;
	_ =	strace s9  }
0x27: {  	s1 =	sld [smem:$0x3FA2]  }
0x28: {  	s2 =	sld [smem:$0x3FA3]  }
0x29: {  	s4 =	sld [smem:$0x3FA5]  }
0x2a: {  	p0 =	seq.s32 s5, $0x0;
	s5 =	sld [smem:$0x3FA6]  }
0x2b: {  	s6 =	sld [smem:$0x3FA7]  }
0x2c: {  	s7 =	sld [smem:$0x3FA8]  }
0x2d: {  	s3 =	simm.s32 $0x108;
	s8 =	sld [smem:$0x3FA9]  }
0x2e: {  	s3 =	simm.s32 @!p0 $0x1082;
	s9 =	sld [smem:$0x3FAA]  }
0x2f: {  	lr =	sadd.s32 s0, s3;
	s0 =	sld [smem:$0x3FA1]  }
0x30: {  	s3 =	sld [smem:$0x3FA4]  }
0x31: {  	[smem:$0x3FAD] =	sst s10  }
0x32: {  	s10 =	sld [smem:$0x3FAB];
	_ =	sdelay $0x3  }
0x33: {  	p0 =	seq.s32 s10, $0x1;
	s10 =	sld [smem:$0x3FAD];
	_ =	sdelay $0x3  }
0x34: {  	[smem:$0x3FAD] =	sst s10  }
0x35: {  	s10 =	sld [smem:$0x3FAC];
	_ =	sdelay $0x3  }
0x36: {  	p1 =	seq.s32 s10, $0x1;
	s10 =	sld [smem:$0x3FAD];
	_ =	sdelay $0x3  }
0x37: {  	[smem:$0x3FAD] =	sst s10  }
0x38: {  	s10 =	sld [smem:$0x3FAE]  }
0x39: {  	_ = 	snop;
	(pc) =	sbr.ind lr, $3  }
0x3a: {  	_ = 	snop  }
0x3b: {  	_ = 	snop  }
0x3c: {  	p2 =	seq.s32 s10, $0x1;
	s10 =	sld [smem:$0x3FAD]  }
0x3d: {  	_ =	shalt  }
0x3e: {  	_ =	shalt  }
0x3f: {  	_ =	shalt  }
0x40: {  	_ =	shalt  }
0x41: {  	_ =	shalt  }
0x42: {  	_ =	shalt  }
0x43: {  	_ =	shalt  }
0x44: {  	_ =	shalt  }
0x45: {  	_ =	shalt  }
0x46: {  	_ =	shalt  }
0x47: {  	_ =	shalt  }
0x48: {  	_ =	shalt  }
0x49: {  	_ =	shalt  }
0x4a: {  	_ =	shalt  }
0x4b: {  	_ =	shalt  }
0x4c: {  	_ =	shalt  }
0x4d: {  	_ =	shalt  }
0x4e: {  	_ =	shalt  }
0x4f: {  	_ =	shalt  }
0x50: {  	_ =	shalt  }
0x51: {  	_ =	shalt  }
0x52: {  	_ =	shalt  }
0x53: {  	_ =	shalt  }
0x54: {  	_ =	shalt  }
0x55: {  	_ =	shalt  }
0x56: {  	_ =	shalt  }
0x57: {  	_ =	shalt  }
0x58: {  	_ =	shalt  }
0x59: {  	_ =	shalt  }
0x5a: {  	_ =	shalt  }
0x5b: {  	_ =	shalt  }
0x5c: {  	_ =	shalt  }
0x5d: {  	_ =	shalt  }
0x5e: {  	_ =	shalt  }
0x5f: {  	_ =	shalt  }
0x60: {  	_ =	shalt  }
0x61: {  	_ =	shalt  }
0x62: {  	_ =	shalt  }
0x63: {  	_ =	shalt  }
0x64: {  	_ =	shalt  }
0x65: {  	_ =	shalt  }
0x66: {  	_ =	shalt  }
0x67: {  	_ =	shalt  }
0x68: {  	_ =	shalt  }
0x69: {  	_ =	shalt  }
0x6a: {  	_ =	shalt  }
0x6b: {  	_ =	shalt  }
0x6c: {  	_ =	shalt  }
0x6d: {  	_ =	shalt  }
0x6e: {  	_ =	shalt  }
0x6f: {  	_ =	shalt  }
0x70: {  	_ =	shalt  }
0x71: {  	_ =	shalt  }
0x72: {  	_ =	shalt  }
0x73: {  	_ =	shalt  }
0x74: {  	_ =	shalt  }
0x75: {  	_ =	shalt  }
0x76: {  	_ =	shalt  }
0x77: {  	_ =	shalt  }
0x78: {  	_ =	shalt  }
0x79: {  	_ =	shalt  }
0x7a: {  	_ =	shalt  }
0x7b: {  	_ =	shalt  }
0x7c: {  	_ =	shalt  }
0x7d: {  	_ =	shalt  }
0x7e: {  	_ =	shalt  }
0x7f: {  	_ =	shalt  }
0x80: {  	_ =	shalt  }
0x81: {  	_ =	shalt  }
0x82: {  	_ =	shalt  }
0x83: {  	_ =	shalt  }
0x84: {  	_ =	shalt  }
0x85: {  	_ =	shalt  }
0x86: {  	_ =	shalt  }
0x87: {  	_ =	shalt  }
.Lfunc_end0:
.L_simem_size_0:
called_computation.1_lowered:
.L_overlay_start_0:
0x88: {  	s2 =	sld [smem:$0x3FD9]  }
0x89: {  	s3 =	sld [smem:$0x3FFE];
	_ =	sdelay $0x1  }
0x8a: {  	s1 =	srdreg.scid  }
0x8b: {  	s0 =	sand.u32 $0x1, s1  }
0x8c: {  	s16 =	sshll.u32 s0, $0xA;
	s2 =	sadd.s32 s3, s2  }
0x8d: {  	s2 =	sadd.s32 s2, s16  }
0x8e: {  	[smem:$0x3FB9] =	sst s2  }
0x8f: {  	_ = 	snop  }
0x90: {  	(tm) =	ssettm $0x1  }
0x91: {  	s17 =	sld [smem:$0x3FFB];
	_ =	sdelay $0x3  }
0x92: {  	_ =	strace s17  }
0x93: {  	s2 =	sld [smem:$0x3FFC];
	_ =	sdelay $0x3  }
0x94: {  	_ =	strace s2  }
0x95: {  	s2 =	sld [smem:$0x3FFD];
	_ =	sdelay $0x3  }
0x96: {  	_ =	strace s2  }
0x97: {  	_ =	strace $0x8FFFFFFF  }
0x98: {  	s18 =	sld [smem:$0x3FDB];
	_ =	sdelay $0x1  }
0x99: {  	s19 =	simm.s32 $_scs_section_size  }
0x9a: {  	s4 =	simm.s32 $_size__tile_overlayer_lowered;
	s5 =	simm.s32 $_tile_overlayer_lowered  }
0x9b: {  	s22 =	simm.s32 $0x1BFF;
	s21 =	sshll.u32 s5, $0x1;
	s2 =	sadd.s32 s19, s18  }
0x9c: {  	s6 =	simm.s32 $0x0;
	s20 =	sshll.u32 s4, $0x1;
	s4 =	sadd.s32 s21, s2  }
0x9d: {  	[timem:s6], [sflag:s22] =	dma.local [hbm:s4], s20  }
0x9e: {  	_ =	swait.ge [sflag:s22], s20  }
0x9f: {  	s3 =	ssub.s32 $0x0, s20;
	[sflag:s22] =	ssyncset.done $0x0  }
0xa0: {  	[sflag:s22] =	ssyncadd.s32 s3;
	_ =	sdelay $0x1  }
0xa1: {  	s23 =	simm.s32 $0x1B8B  }
0xa2: {  	_ =	swait.ge [sflag:s23], $0x1  }
0xa3: {  	[sflag:s23] =	ssyncset.done $0x0  }
0xa4: {  	s25 =	simm.s32 $0x1B8E;
	s24 =	sld [smem:$0x3FFE];
	[sflag:s23] =	ssyncadd.s32 $0xFFFFFFFF  }
0xa5: {  	s26 =	simm.s32 $execute0_lowered;
	[smem:$0x3FD2] =	sst s25  }
0xa6: {  	s4 =	sshll.u32 s26, $0x1;
	_ =	strace $0x80000049;
	[dreg:$0x1] =	wrdreg $0xFFFFFFFF  }
0xa7: {  	s28 =	simm.s32 $_size_execute0_lowered;
	s2 =	sadd.s32 s2, s4;
	[dreg:$0x0] =	wrdreg $0x0  }
0xa8: {  	s4 =	sshll.u32 s28, $0x1;
	[dreg:$0x2] =	wrdreg s2  }
0xa9: {  	[dreg:$0x3] =	wrdreg s4  }
0xaa: {  	[dreg:$0x4] =	wrdreg $0xC0  }
0xab: {  	_ =	task [dreg:s6], $0x5FFFF  }
0xac: {  	[dreg:$0x1] =	wrdreg $0xFFFFFFFF  }
0xad: {  	[dreg:$0x0] =	wrdreg $0x60  }
0xae: {  	[dreg:$0x2] =	wrdreg s24  }
0xaf: {  	[dreg:$0x3] =	wrdreg $0x90000  }
0xb0: {  	[dreg:$0x4] =	wrdreg $0x9  }
0xb1: {  	_ =	task.clear_ibuf [dreg:s6], $0x5FFFF;
	_ =	strace $0x90000049  }
0xb2: {  	s29 =	simm.s32 $0x9;
	_ =	strace $0x8000004B  }
0xb3: {  	_ =	swait.ge [sflag:s29], $0x1  }
0xb4: {  	[sflag:s29] =	ssyncadd.s32 $0xFFFFFFFF  }
0xb5: {  	_ =	strace $0x9000004B  }
0xb6: {  	_ =	sfence  }
0xb7: {  	s30 =	sld [smem:$0x0];
	_ =	sdelay $0x2  }
0xb8: {  	s31 =	sshll.u32 s1, $0xD;
	s1 =	sshrl.u32 s1, $0x2  }
0xb9: {  	s3 =	sand.u32 $0x4000, s31;
	s1 =	sadd.s32 s1, s30  }
0xba: {  	s0 =	sor.u32 s3, s0;
	s1 =	sshll.u32 s1, $0x11  }
0xbb: {  	s0 =	sor.u32 s1, s0  }
0xbc: {  	s0 =	sadd.s32 $0x8F2B, s0  }
0xbd: {  	[sflag:s0] =	ssyncadd.remote.s32 $0x1  }
0xbe: {  	_ =	sfence.sel $0xFFFF  }
0xbf: {  	[dreg:$0x0] =	wrdreg $0xFFFFFFFF;
	(pc) =	sbr.abs _section_cstart, $3  }
0xc0: {  	[dreg:$0x1] =	wrdreg $0xFFFFFFFF  }
0xc1: {  	_ =	task.clear_ibuf [dreg:s6], $0x2FFFF;
	_ =	strace $0x9FFFFFFF  }
0xc2: {  	(tm) =	ssettm $0x7FFFFFFF  }
0xc3: {  	_ =	shalt  }
tec
execute0_lowered:
.L_overlay_start_1:
0x0: {  	(tag) =	ssettag $0x1  }
0x1: {  	s4 =	rddreg [dreg:$0x0];
	s0 =	srdreg.scid  }
0x2: {  	s1 =	rddreg [dreg:$0x1];
	s2 =	simm.s32 $0x0;
	s19 =	simm.s32 $0x80  }
0x3: {  	s20 =	simm.s32 $0x100;
	s21 =	simm.s32 $0x180;
	s22 =	simm.s32 $0x880  }
0x4: {  	s23 =	simm.s32 $0x900;
	s25 =	simm.s32 $0x980;
	s28 =	simm.s32 $0xD80  }
0x5: {  	s29 =	simm.s32 $0x600;
	s5 =	sand.u32 $0x1, s0;
	s0 =	stileid.u32  }
0x6: {  	s30 =	simm.s32 $0x680;
	[smem:$0x7FF] =	sst s2;
	s6 =	smul.u32 $0xA0000, s5  }
0x7: {  	s7 =	smul.u32 $0xA000, s0;
	_ =	strace $0x8000004A;
	[dreg:$0x5] =	wrdreg s19  }
0x8: {  	s31 =	simm.s32 $0x700;
	s26 =	smul.u32 $0x2800, s0;
	[dreg:$0x6] =	wrdreg s20  }
0x9: {  	s3 =	sadd.s32 $0x52E00, s4;
	s10 =	smul.u32 $0x50000, s0;
	[dreg:$0x7] =	wrdreg s21  }
0xa: {  	s11 =	sadd.s32 $0xC9000, s4;
	s13 =	smul.u32 $0x4E000, s0;
	[dreg:$0x8] =	wrdreg s22  }
0xb: {  	s8 =	ssub.s32 $0x2, s5;
	s16 =	smul.u32 $0x27100, s5;
	[dreg:$0x9] =	wrdreg s23  }
0xc: {  	s18 =	smul.u32 $0x2700, s0;
	[dreg:$0xa] =	wrdreg s25;
	s19 =	simm.s32 $0x480  }
0xd: {  	s5 =	smul.u32 $0x138800, s5;
	s20 =	simm.s32 $0x500;
	[dreg:$0x14] =	wrdreg s19  }
0xe: {  	s21 =	simm.s32 $0x580;
	s22 =	simm.s32 $0xC00;
	[dreg:$0x15] =	wrdreg s20  }
0xf: {  	s23 =	simm.s32 $0xC80;
	s25 =	simm.s32 $0xD00;
	[dreg:$0x16] =	wrdreg s21  }
0x10: {  	p0 =	sne.s32 s0, $0x0;
	s9 =	sshrl.u32 s8, $0x1;
	[dreg:$0x17] =	wrdreg s22  }
0x11: {  	s19 =	simm.s32 $0x3;
	s20 =	simm.s32 $0x4;
	[dreg:$0x18] =	wrdreg s23  }
0x12: {  	s21 =	simm.s32 $0x5;
	[dreg:$0x19] =	wrdreg s25;
	s22 =	simm.s32 $0x6  }
0x13: {  	s23 =	simm.s32 $0x7;
	s25 =	simm.s32 $0x0;
	s6 =	sadd.s32 s7, s6  }
0x14: {  	s7 =	sadd.s32 s26, s4;
	s8 =	ssub.s32 s8, s9;
	s9 =	sshrl.u32 s10, $0x2  }
0x15: {  	s10 =	sshll.u32 s0, $0x6;
	s15 =	sshrl.u32 s13, $0x2;
	s5 =	sshrl.u32 s5, $0x3  }
0x16: {  	s26 =	simm.s32 $0x200;
	s13 =	simm.s32 $0x380;
	s6 =	sshrl.u32 s6, $0x3  }
0x17: {  	s12 =	sadd.s32 s9, s1;
	s14 =	sadd.s32 $0xA1000, s7;
	[dreg:$0xb] =	wrdreg s26  }
0x18: {  	s24 =	sor.u32 $0x1C09, s10;
	s7 =	sadd.s32 s18, s16;
	[dreg:$0xe] =	wrdreg s13  }
0x19: {  	s5 =	sadd.s32 s11, s5;
	s10 =	smax.u32 s8, $0x1;
	[dreg:$0x1a] =	wrdreg s14  }
0x1a: {  	s9 =	simm.s32 $0x280;
	s16 =	simm.s32 $0xB00;
	[dreg:$0x1e] =	wrdreg s10  }
0x1b: {  	s13 =	simm.s32 $0x1000;
	s18 =	simm.s32 $0x400;
	[dreg:$0xc] =	wrdreg s9  }
0x1c: {  	s8 =	simm.s32 $0xF80;
	s6 =	sadd.s32 s6, s4;
	[dreg:$0x11] =	wrdreg s16  }
0x1d: {  	s4 =	sadd.s32 s15, s1;
	s7 =	sadd.s32 s11, s7;
	[dreg:$0x13] =	wrdreg s18  }
0x1e: {  	s5 =	sadd.s32 $0x27000, s5;
	s11 =	simm.s32 $0x300;
	[dreg:$0x1b] =	wrdreg s24  }
0x1f: {  	s12 =	sshrl.u32 s12, $0x3;
	s10 =	simm.s32 $0x9;
	[dreg:$0x1c] =	wrdreg s7  }
0x20: {  	s14 =	simm.s32 $0xA00;
	s15 =	simm.s32 $0xA80;
	[dreg:$0x1d] =	wrdreg s5  }
0x21: {  	s16 =	simm.s32 $0x7000;
	s18 =	simm.s32 $0x2;
	[dreg:$0x1f] =	wrdreg s12  }
0x22: {  	s17 =	sadd.s32 $0x2E00, s6;
	s6 =	sadd.s32 $0x2AE00, s6;
	[dreg:$0xd] =	wrdreg s11  }
0x23: {  	s7 =	sadd.s32 $0x138000, s1;
	s11 =	simm.s32 $0x800;
	[dreg:$0xf] =	wrdreg s14  }
0x24: {  	s12 =	simm.s32 $0x40;
	[dreg:$0x10] =	wrdreg s15;
	s14 =	simm.s32 $0x3000  }
0x25: {  	s15 =	simm.s32 $0x5000;
	s26 =	sshrl.u32 s4, $0x3;
	[dreg:$0x3] =	wrdreg s17  }
0x26: {  	s4 =	simm.s32 $0xE00;
	[dreg:$0x4] =	wrdreg s6;
	s17 =	simm.s32 $0xB80  }
0x27: {  	[smem:$0x7FC] =	sst s26;
	s0 =	sshrl.u32 @!p0 s7, $0x3;
	s26 =	simm.s32 $0x8  }
0x28: {  	s6 =	simm.s32 $0xE80;
	s7 =	simm.s32 $0xF00;
	[dreg:$0x12] =	wrdreg s17  }
0x29: {  	s17 =	simm.s32 $0x1;
	[smem:$0x7FD] =	sst s0;
	s0 =	simm.s32 $0x780  }
.LBB2_1:
0x2a: {  	[smem:$0x7FB] =	sst s25  }
0x2b: {  	s5 =	rddreg [dreg:$0x1a]  }
0x2c: {  	s9 =	rddreg [dreg:$0x1f]  }
0x2d: {  	[spmem:s9], [sflag:s24] =	dma.local [hbm:s5], $0x2800  }
0x2e: {  	_ =	swait.ge [sflag:s10], $0x2800  }
0x2f: {  	[sflag:s10] =	ssyncset.done $0x0  }
0x30: {  	[sflag:s10] =	ssyncadd.s32 $0xFFFFD800  }
0x31: {  	[bflag:$0x0] =	sbarrier.arrive $0xFFFF  }
0x32: {  	s25 =	rddreg [dreg:$0x4]  }
0x33: {  	s5 =	sadd.s32 $0x0, s25  }
0x34: {  	[tilespmem:s2], [sflag:$0x9] =	stream.linear.gather [hbm4b:s5+s2], $0x800, $0x38;
	[tilespmem:$0x1D000] =	vst v63  }
0x35: {  	_ =	swait.ge [sflag:s10], $0x800  }
0x36: {  	s9 =	rddreg [dreg:$0x3];
	[sflag:s10] =	ssyncset.done $0x0  }
0x37: {  	[sflag:s10] =	ssyncadd.s32 $0xFFFFF800;
	s5 =	sadd.s32 $0x0, s9  }
0x38: {  	[tilespmem:s11], [sflag:$0x9] =	stream.linear.gather [hbm4b:s5+s2], $0x800, $0x38;
	[tilespmem:$0x1D000] =	vst v63  }
0x39: {  	_ =	swait.ge [sflag:s10], $0x800  }
0x3a: {  	[sflag:s10] =	ssyncset.done $0x0  }
0x3b: {  	[sflag:s10] =	ssyncadd.s32 $0xFFFFF800  }
0x3c: {  	[tilespmem:s13], [sflag:$0x1] =	stream.indirect.gather [hbm4b:s3+s12], $0x80, s2, s12, $0xb8;
	[tilespmem:$0x1D000] =	vst v63  }
0x3d: {  	s24 =	rddreg [dreg:$0x5]  }
0x3e: {  	[tilespmem:s14], [sflag:$0x2] =	stream.indirect.gather [hbm4b:s3+s12], $0x80, s24, s12, $0xb8;
	[tilespmem:$0x1D000] =	vst v63  }
0x3f: {  	s25 =	rddreg [dreg:$0x6]  }
0x40: {  	[tilespmem:s15], [sflag:$0x3] =	stream.indirect.gather [hbm4b:s3+s12], $0x80, s25, s12, $0xb8;
	[tilespmem:$0x1D000] =	vst v63  }
0x41: {  	s9 =	rddreg [dreg:$0x7]  }
0x42: {  	[tilespmem:s16], [sflag:$0x4] =	stream.indirect.gather [hbm4b:s3+s12], $0x80, s9, s12, $0xb8;
	[tilespmem:$0x1D000] =	vst v63  }
0x43: {  	_ =	swait.ge [sflag:s17], $0x2000  }
0x44: {  	[sflag:s17] =	ssyncset.done $0x0  }
0x45: {  	[sflag:s17] =	ssyncadd.s32 $0xFFFFE000  }
0x46: {  	[spmem:s1] =	stream.indirect.scatter.add.f32 [tilespmem:s13], [sflag:$0x5], $0x80, s11, s12, $0xb8;
	[tilespmem:$0x1D000] =	vst v63  }
0x47: {  	_ =	swait.ge [sflag:s18], $0x2000  }
0x48: {  	[sflag:s18] =	ssyncset.done $0x0  }
0x49: {  	s24 =	rddreg [dreg:$0x8];
	[sflag:s18] =	ssyncadd.s32 $0xFFFFE000  }
0x4a: {  	[spmem:s1] =	stream.indirect.scatter.add.f32 [tilespmem:s14], [sflag:$0x6], $0x80, s24, s12, $0xb8;
	[tilespmem:$0x1D000] =	vst v63  }
0x4b: {  	_ =	swait.ge [sflag:s19], $0x2000  }
0x4c: {  	[sflag:s19] =	ssyncset.done $0x0  }
0x4d: {  	s25 =	rddreg [dreg:$0x9];
	[sflag:s19] =	ssyncadd.s32 $0xFFFFE000  }
0x4e: {  	[spmem:s1] =	stream.indirect.scatter.add.f32 [tilespmem:s15], [sflag:$0x7], $0x80, s25, s12, $0xb8;
	[tilespmem:$0x1D000] =	vst v63  }
0x4f: {  	_ =	swait.ge [sflag:s20], $0x2000  }
0x50: {  	[sflag:s20] =	ssyncset.done $0x0  }
0x51: {  	s9 =	rddreg [dreg:$0xa];
	[sflag:s20] =	ssyncadd.s32 $0xFFFFE000  }
0x52: {  	[spmem:s1] =	stream.indirect.scatter.add.f32 [tilespmem:s16], [sflag:$0x8], $0x80, s9, s12, $0xb8;
	[tilespmem:$0x1D000] =	vst v63  }
0x53: {  	_ =	swait.ge [sflag:s21], $0x2000  }
0x54: {  	[sflag:s21] =	ssyncset.done $0x0  }
0x55: {  	[sflag:s21] =	ssyncadd.s32 $0xFFFFE000  }
0x56: {  	_ =	swait.ge [sflag:s22], $0x2000  }
0x57: {  	[sflag:s22] =	ssyncset.done $0x0  }
0x58: {  	[sflag:s22] =	ssyncadd.s32 $0xFFFFE000  }
0x59: {  	_ =	swait.ge [sflag:s23], $0x2000  }
0x5a: {  	[sflag:s23] =	ssyncset.done $0x0  }
0x5b: {  	[sflag:s23] =	ssyncadd.s32 $0xFFFFE000  }
0x5c: {  	_ =	swait.ge [sflag:s26], $0x2000  }
0x5d: {  	[sflag:s26] =	ssyncset.done $0x0  }
0x5e: {  	s24 =	rddreg [dreg:$0xb];
	[sflag:s26] =	ssyncadd.s32 $0xFFFFE000  }
0x5f: {  	[tilespmem:s13], [sflag:$0x1] =	stream.indirect.gather [hbm4b:s3+s12], $0x80, s24, s12, $0xb8;
	[tilespmem:$0x1D000] =	vst v63  }
0x60: {  	s25 =	rddreg [dreg:$0xc]  }
0x61: {  	[tilespmem:s14], [sflag:$0x2] =	stream.indirect.gather [hbm4b:s3+s12], $0x80, s25, s12, $0xb8;
	[tilespmem:$0x1D000] =	vst v63  }
0x62: {  	s9 =	rddreg [dreg:$0xd]  }
0x63: {  	[tilespmem:s15], [sflag:$0x3] =	stream.indirect.gather [hbm4b:s3+s12], $0x80, s9, s12, $0xb8;
	[tilespmem:$0x1D000] =	vst v63  }
0x64: {  	s25 =	rddreg [dreg:$0xe]  }
0x65: {  	[tilespmem:s16], [sflag:$0x4] =	stream.indirect.gather [hbm4b:s3+s12], $0x80, s25, s12, $0xb8;
	[tilespmem:$0x1D000] =	vst v63  }
0x66: {  	_ =	swait.ge [sflag:s17], $0x2000  }
0x67: {  	[sflag:s17] =	ssyncset.done $0x0  }
0x68: {  	s9 =	rddreg [dreg:$0xf];
	[sflag:s17] =	ssyncadd.s32 $0xFFFFE000  }
0x69: {  	[spmem:s1] =	stream.indirect.scatter.add.f32 [tilespmem:s13], [sflag:$0x5], $0x80, s9, s12, $0xb8;
	[tilespmem:$0x1D000] =	vst v63  }
0x6a: {  	_ =	swait.ge [sflag:s18], $0x2000  }
0x6b: {  	[sflag:s18] =	ssyncset.done $0x0  }
0x6c: {  	s24 =	rddreg [dreg:$0x10];
	[sflag:s18] =	ssyncadd.s32 $0xFFFFE000  }
0x6d: {  	[spmem:s1] =	stream.indirect.scatter.add.f32 [tilespmem:s14], [sflag:$0x6], $0x80, s24, s12, $0xb8;
	[tilespmem:$0x1D000] =	vst v63  }
0x6e: {  	_ =	swait.ge [sflag:s19], $0x2000  }
0x6f: {  	[sflag:s19] =	ssyncset.done $0x0  }
0x70: {  	s25 =	rddreg [dreg:$0x11];
	[sflag:s19] =	ssyncadd.s32 $0xFFFFE000  }
0x71: {  	[spmem:s1] =	stream.indirect.scatter.add.f32 [tilespmem:s15], [sflag:$0x7], $0x80, s25, s12, $0xb8;
	[tilespmem:$0x1D000] =	vst v63  }
0x72: {  	_ =	swait.ge [sflag:s20], $0x2000  }
0x73: {  	[sflag:s20] =	ssyncset.done $0x0  }
0x74: {  	s9 =	rddreg [dreg:$0x12];
	[sflag:s20] =	ssyncadd.s32 $0xFFFFE000  }
0x75: {  	[spmem:s1] =	stream.indirect.scatter.add.f32 [tilespmem:s16], [sflag:$0x8], $0x80, s9, s12, $0xb8;
	[tilespmem:$0x1D000] =	vst v63  }
0x76: {  	_ =	swait.ge [sflag:s21], $0x2000  }
0x77: {  	[sflag:s21] =	ssyncset.done $0x0  }
0x78: {  	[sflag:s21] =	ssyncadd.s32 $0xFFFFE000  }
0x79: {  	_ =	swait.ge [sflag:s22], $0x2000  }
0x7a: {  	[sflag:s22] =	ssyncset.done $0x0  }
0x7b: {  	[sflag:s22] =	ssyncadd.s32 $0xFFFFE000  }
0x7c: {  	_ =	swait.ge [sflag:s23], $0x2000  }
0x7d: {  	[sflag:s23] =	ssyncset.done $0x0  }
0x7e: {  	[sflag:s23] =	ssyncadd.s32 $0xFFFFE000  }
0x7f: {  	_ =	swait.ge [sflag:s26], $0x2000  }
0x80: {  	[sflag:s26] =	ssyncset.done $0x0  }
0x81: {  	s24 =	rddreg [dreg:$0x13];
	[sflag:s26] =	ssyncadd.s32 $0xFFFFE000  }
0x82: {  	[tilespmem:s13], [sflag:$0x1] =	stream.indirect.gather [hbm4b:s3+s12], $0x80, s24, s12, $0xb8;
	[tilespmem:$0x1D000] =	vst v63  }
0x83: {  	s25 =	rddreg [dreg:$0x14]  }
0x84: {  	[tilespmem:s14], [sflag:$0x2] =	stream.indirect.gather [hbm4b:s3+s12], $0x80, s25, s12, $0xb8;
	[tilespmem:$0x1D000] =	vst v63  }
0x85: {  	s9 =	rddreg [dreg:$0x15]  }
0x86: {  	[tilespmem:s15], [sflag:$0x3] =	stream.indirect.gather [hbm4b:s3+s12], $0x80, s9, s12, $0xb8;
	[tilespmem:$0x1D000] =	vst v63  }
0x87: {  	s25 =	rddreg [dreg:$0x16]  }
0x88: {  	[tilespmem:s16], [sflag:$0x4] =	stream.indirect.gather [hbm4b:s3+s12], $0x80, s25, s12, $0xb8;
	[tilespmem:$0x1D000] =	vst v63  }
0x89: {  	_ =	swait.ge [sflag:s17], $0x2000  }
0x8a: {  	[sflag:s17] =	ssyncset.done $0x0  }
0x8b: {  	s9 =	rddreg [dreg:$0x17];
	[sflag:s17] =	ssyncadd.s32 $0xFFFFE000  }
0x8c: {  	[spmem:s1] =	stream.indirect.scatter.add.f32 [tilespmem:s13], [sflag:$0x5], $0x80, s9, s12, $0xb8;
	[tilespmem:$0x1D000] =	vst v63  }
0x8d: {  	_ =	swait.ge [sflag:s18], $0x2000  }
0x8e: {  	[sflag:s18] =	ssyncset.done $0x0  }
0x8f: {  	s24 =	rddreg [dreg:$0x18];
	[sflag:s18] =	ssyncadd.s32 $0xFFFFE000  }
0x90: {  	[spmem:s1] =	stream.indirect.scatter.add.f32 [tilespmem:s14], [sflag:$0x6], $0x80, s24, s12, $0xb8;
	[tilespmem:$0x1D000] =	vst v63  }
0x91: {  	_ =	swait.ge [sflag:s19], $0x2000  }
0x92: {  	[sflag:s19] =	ssyncset.done $0x0  }
0x93: {  	s25 =	rddreg [dreg:$0x19];
	[sflag:s19] =	ssyncadd.s32 $0xFFFFE000  }
0x94: {  	[spmem:s1] =	stream.indirect.scatter.add.f32 [tilespmem:s15], [sflag:$0x7], $0x80, s25, s12, $0xb8;
	[tilespmem:$0x1D000] =	vst v63  }
0x95: {  	_ =	swait.ge [sflag:s20], $0x2000  }
0x96: {  	[sflag:s20] =	ssyncset.done $0x0  }
0x97: {  	[sflag:s20] =	ssyncadd.s32 $0xFFFFE000  }
0x98: {  	[spmem:s1] =	stream.indirect.scatter.add.f32 [tilespmem:s16], [sflag:$0x8], $0x80, s28, s12, $0xb8;
	[tilespmem:$0x1D000] =	vst v63  }
0x99: {  	_ =	swait.ge [sflag:s21], $0x2000  }
0x9a: {  	[sflag:s21] =	ssyncset.done $0x0  }
0x9b: {  	[sflag:s21] =	ssyncadd.s32 $0xFFFFE000  }
0x9c: {  	_ =	swait.ge [sflag:s22], $0x2000  }
0x9d: {  	[sflag:s22] =	ssyncset.done $0x0  }
0x9e: {  	[sflag:s22] =	ssyncadd.s32 $0xFFFFE000  }
0x9f: {  	_ =	swait.ge [sflag:s23], $0x2000  }
0xa0: {  	[sflag:s23] =	ssyncset.done $0x0  }
0xa1: {  	[sflag:s23] =	ssyncadd.s32 $0xFFFFE000  }
0xa2: {  	_ =	swait.ge [sflag:s26], $0x2000  }
0xa3: {  	[sflag:s26] =	ssyncset.done $0x0  }
0xa4: {  	[sflag:s26] =	ssyncadd.s32 $0xFFFFE000  }
0xa5: {  	[tilespmem:s13], [sflag:$0x1] =	stream.indirect.gather [hbm4b:s3+s12], $0x80, s29, s12, $0xb8;
	[tilespmem:$0x1D000] =	vst v63  }
0xa6: {  	_ = 	snop  }
0xa7: {  	[tilespmem:s14], [sflag:$0x2] =	stream.indirect.gather [hbm4b:s3+s12], $0x80, s30, s12, $0xb8;
	[tilespmem:$0x1D000] =	vst v63  }
0xa8: {  	_ = 	snop  }
0xa9: {  	[tilespmem:s15], [sflag:$0x3] =	stream.indirect.gather [hbm4b:s3+s12], $0x80, s31, s12, $0xb8;
	[tilespmem:$0x1D000] =	vst v63  }
0xaa: {  	_ = 	snop  }
0xab: {  	[tilespmem:s16], [sflag:$0x4] =	stream.indirect.gather [hbm4b:s3+s12], $0x80, s0, s12, $0xb8;
	[tilespmem:$0x1D000] =	vst v63  }
0xac: {  	_ =	swait.ge [sflag:s17], $0x2000  }
0xad: {  	[sflag:s17] =	ssyncset.done $0x0  }
0xae: {  	[sflag:s17] =	ssyncadd.s32 $0xFFFFE000  }
0xaf: {  	[spmem:s1] =	stream.indirect.scatter.add.f32 [tilespmem:s13], [sflag:$0x5], $0x80, s4, s12, $0xb8;
	[tilespmem:$0x1D000] =	vst v63  }
0xb0: {  	_ =	swait.ge [sflag:s18], $0x2000  }
0xb1: {  	[sflag:s18] =	ssyncset.done $0x0  }
0xb2: {  	[sflag:s18] =	ssyncadd.s32 $0xFFFFE000  }
0xb3: {  	[spmem:s1] =	stream.indirect.scatter.add.f32 [tilespmem:s14], [sflag:$0x6], $0x80, s6, s12, $0xb8;
	[tilespmem:$0x1D000] =	vst v63  }
0xb4: {  	_ =	swait.ge [sflag:s19], $0x2000  }
0xb5: {  	[sflag:s19] =	ssyncset.done $0x0  }
0xb6: {  	[sflag:s19] =	ssyncadd.s32 $0xFFFFE000  }
0xb7: {  	[spmem:s1] =	stream.indirect.scatter.add.f32 [tilespmem:s15], [sflag:$0x7], $0x80, s7, s12, $0xb8;
	[tilespmem:$0x1D000] =	vst v63  }
0xb8: {  	_ =	swait.ge [sflag:s20], $0x2000  }
0xb9: {  	[sflag:s20] =	ssyncset.done $0x0  }
0xba: {  	[sflag:s20] =	ssyncadd.s32 $0xFFFFE000  }
0xbb: {  	[spmem:s1] =	stream.indirect.scatter.add.f32 [tilespmem:s16], [sflag:$0x8], $0x80, s8, s12, $0xb8;
	[tilespmem:$0x1D000] =	vst v63  }
0xbc: {  	_ =	swait.ge [sflag:s21], $0x2000  }
0xbd: {  	[sflag:s21] =	ssyncset.done $0x0  }
0xbe: {  	[sflag:s21] =	ssyncadd.s32 $0xFFFFE000  }
0xbf: {  	_ =	swait.ge [sflag:s22], $0x2000  }
0xc0: {  	[sflag:s22] =	ssyncset.done $0x0  }
0xc1: {  	[sflag:s22] =	ssyncadd.s32 $0xFFFFE000  }
0xc2: {  	_ =	swait.ge [sflag:s23], $0x2000  }
0xc3: {  	[sflag:s23] =	ssyncset.done $0x0  }
0xc4: {  	[sflag:s23] =	ssyncadd.s32 $0xFFFFE000  }
0xc5: {  	s24 =	simm.s32 $0x100;
	_ =	swait.ge [sflag:s26], $0x2000  }
0xc6: {  	s25 =	simm.s32 $0x200;
	s5 =	rddreg [dreg:$0x4];
	[sflag:s26] =	ssyncset.done $0x0  }
.LBB2_2:
0xc7: {  	[sflag:s26] =	ssyncadd.s32 $0xFFFFE000;
	s5 =	sadd.s32 s24, s5  }
0xc8: {  	[tilespmem:s2], [sflag:$0x9] =	stream.linear.gather [hbm4b:s5+s2], $0x800, $0x38;
	[tilespmem:$0x1D000] =	vst v63  }
0xc9: {  	_ =	swait.ge [sflag:s10], $0x800  }
0xca: {  	s5 =	rddreg [dreg:$0x3];
	[sflag:s10] =	ssyncset.done $0x0  }
0xcb: {  	[sflag:s10] =	ssyncadd.s32 $0xFFFFF800;
	s5 =	sadd.s32 s24, s5  }
0xcc: {  	[tilespmem:s11], [sflag:$0x9] =	stream.linear.gather [hbm4b:s5+s2], $0x800, $0x38;
	[tilespmem:$0x1D000] =	vst v63  }
0xcd: {  	_ =	swait.ge [sflag:s10], $0x800  }
0xce: {  	[sflag:s10] =	ssyncset.done $0x0  }
0xcf: {  	[sflag:s10] =	ssyncadd.s32 $0xFFFFF800  }
0xd0: {  	[tilespmem:s13], [sflag:$0x1] =	stream.indirect.gather [hbm4b:s3+s12], $0x80, s2, s12, $0xb8;
	[tilespmem:$0x1D000] =	vst v63  }
0xd1: {  	s9 =	smov.u32 s25;
	s5 =	rddreg [dreg:$0x5]  }
0xd2: {  	[tilespmem:s14], [sflag:$0x2] =	stream.indirect.gather [hbm4b:s3+s12], $0x80, s5, s12, $0xb8;
	[tilespmem:$0x1D000] =	vst v63  }
0xd3: {  	s24 =	smov.u32 s9;
	s9 =	rddreg [dreg:$0x6]  }
0xd4: {  	[tilespmem:s15], [sflag:$0x3] =	stream.indirect.gather [hbm4b:s3+s12], $0x80, s9, s12, $0xb8;
	[tilespmem:$0x1D000] =	vst v63  }
0xd5: {  	s5 =	rddreg [dreg:$0x7]  }
0xd6: {  	[tilespmem:s16], [sflag:$0x4] =	stream.indirect.gather [hbm4b:s3+s12], $0x80, s5, s12, $0xb8;
	[tilespmem:$0x1D000] =	vst v63  }
0xd7: {  	_ =	swait.ge [sflag:s17], $0x2000  }
0xd8: {  	[sflag:s17] =	ssyncset.done $0x0  }
0xd9: {  	[sflag:s17] =	ssyncadd.s32 $0xFFFFE000  }
0xda: {  	[spmem:s1] =	stream.indirect.scatter.add.f32 [tilespmem:s13], [sflag:$0x5], $0x80, s11, s12, $0xb8;
	[tilespmem:$0x1D000] =	vst v63  }
0xdb: {  	_ =	swait.ge [sflag:s18], $0x2000  }
0xdc: {  	[sflag:s18] =	ssyncset.done $0x0  }
0xdd: {  	s9 =	rddreg [dreg:$0x8];
	[sflag:s18] =	ssyncadd.s32 $0xFFFFE000  }
0xde: {  	[spmem:s1] =	stream.indirect.scatter.add.f32 [tilespmem:s14], [sflag:$0x6], $0x80, s9, s12, $0xb8;
	[tilespmem:$0x1D000] =	vst v63  }
0xdf: {  	_ =	swait.ge [sflag:s19], $0x2000  }
0xe0: {  	[sflag:s19] =	ssyncset.done $0x0  }
0xe1: {  	s9 =	rddreg [dreg:$0x9];
	[sflag:s19] =	ssyncadd.s32 $0xFFFFE000  }
0xe2: {  	[spmem:s1] =	stream.indirect.scatter.add.f32 [tilespmem:s15], [sflag:$0x7], $0x80, s9, s12, $0xb8;
	[tilespmem:$0x1D000] =	vst v63  }
0xe3: {  	_ =	swait.ge [sflag:s20], $0x2000  }
0xe4: {  	[sflag:s20] =	ssyncset.done $0x0  }
0xe5: {  	s9 =	rddreg [dreg:$0xa];
	[sflag:s20] =	ssyncadd.s32 $0xFFFFE000  }
0xe6: {  	[spmem:s1] =	stream.indirect.scatter.add.f32 [tilespmem:s16], [sflag:$0x8], $0x80, s9, s12, $0xb8;
	[tilespmem:$0x1D000] =	vst v63  }
0xe7: {  	_ =	swait.ge [sflag:s21], $0x2000  }
0xe8: {  	[sflag:s21] =	ssyncset.done $0x0  }
0xe9: {  	[sflag:s21] =	ssyncadd.s32 $0xFFFFE000  }
0xea: {  	_ =	swait.ge [sflag:s22], $0x2000  }
0xeb: {  	[sflag:s22] =	ssyncset.done $0x0  }
0xec: {  	[sflag:s22] =	ssyncadd.s32 $0xFFFFE000  }
0xed: {  	_ =	swait.ge [sflag:s23], $0x2000  }
0xee: {  	[sflag:s23] =	ssyncset.done $0x0  }
0xef: {  	[sflag:s23] =	ssyncadd.s32 $0xFFFFE000  }
0xf0: {  	_ =	swait.ge [sflag:s26], $0x2000  }
0xf1: {  	[sflag:s26] =	ssyncset.done $0x0  }
0xf2: {  	s5 =	rddreg [dreg:$0xb];
	[sflag:s26] =	ssyncadd.s32 $0xFFFFE000  }
0xf3: {  	[tilespmem:s13], [sflag:$0x1] =	stream.indirect.gather [hbm4b:s3+s12], $0x80, s5, s12, $0xb8;
	[tilespmem:$0x1D000] =	vst v63  }
0xf4: {  	s9 =	rddreg [dreg:$0xc]  }
0xf5: {  	[tilespmem:s14], [sflag:$0x2] =	stream.indirect.gather [hbm4b:s3+s12], $0x80, s9, s12, $0xb8;
	[tilespmem:$0x1D000] =	vst v63  }
0xf6: {  	s5 =	rddreg [dreg:$0xd]  }
0xf7: {  	[tilespmem:s15], [sflag:$0x3] =	stream.indirect.gather [hbm4b:s3+s12], $0x80, s5, s12, $0xb8;
	[tilespmem:$0x1D000] =	vst v63  }
0xf8: {  	s9 =	rddreg [dreg:$0xe]  }
0xf9: {  	[tilespmem:s16], [sflag:$0x4] =	stream.indirect.gather [hbm4b:s3+s12], $0x80, s9, s12, $0xb8;
	[tilespmem:$0x1D000] =	vst v63  }
0xfa: {  	_ =	swait.ge [sflag:s17], $0x2000  }
0xfb: {  	[sflag:s17] =	ssyncset.done $0x0  }
0xfc: {  	s9 =	rddreg [dreg:$0xf];
	[sflag:s17] =	ssyncadd.s32 $0xFFFFE000  }
0xfd: {  	[spmem:s1] =	stream.indirect.scatter.add.f32 [tilespmem:s13], [sflag:$0x5], $0x80, s9, s12, $0xb8;
	[tilespmem:$0x1D000] =	vst v63  }
0xfe: {  	_ =	swait.ge [sflag:s18], $0x2000  }
0xff: {  	[sflag:s18] =	ssyncset.done $0x0  }
0x100: {  	s9 =	rddreg [dreg:$0x10];
	[sflag:s18] =	ssyncadd.s32 $0xFFFFE000  }
0x101: {  	[spmem:s1] =	stream.indirect.scatter.add.f32 [tilespmem:s14], [sflag:$0x6], $0x80, s9, s12, $0xb8;
	[tilespmem:$0x1D000] =	vst v63  }
0x102: {  	_ =	swait.ge [sflag:s19], $0x2000  }
0x103: {  	[sflag:s19] =	ssyncset.done $0x0  }
0x104: {  	s9 =	rddreg [dreg:$0x11];
	[sflag:s19] =	ssyncadd.s32 $0xFFFFE000  }
0x105: {  	[spmem:s1] =	stream.indirect.scatter.add.f32 [tilespmem:s15], [sflag:$0x7], $0x80, s9, s12, $0xb8;
	[tilespmem:$0x1D000] =	vst v63  }
0x106: {  	_ =	swait.ge [sflag:s20], $0x2000  }
0x107: {  	[sflag:s20] =	ssyncset.done $0x0  }
0x108: {  	s9 =	rddreg [dreg:$0x12];
	[sflag:s20] =	ssyncadd.s32 $0xFFFFE000  }
0x109: {  	[spmem:s1] =	stream.indirect.scatter.add.f32 [tilespmem:s16], [sflag:$0x8], $0x80, s9, s12, $0xb8;
	[tilespmem:$0x1D000] =	vst v63  }
0x10a: {  	_ =	swait.ge [sflag:s21], $0x2000  }
0x10b: {  	[sflag:s21] =	ssyncset.done $0x0  }
0x10c: {  	[sflag:s21] =	ssyncadd.s32 $0xFFFFE000  }
0x10d: {  	_ =	swait.ge [sflag:s22], $0x2000  }
0x10e: {  	[sflag:s22] =	ssyncset.done $0x0  }
0x10f: {  	[sflag:s22] =	ssyncadd.s32 $0xFFFFE000  }
0x110: {  	_ =	swait.ge [sflag:s23], $0x2000  }
0x111: {  	[sflag:s23] =	ssyncset.done $0x0  }
0x112: {  	[sflag:s23] =	ssyncadd.s32 $0xFFFFE000  }
0x113: {  	_ =	swait.ge [sflag:s26], $0x2000  }
0x114: {  	[sflag:s26] =	ssyncset.done $0x0  }
0x115: {  	s5 =	rddreg [dreg:$0x13];
	[sflag:s26] =	ssyncadd.s32 $0xFFFFE000  }
0x116: {  	[tilespmem:s13], [sflag:$0x1] =	stream.indirect.gather [hbm4b:s3+s12], $0x80, s5, s12, $0xb8;
	[tilespmem:$0x1D000] =	vst v63  }
0x117: {  	s9 =	rddreg [dreg:$0x14]  }
0x118: {  	[tilespmem:s14], [sflag:$0x2] =	stream.indirect.gather [hbm4b:s3+s12], $0x80, s9, s12, $0xb8;
	[tilespmem:$0x1D000] =	vst v63  }
0x119: {  	s5 =	rddreg [dreg:$0x15]  }
0x11a: {  	[tilespmem:s15], [sflag:$0x3] =	stream.indirect.gather [hbm4b:s3+s12], $0x80, s5, s12, $0xb8;
	[tilespmem:$0x1D000] =	vst v63  }
0x11b: {  	s9 =	rddreg [dreg:$0x16]  }
0x11c: {  	[tilespmem:s16], [sflag:$0x4] =	stream.indirect.gather [hbm4b:s3+s12], $0x80, s9, s12, $0xb8;
	[tilespmem:$0x1D000] =	vst v63  }
0x11d: {  	_ =	swait.ge [sflag:s17], $0x2000  }
0x11e: {  	[sflag:s17] =	ssyncset.done $0x0  }
0x11f: {  	s9 =	rddreg [dreg:$0x17];
	[sflag:s17] =	ssyncadd.s32 $0xFFFFE000  }
0x120: {  	[spmem:s1] =	stream.indirect.scatter.add.f32 [tilespmem:s13], [sflag:$0x5], $0x80, s9, s12, $0xb8;
	[tilespmem:$0x1D000] =	vst v63  }
0x121: {  	_ =	swait.ge [sflag:s18], $0x2000  }
0x122: {  	[sflag:s18] =	ssyncset.done $0x0  }
0x123: {  	s9 =	rddreg [dreg:$0x18];
	[sflag:s18] =	ssyncadd.s32 $0xFFFFE000  }
0x124: {  	[spmem:s1] =	stream.indirect.scatter.add.f32 [tilespmem:s14], [sflag:$0x6], $0x80, s9, s12, $0xb8;
	[tilespmem:$0x1D000] =	vst v63  }
0x125: {  	_ =	swait.ge [sflag:s19], $0x2000  }
0x126: {  	[sflag:s19] =	ssyncset.done $0x0  }
0x127: {  	s9 =	rddreg [dreg:$0x19];
	[sflag:s19] =	ssyncadd.s32 $0xFFFFE000  }
0x128: {  	[spmem:s1] =	stream.indirect.scatter.add.f32 [tilespmem:s15], [sflag:$0x7], $0x80, s9, s12, $0xb8;
	[tilespmem:$0x1D000] =	vst v63  }
0x129: {  	_ =	swait.ge [sflag:s20], $0x2000  }
0x12a: {  	[sflag:s20] =	ssyncset.done $0x0  }
0x12b: {  	[sflag:s20] =	ssyncadd.s32 $0xFFFFE000  }
0x12c: {  	[spmem:s1] =	stream.indirect.scatter.add.f32 [tilespmem:s16], [sflag:$0x8], $0x80, s28, s12, $0xb8;
	[tilespmem:$0x1D000] =	vst v63  }
0x12d: {  	_ =	swait.ge [sflag:s21], $0x2000  }
0x12e: {  	[sflag:s21] =	ssyncset.done $0x0  }
0x12f: {  	[sflag:s21] =	ssyncadd.s32 $0xFFFFE000  }
0x130: {  	_ =	swait.ge [sflag:s22], $0x2000  }
0x131: {  	[sflag:s22] =	ssyncset.done $0x0  }
0x132: {  	[sflag:s22] =	ssyncadd.s32 $0xFFFFE000  }
0x133: {  	_ =	swait.ge [sflag:s23], $0x2000  }
0x134: {  	[sflag:s23] =	ssyncset.done $0x0  }
0x135: {  	[sflag:s23] =	ssyncadd.s32 $0xFFFFE000  }
0x136: {  	_ =	swait.ge [sflag:s26], $0x2000  }
0x137: {  	[sflag:s26] =	ssyncset.done $0x0  }
0x138: {  	[sflag:s26] =	ssyncadd.s32 $0xFFFFE000  }
0x139: {  	[tilespmem:s13], [sflag:$0x1] =	stream.indirect.gather [hbm4b:s3+s12], $0x80, s29, s12, $0xb8;
	[tilespmem:$0x1D000] =	vst v63  }
0x13a: {  	_ = 	snop  }
0x13b: {  	[tilespmem:s14], [sflag:$0x2] =	stream.indirect.gather [hbm4b:s3+s12], $0x80, s30, s12, $0xb8;
	[tilespmem:$0x1D000] =	vst v63  }
0x13c: {  	_ = 	snop  }
0x13d: {  	[tilespmem:s15], [sflag:$0x3] =	stream.indirect.gather [hbm4b:s3+s12], $0x80, s31, s12, $0xb8;
	[tilespmem:$0x1D000] =	vst v63  }
0x13e: {  	_ = 	snop  }
0x13f: {  	[tilespmem:s16], [sflag:$0x4] =	stream.indirect.gather [hbm4b:s3+s12], $0x80, s0, s12, $0xb8;
	[tilespmem:$0x1D000] =	vst v63  }
0x140: {  	_ =	swait.ge [sflag:s17], $0x2000  }
0x141: {  	[sflag:s17] =	ssyncset.done $0x0  }
0x142: {  	[sflag:s17] =	ssyncadd.s32 $0xFFFFE000  }
0x143: {  	[spmem:s1] =	stream.indirect.scatter.add.f32 [tilespmem:s13], [sflag:$0x5], $0x80, s4, s12, $0xb8;
	[tilespmem:$0x1D000] =	vst v63  }
0x144: {  	_ =	swait.ge [sflag:s18], $0x2000  }
0x145: {  	[sflag:s18] =	ssyncset.done $0x0  }
0x146: {  	[sflag:s18] =	ssyncadd.s32 $0xFFFFE000  }
0x147: {  	[spmem:s1] =	stream.indirect.scatter.add.f32 [tilespmem:s14], [sflag:$0x6], $0x80, s6, s12, $0xb8;
	[tilespmem:$0x1D000] =	vst v63  }
0x148: {  	_ =	swait.ge [sflag:s19], $0x2000  }
0x149: {  	[sflag:s19] =	ssyncset.done $0x0  }
0x14a: {  	[sflag:s19] =	ssyncadd.s32 $0xFFFFE000  }
0x14b: {  	[spmem:s1] =	stream.indirect.scatter.add.f32 [tilespmem:s15], [sflag:$0x7], $0x80, s7, s12, $0xb8;
	[tilespmem:$0x1D000] =	vst v63  }
0x14c: {  	_ =	swait.ge [sflag:s20], $0x2000  }
0x14d: {  	[sflag:s20] =	ssyncset.done $0x0  }
0x14e: {  	[sflag:s20] =	ssyncadd.s32 $0xFFFFE000  }
0x14f: {  	[spmem:s1] =	stream.indirect.scatter.add.f32 [tilespmem:s16], [sflag:$0x8], $0x80, s8, s12, $0xb8;
	[tilespmem:$0x1D000] =	vst v63  }
0x150: {  	_ =	swait.ge [sflag:s21], $0x2000  }
0x151: {  	[sflag:s21] =	ssyncset.done $0x0  }
0x152: {  	[sflag:s21] =	ssyncadd.s32 $0xFFFFE000  }
0x153: {  	_ =	swait.ge [sflag:s22], $0x2000  }
0x154: {  	[sflag:s22] =	ssyncset.done $0x0  }
0x155: {  	p1 =	sne.s32 s25, $0x1300;
	[sflag:s22] =	ssyncadd.s32 $0xFFFFE000  }
.Ltmp0:
0x156: {  	_ =	swait.ge [sflag:s23], $0x2000;
	(pc) =	sbr.rel @p1 .LBB2_2-.Ltmp0, $4  }
0x157: {  	[sflag:s23] =	ssyncset.done $0x0  }
0x158: {  	[sflag:s23] =	ssyncadd.s32 $0xFFFFE000  }
0x159: {  	_ =	swait.ge [sflag:s26], $0x2000  }
0x15a: {  	s25 =	sadd.s32 $0x100, s25;
	s5 =	rddreg [dreg:$0x4];
	[sflag:s26] =	ssyncset.done $0x0  }
0x15b: {  	[sflag:s26] =	ssyncadd.s32 $0xFFFFE000;
	s5 =	sadd.s32 s24, s5  }
0x15c: {  	[tilespmem:s2], [sflag:$0x9] =	stream.linear.gather [hbm4b:s5+s2], $0x800, $0x38;
	[tilespmem:$0x1D000] =	vst v63  }
0x15d: {  	_ =	swait.ge [sflag:s10], $0x800  }
0x15e: {  	s9 =	rddreg [dreg:$0x3];
	[sflag:s10] =	ssyncset.done $0x0  }
0x15f: {  	[sflag:s10] =	ssyncadd.s32 $0xFFFFF800;
	s5 =	sadd.s32 s24, s9  }
0x160: {  	[tilespmem:s11], [sflag:$0x9] =	stream.linear.gather [hbm4b:s5+s2], $0x800, $0x38;
	[tilespmem:$0x1D000] =	vst v63  }
0x161: {  	_ =	swait.ge [sflag:s10], $0x800  }
0x162: {  	[sflag:s10] =	ssyncset.done $0x0  }
0x163: {  	[sflag:s10] =	ssyncadd.s32 $0xFFFFF800  }
0x164: {  	[tilespmem:s13], [sflag:$0x1] =	stream.indirect.gather [hbm4b:s3+s12], $0x80, s2, s12, $0xb8;
	[tilespmem:$0x1D000] =	vst v63  }
0x165: {  	s24 =	rddreg [dreg:$0x5]  }
0x166: {  	[tilespmem:s14], [sflag:$0x2] =	stream.indirect.gather [hbm4b:s3+s12], $0x80, s24, s12, $0xb8;
	[tilespmem:$0x1D000] =	vst v63  }
0x167: {  	s9 =	rddreg [dreg:$0x6]  }
0x168: {  	[tilespmem:s15], [sflag:$0x3] =	stream.indirect.gather [hbm4b:s3+s12], $0x80, s9, s12, $0xb8;
	[tilespmem:$0x1D000] =	vst v63  }
0x169: {  	s25 =	rddreg [dreg:$0x7]  }
0x16a: {  	[tilespmem:s16], [sflag:$0x4] =	stream.indirect.gather [hbm4b:s3+s12], $0x80, s25, s12, $0xb8;
	[tilespmem:$0x1D000] =	vst v63  }
0x16b: {  	_ =	swait.ge [sflag:s17], $0x2000  }
0x16c: {  	[sflag:s17] =	ssyncset.done $0x0  }
0x16d: {  	[sflag:s17] =	ssyncadd.s32 $0xFFFFE000  }
0x16e: {  	[spmem:s1] =	stream.indirect.scatter.add.f32 [tilespmem:s13], [sflag:$0x5], $0x80, s11, s12, $0xb8;
	[tilespmem:$0x1D000] =	vst v63  }
0x16f: {  	_ =	swait.ge [sflag:s18], $0x2000  }
0x170: {  	[sflag:s18] =	ssyncset.done $0x0  }
0x171: {  	s24 =	rddreg [dreg:$0x8];
	[sflag:s18] =	ssyncadd.s32 $0xFFFFE000  }
0x172: {  	[spmem:s1] =	stream.indirect.scatter.add.f32 [tilespmem:s14], [sflag:$0x6], $0x80, s24, s12, $0xb8;
	[tilespmem:$0x1D000] =	vst v63  }
0x173: {  	_ =	swait.ge [sflag:s19], $0x2000  }
0x174: {  	[sflag:s19] =	ssyncset.done $0x0  }
0x175: {  	s25 =	rddreg [dreg:$0x9];
	[sflag:s19] =	ssyncadd.s32 $0xFFFFE000  }
0x176: {  	[spmem:s1] =	stream.indirect.scatter.add.f32 [tilespmem:s15], [sflag:$0x7], $0x80, s25, s12, $0xb8;
	[tilespmem:$0x1D000] =	vst v63  }
0x177: {  	_ =	swait.ge [sflag:s20], $0x2000  }
0x178: {  	[sflag:s20] =	ssyncset.done $0x0  }
0x179: {  	s9 =	rddreg [dreg:$0xa];
	[sflag:s20] =	ssyncadd.s32 $0xFFFFE000  }
0x17a: {  	[spmem:s1] =	stream.indirect.scatter.add.f32 [tilespmem:s16], [sflag:$0x8], $0x80, s9, s12, $0xb8;
	[tilespmem:$0x1D000] =	vst v63  }
0x17b: {  	_ =	swait.ge [sflag:s21], $0x2000  }
0x17c: {  	[sflag:s21] =	ssyncset.done $0x0  }
0x17d: {  	[sflag:s21] =	ssyncadd.s32 $0xFFFFE000  }
0x17e: {  	_ =	swait.ge [sflag:s22], $0x2000  }
0x17f: {  	[sflag:s22] =	ssyncset.done $0x0  }
0x180: {  	[sflag:s22] =	ssyncadd.s32 $0xFFFFE000  }
0x181: {  	_ =	swait.ge [sflag:s23], $0x2000  }
0x182: {  	[sflag:s23] =	ssyncset.done $0x0  }
0x183: {  	[sflag:s23] =	ssyncadd.s32 $0xFFFFE000  }
0x184: {  	_ =	swait.ge [sflag:s26], $0x2000  }
0x185: {  	[sflag:s26] =	ssyncset.done $0x0  }
0x186: {  	s24 =	rddreg [dreg:$0xb];
	[sflag:s26] =	ssyncadd.s32 $0xFFFFE000  }
0x187: {  	[tilespmem:s13], [sflag:$0x1] =	stream.indirect.gather [hbm4b:s3+s12], $0x80, s24, s12, $0xb8;
	[tilespmem:$0x1D000] =	vst v63  }
0x188: {  	s25 =	rddreg [dreg:$0xc]  }
0x189: {  	[tilespmem:s14], [sflag:$0x2] =	stream.indirect.gather [hbm4b:s3+s12], $0x80, s25, s12, $0xb8;
	[tilespmem:$0x1D000] =	vst v63  }
0x18a: {  	s24 =	rddreg [dreg:$0xd]  }
0x18b: {  	[tilespmem:s15], [sflag:$0x3] =	stream.indirect.gather [hbm4b:s3+s12], $0x80, s24, s12, $0xb8;
	[tilespmem:$0x1D000] =	vst v63  }
0x18c: {  	s25 =	rddreg [dreg:$0xe]  }
0x18d: {  	[tilespmem:s16], [sflag:$0x4] =	stream.indirect.gather [hbm4b:s3+s12], $0x80, s25, s12, $0xb8;
	[tilespmem:$0x1D000] =	vst v63  }
0x18e: {  	_ =	swait.ge [sflag:s17], $0x2000  }
0x18f: {  	[sflag:s17] =	ssyncset.done $0x0  }
0x190: {  	s9 =	rddreg [dreg:$0xf];
	[sflag:s17] =	ssyncadd.s32 $0xFFFFE000  }
0x191: {  	[spmem:s1] =	stream.indirect.scatter.add.f32 [tilespmem:s13], [sflag:$0x5], $0x80, s9, s12, $0xb8;
	[tilespmem:$0x1D000] =	vst v63  }
0x192: {  	_ =	swait.ge [sflag:s18], $0x2000  }
0x193: {  	[sflag:s18] =	ssyncset.done $0x0  }
0x194: {  	s24 =	rddreg [dreg:$0x10];
	[sflag:s18] =	ssyncadd.s32 $0xFFFFE000  }
0x195: {  	[spmem:s1] =	stream.indirect.scatter.add.f32 [tilespmem:s14], [sflag:$0x6], $0x80, s24, s12, $0xb8;
	[tilespmem:$0x1D000] =	vst v63  }
0x196: {  	_ =	swait.ge [sflag:s19], $0x2000  }
0x197: {  	[sflag:s19] =	ssyncset.done $0x0  }
0x198: {  	s25 =	rddreg [dreg:$0x11];
	[sflag:s19] =	ssyncadd.s32 $0xFFFFE000  }
0x199: {  	[spmem:s1] =	stream.indirect.scatter.add.f32 [tilespmem:s15], [sflag:$0x7], $0x80, s25, s12, $0xb8;
	[tilespmem:$0x1D000] =	vst v63  }
0x19a: {  	_ =	swait.ge [sflag:s20], $0x2000  }
0x19b: {  	[sflag:s20] =	ssyncset.done $0x0  }
0x19c: {  	s9 =	rddreg [dreg:$0x12];
	[sflag:s20] =	ssyncadd.s32 $0xFFFFE000  }
0x19d: {  	[spmem:s1] =	stream.indirect.scatter.add.f32 [tilespmem:s16], [sflag:$0x8], $0x80, s9, s12, $0xb8;
	[tilespmem:$0x1D000] =	vst v63  }
0x19e: {  	_ =	swait.ge [sflag:s21], $0x2000  }
0x19f: {  	[sflag:s21] =	ssyncset.done $0x0  }
0x1a0: {  	[sflag:s21] =	ssyncadd.s32 $0xFFFFE000  }
0x1a1: {  	_ =	swait.ge [sflag:s22], $0x2000  }
0x1a2: {  	[sflag:s22] =	ssyncset.done $0x0  }
0x1a3: {  	[sflag:s22] =	ssyncadd.s32 $0xFFFFE000  }
0x1a4: {  	_ =	swait.ge [sflag:s23], $0x2000  }
0x1a5: {  	[sflag:s23] =	ssyncset.done $0x0  }
0x1a6: {  	[sflag:s23] =	ssyncadd.s32 $0xFFFFE000  }
0x1a7: {  	_ =	swait.ge [sflag:s26], $0x2000  }
0x1a8: {  	[sflag:s26] =	ssyncset.done $0x0  }
0x1a9: {  	s24 =	rddreg [dreg:$0x13];
	[sflag:s26] =	ssyncadd.s32 $0xFFFFE000  }
0x1aa: {  	[tilespmem:s13], [sflag:$0x1] =	stream.indirect.gather [hbm4b:s3+s12], $0x80, s24, s12, $0xb8;
	[tilespmem:$0x1D000] =	vst v63  }
0x1ab: {  	s25 =	rddreg [dreg:$0x14]  }
0x1ac: {  	[tilespmem:s14], [sflag:$0x2] =	stream.indirect.gather [hbm4b:s3+s12], $0x80, s25, s12, $0xb8;
	[tilespmem:$0x1D000] =	vst v63  }
0x1ad: {  	s24 =	rddreg [dreg:$0x15]  }
0x1ae: {  	[tilespmem:s15], [sflag:$0x3] =	stream.indirect.gather [hbm4b:s3+s12], $0x80, s24, s12, $0xb8;
	[tilespmem:$0x1D000] =	vst v63  }
0x1af: {  	s25 =	rddreg [dreg:$0x16]  }
0x1b0: {  	[tilespmem:s16], [sflag:$0x4] =	stream.indirect.gather [hbm4b:s3+s12], $0x80, s25, s12, $0xb8;
	[tilespmem:$0x1D000] =	vst v63  }
0x1b1: {  	_ =	swait.ge [sflag:s17], $0x2000  }
0x1b2: {  	[sflag:s17] =	ssyncset.done $0x0  }
0x1b3: {  	s9 =	rddreg [dreg:$0x17];
	[sflag:s17] =	ssyncadd.s32 $0xFFFFE000  }
0x1b4: {  	[spmem:s1] =	stream.indirect.scatter.add.f32 [tilespmem:s13], [sflag:$0x5], $0x80, s9, s12, $0xb8;
	[tilespmem:$0x1D000] =	vst v63  }
0x1b5: {  	_ =	swait.ge [sflag:s18], $0x2000  }
0x1b6: {  	[sflag:s18] =	ssyncset.done $0x0  }
0x1b7: {  	s24 =	rddreg [dreg:$0x18];
	[sflag:s18] =	ssyncadd.s32 $0xFFFFE000  }
0x1b8: {  	[spmem:s1] =	stream.indirect.scatter.add.f32 [tilespmem:s14], [sflag:$0x6], $0x80, s24, s12, $0xb8;
	[tilespmem:$0x1D000] =	vst v63  }
0x1b9: {  	_ =	swait.ge [sflag:s19], $0x2000  }
0x1ba: {  	[sflag:s19] =	ssyncset.done $0x0  }
0x1bb: {  	s25 =	rddreg [dreg:$0x19];
	[sflag:s19] =	ssyncadd.s32 $0xFFFFE000  }
0x1bc: {  	[spmem:s1] =	stream.indirect.scatter.add.f32 [tilespmem:s15], [sflag:$0x7], $0x80, s25, s12, $0xb8;
	[tilespmem:$0x1D000] =	vst v63  }
0x1bd: {  	_ =	swait.ge [sflag:s20], $0x2000  }
0x1be: {  	[sflag:s20] =	ssyncset.done $0x0  }
0x1bf: {  	[sflag:s20] =	ssyncadd.s32 $0xFFFFE000  }
0x1c0: {  	[spmem:s1] =	stream.indirect.scatter.add.f32 [tilespmem:s16], [sflag:$0x8], $0x80, s28, s12, $0xb8;
	[tilespmem:$0x1D000] =	vst v63  }
0x1c1: {  	_ =	swait.ge [sflag:s21], $0x2000  }
0x1c2: {  	[sflag:s21] =	ssyncset.done $0x0  }
0x1c3: {  	[sflag:s21] =	ssyncadd.s32 $0xFFFFE000  }
0x1c4: {  	_ =	swait.ge [sflag:s22], $0x2000  }
0x1c5: {  	[sflag:s22] =	ssyncset.done $0x0  }
0x1c6: {  	[sflag:s22] =	ssyncadd.s32 $0xFFFFE000  }
0x1c7: {  	_ =	swait.ge [sflag:s23], $0x2000  }
0x1c8: {  	[sflag:s23] =	ssyncset.done $0x0  }
0x1c9: {  	[sflag:s23] =	ssyncadd.s32 $0xFFFFE000  }
0x1ca: {  	_ =	swait.ge [sflag:s26], $0x2000  }
0x1cb: {  	[sflag:s26] =	ssyncset.done $0x0  }
0x1cc: {  	[sflag:s26] =	ssyncadd.s32 $0xFFFFE000  }
0x1cd: {  	[tilespmem:s13], [sflag:$0x1] =	stream.indirect.gather [hbm4b:s3+s12], $0x80, s29, s12, $0xb8;
	[tilespmem:$0x1D000] =	vst v63  }
0x1ce: {  	_ = 	snop  }
0x1cf: {  	[tilespmem:s14], [sflag:$0x2] =	stream.indirect.gather [hbm4b:s3+s12], $0x80, s30, s12, $0xb8;
	[tilespmem:$0x1D000] =	vst v63  }
0x1d0: {  	_ = 	snop  }
0x1d1: {  	[tilespmem:s15], [sflag:$0x3] =	stream.indirect.gather [hbm4b:s3+s12], $0x80, s31, s12, $0xb8;
	[tilespmem:$0x1D000] =	vst v63  }
0x1d2: {  	_ = 	snop  }
0x1d3: {  	[tilespmem:s16], [sflag:$0x4] =	stream.indirect.gather [hbm4b:s3+s12], $0x80, s0, s12, $0xb8;
	[tilespmem:$0x1D000] =	vst v63  }
0x1d4: {  	_ =	swait.ge [sflag:s17], $0x2000  }
0x1d5: {  	[sflag:s17] =	ssyncset.done $0x0  }
0x1d6: {  	[sflag:s17] =	ssyncadd.s32 $0xFFFFE000  }
0x1d7: {  	[spmem:s1] =	stream.indirect.scatter.add.f32 [tilespmem:s13], [sflag:$0x5], $0x80, s4, s12, $0xb8;
	[tilespmem:$0x1D000] =	vst v63  }
0x1d8: {  	_ =	swait.ge [sflag:s18], $0x2000  }
0x1d9: {  	[sflag:s18] =	ssyncset.done $0x0  }
0x1da: {  	[sflag:s18] =	ssyncadd.s32 $0xFFFFE000  }
0x1db: {  	[spmem:s1] =	stream.indirect.scatter.add.f32 [tilespmem:s14], [sflag:$0x6], $0x80, s6, s12, $0xb8;
	[tilespmem:$0x1D000] =	vst v63  }
0x1dc: {  	_ =	swait.ge [sflag:s19], $0x2000  }
0x1dd: {  	[sflag:s19] =	ssyncset.done $0x0  }
0x1de: {  	[sflag:s19] =	ssyncadd.s32 $0xFFFFE000  }
0x1df: {  	[spmem:s1] =	stream.indirect.scatter.add.f32 [tilespmem:s15], [sflag:$0x7], $0x80, s7, s12, $0xb8;
	[tilespmem:$0x1D000] =	vst v63  }
0x1e0: {  	_ =	swait.ge [sflag:s20], $0x2000  }
0x1e1: {  	[sflag:s20] =	ssyncset.done $0x0  }
0x1e2: {  	[sflag:s20] =	ssyncadd.s32 $0xFFFFE000  }
0x1e3: {  	[spmem:s1] =	stream.indirect.scatter.add.f32 [tilespmem:s16], [sflag:$0x8], $0x80, s8, s12, $0xb8;
	[tilespmem:$0x1D000] =	vst v63  }
0x1e4: {  	_ =	swait.ge [sflag:s21], $0x2000  }
0x1e5: {  	[sflag:s21] =	ssyncset.done $0x0  }
0x1e6: {  	[sflag:s21] =	ssyncadd.s32 $0xFFFFE000  }
0x1e7: {  	_ =	swait.ge [sflag:s22], $0x2000  }
0x1e8: {  	[sflag:s22] =	ssyncset.done $0x0  }
0x1e9: {  	[sflag:s22] =	ssyncadd.s32 $0xFFFFE000  }
0x1ea: {  	_ =	swait.ge [sflag:s23], $0x2000  }
0x1eb: {  	[sflag:s23] =	ssyncset.done $0x0  }
0x1ec: {  	[sflag:s23] =	ssyncadd.s32 $0xFFFFE000  }
0x1ed: {  	_ =	swait.ge [sflag:s26], $0x2000  }
0x1ee: {  	[sflag:s26] =	ssyncset.done $0x0  }
0x1ef: {  	[sflag:s26] =	ssyncadd.s32 $0xFFFFE000  }
0x1f0: {  	[bflag:$0x0] =	sbarrier.arrive $0xFFFF  }
0x1f1: {  	s25 =	sld [smem:$0x7FC]  }
0x1f2: {  	s24 =	rddreg [dreg:$0x1b]  }
0x1f3: {  	s9 =	rddreg [dreg:$0x1c]  }
0x1f4: {  	[hbm:s9], [sflag:s24] =	dma.local [spmem:s25], $0x2700  }
0x1f5: {  	_ =	swait.ge [sflag:s10], $0x2700  }
0x1f6: {  	s9 =	sld [smem:$0x7FD]  }
0x1f7: {  	[sflag:s10] =	ssyncset.done $0x0  }
0x1f8: {  	s5 =	rddreg [dreg:$0x1d];
	[sflag:s10] =	ssyncadd.s32 $0xFFFFD900  }
0x1f9: {  	[hbm:s5], [sflag:s24] =	dma.local @!p0 [spmem:s9], $0x100  }
0x1fa: {  	s5 =	simm.s32 @!p0 $0x9  }
0x1fb: {  	_ =	swait.ge @!p0 [sflag:s5], $0x100  }
0x1fc: {  	s25 =	sld [smem:$0x7FB];
	_ =	sdelay $0x2  }
0x1fd: {  	s9 =	rddreg [dreg:$0x1e];
	s25 =	sadd.s32 $0x1, s25  }
0x1fe: {  	p1 =	sne.s32 s25, s9  }
.Ltmp1:
0x1ff: {  	_ = 	snop;
	(pc) =	sbr.rel @p1 .LBB2_1-.Ltmp1, $3  }
0x200: {  	_ =	sdelay $0x1  }
0x201: {  	[sflag:s5] =	ssyncset.done @!p0 $0x0  }
0x202: {  	[sflag:s5] =	ssyncadd.s32 @!p0 $0xFFFFFF00  }
0x203: {  	_ =	sfence.sel $0x180000  }
0x204: {  	[bflag:$0x0] =	sbarrier.arrive $0xFFFF  }
0x205: {  	_ =	strace $0x9000004A  }
0x206: {  	[bflag:$0x2] =	sbarrier.arrive $0xFFFF  }
0x207: {  	s0 =	rddreg [dreg:$0x2]  }
0x208: {  	s0 =	sadd.s32 @!p0 $0x100000, s0  }
0x209: {  	[sflag:s0] =	ssyncadd.tile.s32 @!p0 $0x1;
	_ =	shalt  }
.Lfunc_end2:
_tile_overlayer_lowered:
.L_overlay_start_2:
0x20a: {  	(tag) =	ssettag $0x2  }
0x20b: {  	s0 =	rddreg [dreg:$0x0];
	s2 =	stileid.u32  }
0x20c: {  	s1 =	rddreg [dreg:$0x1];
	p0 =	sne.s32 s2, $0x0  }
0x20d: {  	s3 =	rddreg [dreg:$0x2];
	[bflag:$0x3] =	sbarrier.arrive $0xFFFF;
	s2 =	simm.s32 @!p0 $0x1C09  }
0x20e: {  	[timem:s3], [sflag:s2] =	dma.local @!p0 [hbm:s0], s1  }
0x20f: {  	s0 =	simm.s32 @!p0 $0x9  }
0x210: {  	_ =	swait.ge @!p0 [sflag:s0], s1  }
0x211: {  	s1 =	ssub.s32 @!p0 $0x0, s1;
	[sflag:s0] =	ssyncset.done @!p0 $0x0  }
0x212: {  	[sflag:s0] =	ssyncadd.s32 @!p0 s1  }
0x213: {  	[bflag:$0x3] =	sbarrier.arrive $0xFFFF  }
0x214: {  	_ =	shalt  }

// kernel: kernel.17.cloned.1.call-start
scs
__scs_entry_jumppad:
0x0: {  	(pc) =	sbr.rel $0x88, $3  }
0x1: {  	(tag) =	ssettag $0x0;
	lr =	simm.s32 $0x1  }
0x2: {  	[smem:$0x3F92] =	sst lr;
	_ =	strace $0xD0000000  }
0x3: {  	_ = 	snop  }
0x4: {  	_ = 	snop  }
0x5: {  	_ = 	snop  }
0x6: {  	_ = 	snop  }
0x7: {  	_ = 	snop  }
__scs_overlays_trampoline_lowered:
0x8: {  	[smem:$0x3FA1] =	sst s0  }
0x9: {  	[smem:$0x3FA2] =	sst s1  }
0xa: {  	[smem:$0x3FA3] =	sst s2  }
0xb: {  	[smem:$0x3FA4] =	sst s3  }
0xc: {  	[smem:$0x3FA5] =	sst s4  }
0xd: {  	[smem:$0x3FA6] =	sst s5  }
0xe: {  	[smem:$0x3FA7] =	sst s6  }
0xf: {  	[smem:$0x3FA8] =	sst s7  }
0x10: {  	[smem:$0x3FA9] =	sst s8  }
0x11: {  	[smem:$0x3FAA] =	sst s9;
	s0 =	simm.s32 @!p0 $0x0  }
0x12: {  	s1 =	sld [smem:$0x3F90];
	s0 =	simm.s32 @p0 $0x1  }
0x13: {  	[smem:$0x3FAB] =	sst s0;
	s0 =	simm.s32 @!p1 $0x0  }
0x14: {  	s2 =	sld [smem:$0x3F8F];
	s0 =	simm.s32 @p1 $0x1  }
0x15: {  	[smem:$0x3FAC] =	sst s0;
	s0 =	simm.s32 @!p2 $0x0  }
0x16: {  	s3 =	sld [smem:$0x3FDB];
	s0 =	simm.s32 @p2 $0x1  }
0x17: {  	s4 =	simm.s32 $0x1BF5;
	[smem:$0x3FAE] =	sst s0  }
0x18: {  	s0 =	sld [smem:$0x3F91];
	_ =	swait.ge [sflag:s4], $0x0  }
0x19: {  	s7 =	sld [smem:$0x3F92]  }
0x1a: {  	s8 =	sadd.s32 $0xFFFFE003, lr  }
0x1b: {  	s9 =	sadd.s32 $0xFFFFFEF7, lr;
	s5 =	simm.s32 $0xFFFFFFFF;
	p2 =	slt.u32 s8, $0xFFFFF086  }
0x1c: {  	p1 =	slt.u32 s9, $0xF7A;
	s5 =	simm.s32 @!p2 $0x0  }
0x1d: {  	s5 =	simm.s32 @p1 $0x1;
	p0 =	seq.s32 s7, s2  }
0x1e: {  	s7 =	smul.u32 @!p0 $0xF7A, s2;
	p2 =	seq.s32 @!p0 s5, $0x0  }
0x1f: {  	s9 =	smul.u32 $0xF7A, s1;
	s8 =	simm.s32 @!p0 $0x1BF5;
	p2 =	por !p2, p0  }
0x20: {  	[sflag:s8] =	ssyncset.s32 @!p0 $0xFFFFF086;
	s6 =	sadd.s32 @!p0 s3, s7;
	s7 =	simm.s32 @!p0 $0x108  }
0x21: {  	s3 =	sadd.s32 s3, s9;
	s6 =	sadd.s32 @!p0 $0x88, s6;
	s7 =	simm.s32 @p2 $0x1082  }
0x22: {  	[simem:s7], [sflag:s8] =	dma.local @!p0 [hbm:s6], $0xF7A  }
0x23: {  	s9 =	sor.u32 $0xD0000000, s2;
	s6 =	simm.s32 $0x108;
	_ =	swait.ge @!p0 [sflag:s8], $0x0  }
0x24: {  	s3 =	sadd.s32 $0x88, s3;
	s6 =	simm.s32 @!p1 $0x1082;
	[sflag:s4] =	ssyncset.s32 $0xFFFFF086  }
0x25: {  	[simem:s6], [sflag:s4] =	dma.local [hbm:s3], $0xF7A  }
0x26: {  	[smem:$0x3F92] =	sst s1;
	(tag) =	ssettag s2;
	_ =	strace s9  }
0x27: {  	s1 =	sld [smem:$0x3FA2]  }
0x28: {  	s2 =	sld [smem:$0x3FA3]  }
0x29: {  	s4 =	sld [smem:$0x3FA5]  }
0x2a: {  	p0 =	seq.s32 s5, $0x0;
	s5 =	sld [smem:$0x3FA6]  }
0x2b: {  	s6 =	sld [smem:$0x3FA7]  }
0x2c: {  	s7 =	sld [smem:$0x3FA8]  }
0x2d: {  	s3 =	simm.s32 $0x108;
	s8 =	sld [smem:$0x3FA9]  }
0x2e: {  	s3 =	simm.s32 @!p0 $0x1082;
	s9 =	sld [smem:$0x3FAA]  }
0x2f: {  	lr =	sadd.s32 s0, s3;
	s0 =	sld [smem:$0x3FA1]  }
0x30: {  	s3 =	sld [smem:$0x3FA4]  }
0x31: {  	[smem:$0x3FAD] =	sst s10  }
0x32: {  	s10 =	sld [smem:$0x3FAB];
	_ =	sdelay $0x3  }
0x33: {  	p0 =	seq.s32 s10, $0x1;
	s10 =	sld [smem:$0x3FAD];
	_ =	sdelay $0x3  }
0x34: {  	[smem:$0x3FAD] =	sst s10  }
0x35: {  	s10 =	sld [smem:$0x3FAC];
	_ =	sdelay $0x3  }
0x36: {  	p1 =	seq.s32 s10, $0x1;
	s10 =	sld [smem:$0x3FAD];
	_ =	sdelay $0x3  }
0x37: {  	[smem:$0x3FAD] =	sst s10  }
0x38: {  	s10 =	sld [smem:$0x3FAE]  }
0x39: {  	_ = 	snop;
	(pc) =	sbr.ind lr, $3  }
0x3a: {  	_ = 	snop  }
0x3b: {  	_ = 	snop  }
0x3c: {  	p2 =	seq.s32 s10, $0x1;
	s10 =	sld [smem:$0x3FAD]  }
0x3d: {  	_ =	shalt  }
0x3e: {  	_ =	shalt  }
0x3f: {  	_ =	shalt  }
0x40: {  	_ =	shalt  }
0x41: {  	_ =	shalt  }
0x42: {  	_ =	shalt  }
0x43: {  	_ =	shalt  }
0x44: {  	_ =	shalt  }
0x45: {  	_ =	shalt  }
0x46: {  	_ =	shalt  }
0x47: {  	_ =	shalt  }
0x48: {  	_ =	shalt  }
0x49: {  	_ =	shalt  }
0x4a: {  	_ =	shalt  }
0x4b: {  	_ =	shalt  }
0x4c: {  	_ =	shalt  }
0x4d: {  	_ =	shalt  }
0x4e: {  	_ =	shalt  }
0x4f: {  	_ =	shalt  }
0x50: {  	_ =	shalt  }
0x51: {  	_ =	shalt  }
0x52: {  	_ =	shalt  }
0x53: {  	_ =	shalt  }
0x54: {  	_ =	shalt  }
0x55: {  	_ =	shalt  }
0x56: {  	_ =	shalt  }
0x57: {  	_ =	shalt  }
0x58: {  	_ =	shalt  }
0x59: {  	_ =	shalt  }
0x5a: {  	_ =	shalt  }
0x5b: {  	_ =	shalt  }
0x5c: {  	_ =	shalt  }
0x5d: {  	_ =	shalt  }
0x5e: {  	_ =	shalt  }
0x5f: {  	_ =	shalt  }
0x60: {  	_ =	shalt  }
0x61: {  	_ =	shalt  }
0x62: {  	_ =	shalt  }
0x63: {  	_ =	shalt  }
0x64: {  	_ =	shalt  }
0x65: {  	_ =	shalt  }
0x66: {  	_ =	shalt  }
0x67: {  	_ =	shalt  }
0x68: {  	_ =	shalt  }
0x69: {  	_ =	shalt  }
0x6a: {  	_ =	shalt  }
0x6b: {  	_ =	shalt  }
0x6c: {  	_ =	shalt  }
0x6d: {  	_ =	shalt  }
0x6e: {  	_ =	shalt  }
0x6f: {  	_ =	shalt  }
0x70: {  	_ =	shalt  }
0x71: {  	_ =	shalt  }
0x72: {  	_ =	shalt  }
0x73: {  	_ =	shalt  }
0x74: {  	_ =	shalt  }
0x75: {  	_ =	shalt  }
0x76: {  	_ =	shalt  }
0x77: {  	_ =	shalt  }
0x78: {  	_ =	shalt  }
0x79: {  	_ =	shalt  }
0x7a: {  	_ =	shalt  }
0x7b: {  	_ =	shalt  }
0x7c: {  	_ =	shalt  }
0x7d: {  	_ =	shalt  }
0x7e: {  	_ =	shalt  }
0x7f: {  	_ =	shalt  }
0x80: {  	_ =	shalt  }
0x81: {  	_ =	shalt  }
0x82: {  	_ =	shalt  }
0x83: {  	_ =	shalt  }
0x84: {  	_ =	shalt  }
0x85: {  	_ =	shalt  }
0x86: {  	_ =	shalt  }
0x87: {  	_ =	shalt  }
.Lfunc_end0:
.L_simem_size_0:
called_computation.2_lowered:
.L_overlay_start_0:
0x88: {  	s2 =	sld [smem:$0x3FD9]  }
0x89: {  	s3 =	sld [smem:$0x3FFE];
	_ =	sdelay $0x1  }
0x8a: {  	s1 =	srdreg.scid  }
0x8b: {  	s0 =	sand.u32 $0x1, s1  }
0x8c: {  	s16 =	sshll.u32 s0, $0xA;
	s2 =	sadd.s32 s3, s2  }
0x8d: {  	s2 =	sadd.s32 s2, s16  }
0x8e: {  	[smem:$0x3FB9] =	sst s2  }
0x8f: {  	_ = 	snop  }
0x90: {  	(tm) =	ssettm $0x1  }
0x91: {  	s17 =	sld [smem:$0x3FFB];
	_ =	sdelay $0x3  }
0x92: {  	_ =	strace s17  }
0x93: {  	s2 =	sld [smem:$0x3FFC];
	_ =	sdelay $0x3  }
0x94: {  	_ =	strace s2  }
0x95: {  	s2 =	sld [smem:$0x3FFD];
	_ =	sdelay $0x3  }
0x96: {  	_ =	strace s2  }
0x97: {  	_ =	strace $0x8FFFFFFF  }
0x98: {  	s18 =	sld [smem:$0x3FDB];
	_ =	sdelay $0x1  }
0x99: {  	s19 =	simm.s32 $_scs_section_size  }
0x9a: {  	s4 =	simm.s32 $_size__tile_overlayer_lowered;
	s5 =	simm.s32 $_tile_overlayer_lowered  }
0x9b: {  	s22 =	simm.s32 $0x1BFF;
	s21 =	sshll.u32 s5, $0x1;
	s2 =	sadd.s32 s19, s18  }
0x9c: {  	s6 =	simm.s32 $0x0;
	s20 =	sshll.u32 s4, $0x1;
	s4 =	sadd.s32 s21, s2  }
0x9d: {  	[timem:s6], [sflag:s22] =	dma.local [hbm:s4], s20  }
0x9e: {  	_ =	swait.ge [sflag:s22], s20  }
0x9f: {  	s3 =	ssub.s32 $0x0, s20;
	[sflag:s22] =	ssyncset.done $0x0  }
0xa0: {  	[sflag:s22] =	ssyncadd.s32 s3;
	_ =	sdelay $0x1  }
0xa1: {  	s23 =	simm.s32 $0x1B8B  }
0xa2: {  	_ =	swait.ge [sflag:s23], $0x1  }
0xa3: {  	[sflag:s23] =	ssyncset.done $0x0  }
0xa4: {  	s25 =	simm.s32 $0x1B8E;
	s24 =	sld [smem:$0x3FFE];
	[sflag:s23] =	ssyncadd.s32 $0xFFFFFFFF  }
0xa5: {  	s26 =	simm.s32 $execute0_lowered;
	[smem:$0x3FD2] =	sst s25  }
0xa6: {  	s4 =	sshll.u32 s26, $0x1;
	_ =	strace $0x8000004C;
	[dreg:$0x1] =	wrdreg $0xFFFFFFFF  }
0xa7: {  	s28 =	simm.s32 $_size_execute0_lowered;
	s2 =	sadd.s32 s2, s4;
	[dreg:$0x0] =	wrdreg $0x0  }
0xa8: {  	s4 =	sshll.u32 s28, $0x1;
	[dreg:$0x2] =	wrdreg s2  }
0xa9: {  	[dreg:$0x3] =	wrdreg s4  }
0xaa: {  	[dreg:$0x4] =	wrdreg $0xC0  }
0xab: {  	_ =	task [dreg:s6], $0x5FFFF  }
0xac: {  	[dreg:$0x1] =	wrdreg $0xFFFFFFFF  }
0xad: {  	[dreg:$0x0] =	wrdreg $0x60  }
0xae: {  	[dreg:$0x2] =	wrdreg s24  }
0xaf: {  	[dreg:$0x3] =	wrdreg $0x90000  }
0xb0: {  	[dreg:$0x4] =	wrdreg $0x9  }
0xb1: {  	_ =	task.clear_ibuf [dreg:s6], $0x5FFFF;
	_ =	strace $0x9000004C  }
0xb2: {  	s29 =	simm.s32 $0x9;
	_ =	strace $0x8000004E  }
0xb3: {  	_ =	swait.ge [sflag:s29], $0x1  }
0xb4: {  	[sflag:s29] =	ssyncadd.s32 $0xFFFFFFFF  }
0xb5: {  	_ =	strace $0x9000004E  }
0xb6: {  	_ =	sfence  }
0xb7: {  	s30 =	sld [smem:$0x0];
	_ =	sdelay $0x2  }
0xb8: {  	s31 =	sshll.u32 s1, $0xD;
	s1 =	sshrl.u32 s1, $0x2  }
0xb9: {  	s3 =	sand.u32 $0x4000, s31;
	s1 =	sadd.s32 s1, s30  }
0xba: {  	s0 =	sor.u32 s3, s0;
	s1 =	sshll.u32 s1, $0x11  }
0xbb: {  	s0 =	sor.u32 s1, s0  }
0xbc: {  	s0 =	sadd.s32 $0x8F2B, s0  }
0xbd: {  	[sflag:s0] =	ssyncadd.remote.s32 $0x1  }
0xbe: {  	_ =	sfence.sel $0xFFFF  }
0xbf: {  	[dreg:$0x0] =	wrdreg $0xFFFFFFFF;
	(pc) =	sbr.abs _section_cstart, $3  }
0xc0: {  	[dreg:$0x1] =	wrdreg $0xFFFFFFFF  }
0xc1: {  	_ =	task.clear_ibuf [dreg:s6], $0x2FFFF;
	_ =	strace $0x9FFFFFFF  }
0xc2: {  	(tm) =	ssettm $0x7FFFFFFF  }
0xc3: {  	_ =	shalt  }
tec
execute0_lowered:
.L_overlay_start_1:
0x0: {  	(tag) =	ssettag $0x1  }
0x1: {  	s4 =	rddreg [dreg:$0x0];
	s0 =	srdreg.scid  }
0x2: {  	s1 =	rddreg [dreg:$0x1];
	s2 =	simm.s32 $0x0;
	s19 =	simm.s32 $0x80  }
0x3: {  	s20 =	simm.s32 $0x100;
	s21 =	simm.s32 $0x180;
	s22 =	simm.s32 $0x880  }
0x4: {  	s23 =	simm.s32 $0x900;
	s25 =	simm.s32 $0x980;
	s28 =	simm.s32 $0xD80  }
0x5: {  	s29 =	simm.s32 $0x600;
	s5 =	sand.u32 $0x1, s0;
	s0 =	stileid.u32  }
0x6: {  	s30 =	simm.s32 $0x680;
	[smem:$0x7FF] =	sst s2;
	s6 =	smul.u32 $0xA0000, s5  }
0x7: {  	s7 =	smul.u32 $0xA000, s0;
	_ =	strace $0x8000004D;
	[dreg:$0x5] =	wrdreg s19  }
0x8: {  	s31 =	simm.s32 $0x700;
	s26 =	smul.u32 $0x2800, s0;
	[dreg:$0x6] =	wrdreg s20  }
0x9: {  	s3 =	sadd.s32 $0x52E00, s4;
	s10 =	smul.u32 $0x50000, s0;
	[dreg:$0x7] =	wrdreg s21  }
0xa: {  	s11 =	sadd.s32 $0xC9000, s4;
	s13 =	smul.u32 $0x4E000, s0;
	[dreg:$0x8] =	wrdreg s22  }
0xb: {  	s8 =	ssub.s32 $0x2, s5;
	s16 =	smul.u32 $0x27100, s5;
	[dreg:$0x9] =	wrdreg s23  }
0xc: {  	s18 =	smul.u32 $0x2700, s0;
	[dreg:$0xa] =	wrdreg s25;
	s19 =	simm.s32 $0x480  }
0xd: {  	s5 =	smul.u32 $0x138800, s5;
	s20 =	simm.s32 $0x500;
	[dreg:$0x14] =	wrdreg s19  }
0xe: {  	s21 =	simm.s32 $0x580;
	s22 =	simm.s32 $0xC00;
	[dreg:$0x15] =	wrdreg s20  }
0xf: {  	s23 =	simm.s32 $0xC80;
	s25 =	simm.s32 $0xD00;
	[dreg:$0x16] =	wrdreg s21  }
0x10: {  	p0 =	sne.s32 s0, $0x0;
	s9 =	sshrl.u32 s8, $0x1;
	[dreg:$0x17] =	wrdreg s22  }
0x11: {  	s19 =	simm.s32 $0x3;
	s20 =	simm.s32 $0x4;
	[dreg:$0x18] =	wrdreg s23  }
0x12: {  	s21 =	simm.s32 $0x5;
	[dreg:$0x19] =	wrdreg s25;
	s22 =	simm.s32 $0x6  }
0x13: {  	s23 =	simm.s32 $0x7;
	s25 =	simm.s32 $0x0;
	s6 =	sadd.s32 s7, s6  }
0x14: {  	s7 =	sadd.s32 s26, s4;
	s8 =	ssub.s32 s8, s9;
	s9 =	sshrl.u32 s10, $0x2  }
0x15: {  	s10 =	sshll.u32 s0, $0x6;
	s15 =	sshrl.u32 s13, $0x2;
	s5 =	sshrl.u32 s5, $0x3  }
0x16: {  	s26 =	simm.s32 $0x200;
	s13 =	simm.s32 $0x380;
	s6 =	sshrl.u32 s6, $0x3  }
0x17: {  	s12 =	sadd.s32 s9, s1;
	s14 =	sadd.s32 $0xA1000, s7;
	[dreg:$0xb] =	wrdreg s26  }
0x18: {  	s24 =	sor.u32 $0x1C09, s10;
	s7 =	sadd.s32 s18, s16;
	[dreg:$0xe] =	wrdreg s13  }
0x19: {  	s5 =	sadd.s32 s11, s5;
	s10 =	smax.u32 s8, $0x1;
	[dreg:$0x1a] =	wrdreg s14  }
0x1a: {  	s9 =	simm.s32 $0x280;
	s16 =	simm.s32 $0xB00;
	[dreg:$0x1e] =	wrdreg s10  }
0x1b: {  	s13 =	simm.s32 $0x1000;
	s18 =	simm.s32 $0x400;
	[dreg:$0xc] =	wrdreg s9  }
0x1c: {  	s8 =	simm.s32 $0xF80;
	s6 =	sadd.s32 s6, s4;
	[dreg:$0x11] =	wrdreg s16  }
0x1d: {  	s4 =	sadd.s32 s15, s1;
	s7 =	sadd.s32 s11, s7;
	[dreg:$0x13] =	wrdreg s18  }
0x1e: {  	s5 =	sadd.s32 $0x27000, s5;
	s11 =	simm.s32 $0x300;
	[dreg:$0x1b] =	wrdreg s24  }
0x1f: {  	s12 =	sshrl.u32 s12, $0x3;
	s10 =	simm.s32 $0x9;
	[dreg:$0x1c] =	wrdreg s7  }
0x20: {  	s14 =	simm.s32 $0xA00;
	s15 =	simm.s32 $0xA80;
	[dreg:$0x1d] =	wrdreg s5  }
0x21: {  	s16 =	simm.s32 $0x7000;
	s18 =	simm.s32 $0x2;
	[dreg:$0x1f] =	wrdreg s12  }
0x22: {  	s17 =	sadd.s32 $0x2E00, s6;
	s6 =	sadd.s32 $0x2AE00, s6;
	[dreg:$0xd] =	wrdreg s11  }
0x23: {  	s7 =	sadd.s32 $0x138000, s1;
	s11 =	simm.s32 $0x800;
	[dreg:$0xf] =	wrdreg s14  }
0x24: {  	s12 =	simm.s32 $0x40;
	[dreg:$0x10] =	wrdreg s15;
	s14 =	simm.s32 $0x3000  }
0x25: {  	s15 =	simm.s32 $0x5000;
	s26 =	sshrl.u32 s4, $0x3;
	[dreg:$0x3] =	wrdreg s17  }
0x26: {  	s4 =	simm.s32 $0xE00;
	[dreg:$0x4] =	wrdreg s6;
	s17 =	simm.s32 $0xB80  }
0x27: {  	[smem:$0x7FC] =	sst s26;
	s0 =	sshrl.u32 @!p0 s7, $0x3;
	s26 =	simm.s32 $0x8  }
0x28: {  	s6 =	simm.s32 $0xE80;
	s7 =	simm.s32 $0xF00;
	[dreg:$0x12] =	wrdreg s17  }
0x29: {  	s17 =	simm.s32 $0x1;
	[smem:$0x7FD] =	sst s0;
	s0 =	simm.s32 $0x780  }
.LBB2_1:
0x2a: {  	[smem:$0x7FB] =	sst s25  }
0x2b: {  	s5 =	rddreg [dreg:$0x1a]  }
0x2c: {  	s9 =	rddreg [dreg:$0x1f]  }
0x2d: {  	[spmem:s9], [sflag:s24] =	dma.local [hbm:s5], $0x2800  }
0x2e: {  	_ =	swait.ge [sflag:s10], $0x2800  }
0x2f: {  	[sflag:s10] =	ssyncset.done $0x0  }
0x30: {  	[sflag:s10] =	ssyncadd.s32 $0xFFFFD800  }
0x31: {  	[bflag:$0x0] =	sbarrier.arrive $0xFFFF  }
0x32: {  	s25 =	rddreg [dreg:$0x4]  }
0x33: {  	s5 =	sadd.s32 $0x0, s25  }
0x34: {  	[tilespmem:s2], [sflag:$0x9] =	stream.linear.gather [hbm4b:s5+s2], $0x800, $0x38;
	[tilespmem:$0x1D000] =	vst v63  }
0x35: {  	_ =	swait.ge [sflag:s10], $0x800  }
0x36: {  	s9 =	rddreg [dreg:$0x3];
	[sflag:s10] =	ssyncset.done $0x0  }
0x37: {  	[sflag:s10] =	ssyncadd.s32 $0xFFFFF800;
	s5 =	sadd.s32 $0x0, s9  }
0x38: {  	[tilespmem:s11], [sflag:$0x9] =	stream.linear.gather [hbm4b:s5+s2], $0x800, $0x38;
	[tilespmem:$0x1D000] =	vst v63  }
0x39: {  	_ =	swait.ge [sflag:s10], $0x800  }
0x3a: {  	[sflag:s10] =	ssyncset.done $0x0  }
0x3b: {  	[sflag:s10] =	ssyncadd.s32 $0xFFFFF800  }
0x3c: {  	[tilespmem:s13], [sflag:$0x1] =	stream.indirect.gather [hbm4b:s3+s12], $0x80, s2, s12, $0xb8;
	[tilespmem:$0x1D000] =	vst v63  }
0x3d: {  	s24 =	rddreg [dreg:$0x5]  }
0x3e: {  	[tilespmem:s14], [sflag:$0x2] =	stream.indirect.gather [hbm4b:s3+s12], $0x80, s24, s12, $0xb8;
	[tilespmem:$0x1D000] =	vst v63  }
0x3f: {  	s25 =	rddreg [dreg:$0x6]  }
0x40: {  	[tilespmem:s15], [sflag:$0x3] =	stream.indirect.gather [hbm4b:s3+s12], $0x80, s25, s12, $0xb8;
	[tilespmem:$0x1D000] =	vst v63  }
0x41: {  	s9 =	rddreg [dreg:$0x7]  }
0x42: {  	[tilespmem:s16], [sflag:$0x4] =	stream.indirect.gather [hbm4b:s3+s12], $0x80, s9, s12, $0xb8;
	[tilespmem:$0x1D000] =	vst v63  }
0x43: {  	_ =	swait.ge [sflag:s17], $0x2000  }
0x44: {  	[sflag:s17] =	ssyncset.done $0x0  }
0x45: {  	[sflag:s17] =	ssyncadd.s32 $0xFFFFE000  }
0x46: {  	[spmem:s1] =	stream.indirect.scatter.add.f32 [tilespmem:s13], [sflag:$0x5], $0x80, s11, s12, $0xb8;
	[tilespmem:$0x1D000] =	vst v63  }
0x47: {  	_ =	swait.ge [sflag:s18], $0x2000  }
0x48: {  	[sflag:s18] =	ssyncset.done $0x0  }
0x49: {  	s24 =	rddreg [dreg:$0x8];
	[sflag:s18] =	ssyncadd.s32 $0xFFFFE000  }
0x4a: {  	[spmem:s1] =	stream.indirect.scatter.add.f32 [tilespmem:s14], [sflag:$0x6], $0x80, s24, s12, $0xb8;
	[tilespmem:$0x1D000] =	vst v63  }
0x4b: {  	_ =	swait.ge [sflag:s19], $0x2000  }
0x4c: {  	[sflag:s19] =	ssyncset.done $0x0  }
0x4d: {  	s25 =	rddreg [dreg:$0x9];
	[sflag:s19] =	ssyncadd.s32 $0xFFFFE000  }
0x4e: {  	[spmem:s1] =	stream.indirect.scatter.add.f32 [tilespmem:s15], [sflag:$0x7], $0x80, s25, s12, $0xb8;
	[tilespmem:$0x1D000] =	vst v63  }
0x4f: {  	_ =	swait.ge [sflag:s20], $0x2000  }
0x50: {  	[sflag:s20] =	ssyncset.done $0x0  }
0x51: {  	s9 =	rddreg [dreg:$0xa];
	[sflag:s20] =	ssyncadd.s32 $0xFFFFE000  }
0x52: {  	[spmem:s1] =	stream.indirect.scatter.add.f32 [tilespmem:s16], [sflag:$0x8], $0x80, s9, s12, $0xb8;
	[tilespmem:$0x1D000] =	vst v63  }
0x53: {  	_ =	swait.ge [sflag:s21], $0x2000  }
0x54: {  	[sflag:s21] =	ssyncset.done $0x0  }
0x55: {  	[sflag:s21] =	ssyncadd.s32 $0xFFFFE000  }
0x56: {  	_ =	swait.ge [sflag:s22], $0x2000  }
0x57: {  	[sflag:s22] =	ssyncset.done $0x0  }
0x58: {  	[sflag:s22] =	ssyncadd.s32 $0xFFFFE000  }
0x59: {  	_ =	swait.ge [sflag:s23], $0x2000  }
0x5a: {  	[sflag:s23] =	ssyncset.done $0x0  }
0x5b: {  	[sflag:s23] =	ssyncadd.s32 $0xFFFFE000  }
0x5c: {  	_ =	swait.ge [sflag:s26], $0x2000  }
0x5d: {  	[sflag:s26] =	ssyncset.done $0x0  }
0x5e: {  	s24 =	rddreg [dreg:$0xb];
	[sflag:s26] =	ssyncadd.s32 $0xFFFFE000  }
0x5f: {  	[tilespmem:s13], [sflag:$0x1] =	stream.indirect.gather [hbm4b:s3+s12], $0x80, s24, s12, $0xb8;
	[tilespmem:$0x1D000] =	vst v63  }
0x60: {  	s25 =	rddreg [dreg:$0xc]  }
0x61: {  	[tilespmem:s14], [sflag:$0x2] =	stream.indirect.gather [hbm4b:s3+s12], $0x80, s25, s12, $0xb8;
	[tilespmem:$0x1D000] =	vst v63  }
0x62: {  	s9 =	rddreg [dreg:$0xd]  }
0x63: {  	[tilespmem:s15], [sflag:$0x3] =	stream.indirect.gather [hbm4b:s3+s12], $0x80, s9, s12, $0xb8;
	[tilespmem:$0x1D000] =	vst v63  }
0x64: {  	s25 =	rddreg [dreg:$0xe]  }
0x65: {  	[tilespmem:s16], [sflag:$0x4] =	stream.indirect.gather [hbm4b:s3+s12], $0x80, s25, s12, $0xb8;
	[tilespmem:$0x1D000] =	vst v63  }
0x66: {  	_ =	swait.ge [sflag:s17], $0x2000  }
0x67: {  	[sflag:s17] =	ssyncset.done $0x0  }
0x68: {  	s9 =	rddreg [dreg:$0xf];
	[sflag:s17] =	ssyncadd.s32 $0xFFFFE000  }
0x69: {  	[spmem:s1] =	stream.indirect.scatter.add.f32 [tilespmem:s13], [sflag:$0x5], $0x80, s9, s12, $0xb8;
	[tilespmem:$0x1D000] =	vst v63  }
0x6a: {  	_ =	swait.ge [sflag:s18], $0x2000  }
0x6b: {  	[sflag:s18] =	ssyncset.done $0x0  }
0x6c: {  	s24 =	rddreg [dreg:$0x10];
	[sflag:s18] =	ssyncadd.s32 $0xFFFFE000  }
0x6d: {  	[spmem:s1] =	stream.indirect.scatter.add.f32 [tilespmem:s14], [sflag:$0x6], $0x80, s24, s12, $0xb8;
	[tilespmem:$0x1D000] =	vst v63  }
0x6e: {  	_ =	swait.ge [sflag:s19], $0x2000  }
0x6f: {  	[sflag:s19] =	ssyncset.done $0x0  }
0x70: {  	s25 =	rddreg [dreg:$0x11];
	[sflag:s19] =	ssyncadd.s32 $0xFFFFE000  }
0x71: {  	[spmem:s1] =	stream.indirect.scatter.add.f32 [tilespmem:s15], [sflag:$0x7], $0x80, s25, s12, $0xb8;
	[tilespmem:$0x1D000] =	vst v63  }
0x72: {  	_ =	swait.ge [sflag:s20], $0x2000  }
0x73: {  	[sflag:s20] =	ssyncset.done $0x0  }
0x74: {  	s9 =	rddreg [dreg:$0x12];
	[sflag:s20] =	ssyncadd.s32 $0xFFFFE000  }
0x75: {  	[spmem:s1] =	stream.indirect.scatter.add.f32 [tilespmem:s16], [sflag:$0x8], $0x80, s9, s12, $0xb8;
	[tilespmem:$0x1D000] =	vst v63  }
0x76: {  	_ =	swait.ge [sflag:s21], $0x2000  }
0x77: {  	[sflag:s21] =	ssyncset.done $0x0  }
0x78: {  	[sflag:s21] =	ssyncadd.s32 $0xFFFFE000  }
0x79: {  	_ =	swait.ge [sflag:s22], $0x2000  }
0x7a: {  	[sflag:s22] =	ssyncset.done $0x0  }
0x7b: {  	[sflag:s22] =	ssyncadd.s32 $0xFFFFE000  }
0x7c: {  	_ =	swait.ge [sflag:s23], $0x2000  }
0x7d: {  	[sflag:s23] =	ssyncset.done $0x0  }
0x7e: {  	[sflag:s23] =	ssyncadd.s32 $0xFFFFE000  }
0x7f: {  	_ =	swait.ge [sflag:s26], $0x2000  }
0x80: {  	[sflag:s26] =	ssyncset.done $0x0  }
0x81: {  	s24 =	rddreg [dreg:$0x13];
	[sflag:s26] =	ssyncadd.s32 $0xFFFFE000  }
0x82: {  	[tilespmem:s13], [sflag:$0x1] =	stream.indirect.gather [hbm4b:s3+s12], $0x80, s24, s12, $0xb8;
	[tilespmem:$0x1D000] =	vst v63  }
0x83: {  	s25 =	rddreg [dreg:$0x14]  }
0x84: {  	[tilespmem:s14], [sflag:$0x2] =	stream.indirect.gather [hbm4b:s3+s12], $0x80, s25, s12, $0xb8;
	[tilespmem:$0x1D000] =	vst v63  }
0x85: {  	s9 =	rddreg [dreg:$0x15]  }
0x86: {  	[tilespmem:s15], [sflag:$0x3] =	stream.indirect.gather [hbm4b:s3+s12], $0x80, s9, s12, $0xb8;
	[tilespmem:$0x1D000] =	vst v63  }
0x87: {  	s25 =	rddreg [dreg:$0x16]  }
0x88: {  	[tilespmem:s16], [sflag:$0x4] =	stream.indirect.gather [hbm4b:s3+s12], $0x80, s25, s12, $0xb8;
	[tilespmem:$0x1D000] =	vst v63  }
0x89: {  	_ =	swait.ge [sflag:s17], $0x2000  }
0x8a: {  	[sflag:s17] =	ssyncset.done $0x0  }
0x8b: {  	s9 =	rddreg [dreg:$0x17];
	[sflag:s17] =	ssyncadd.s32 $0xFFFFE000  }
0x8c: {  	[spmem:s1] =	stream.indirect.scatter.add.f32 [tilespmem:s13], [sflag:$0x5], $0x80, s9, s12, $0xb8;
	[tilespmem:$0x1D000] =	vst v63  }
0x8d: {  	_ =	swait.ge [sflag:s18], $0x2000  }
0x8e: {  	[sflag:s18] =	ssyncset.done $0x0  }
0x8f: {  	s24 =	rddreg [dreg:$0x18];
	[sflag:s18] =	ssyncadd.s32 $0xFFFFE000  }
0x90: {  	[spmem:s1] =	stream.indirect.scatter.add.f32 [tilespmem:s14], [sflag:$0x6], $0x80, s24, s12, $0xb8;
	[tilespmem:$0x1D000] =	vst v63  }
0x91: {  	_ =	swait.ge [sflag:s19], $0x2000  }
0x92: {  	[sflag:s19] =	ssyncset.done $0x0  }
0x93: {  	s25 =	rddreg [dreg:$0x19];
	[sflag:s19] =	ssyncadd.s32 $0xFFFFE000  }
0x94: {  	[spmem:s1] =	stream.indirect.scatter.add.f32 [tilespmem:s15], [sflag:$0x7], $0x80, s25, s12, $0xb8;
	[tilespmem:$0x1D000] =	vst v63  }
0x95: {  	_ =	swait.ge [sflag:s20], $0x2000  }
0x96: {  	[sflag:s20] =	ssyncset.done $0x0  }
0x97: {  	[sflag:s20] =	ssyncadd.s32 $0xFFFFE000  }
0x98: {  	[spmem:s1] =	stream.indirect.scatter.add.f32 [tilespmem:s16], [sflag:$0x8], $0x80, s28, s12, $0xb8;
	[tilespmem:$0x1D000] =	vst v63  }
0x99: {  	_ =	swait.ge [sflag:s21], $0x2000  }
0x9a: {  	[sflag:s21] =	ssyncset.done $0x0  }
0x9b: {  	[sflag:s21] =	ssyncadd.s32 $0xFFFFE000  }
0x9c: {  	_ =	swait.ge [sflag:s22], $0x2000  }
0x9d: {  	[sflag:s22] =	ssyncset.done $0x0  }
0x9e: {  	[sflag:s22] =	ssyncadd.s32 $0xFFFFE000  }
0x9f: {  	_ =	swait.ge [sflag:s23], $0x2000  }
0xa0: {  	[sflag:s23] =	ssyncset.done $0x0  }
0xa1: {  	[sflag:s23] =	ssyncadd.s32 $0xFFFFE000  }
0xa2: {  	_ =	swait.ge [sflag:s26], $0x2000  }
0xa3: {  	[sflag:s26] =	ssyncset.done $0x0  }
0xa4: {  	[sflag:s26] =	ssyncadd.s32 $0xFFFFE000  }
0xa5: {  	[tilespmem:s13], [sflag:$0x1] =	stream.indirect.gather [hbm4b:s3+s12], $0x80, s29, s12, $0xb8;
	[tilespmem:$0x1D000] =	vst v63  }
0xa6: {  	_ = 	snop  }
0xa7: {  	[tilespmem:s14], [sflag:$0x2] =	stream.indirect.gather [hbm4b:s3+s12], $0x80, s30, s12, $0xb8;
	[tilespmem:$0x1D000] =	vst v63  }
0xa8: {  	_ = 	snop  }
0xa9: {  	[tilespmem:s15], [sflag:$0x3] =	stream.indirect.gather [hbm4b:s3+s12], $0x80, s31, s12, $0xb8;
	[tilespmem:$0x1D000] =	vst v63  }
0xaa: {  	_ = 	snop  }
0xab: {  	[tilespmem:s16], [sflag:$0x4] =	stream.indirect.gather [hbm4b:s3+s12], $0x80, s0, s12, $0xb8;
	[tilespmem:$0x1D000] =	vst v63  }
0xac: {  	_ =	swait.ge [sflag:s17], $0x2000  }
0xad: {  	[sflag:s17] =	ssyncset.done $0x0  }
0xae: {  	[sflag:s17] =	ssyncadd.s32 $0xFFFFE000  }
0xaf: {  	[spmem:s1] =	stream.indirect.scatter.add.f32 [tilespmem:s13], [sflag:$0x5], $0x80, s4, s12, $0xb8;
	[tilespmem:$0x1D000] =	vst v63  }
0xb0: {  	_ =	swait.ge [sflag:s18], $0x2000  }
0xb1: {  	[sflag:s18] =	ssyncset.done $0x0  }
0xb2: {  	[sflag:s18] =	ssyncadd.s32 $0xFFFFE000  }
0xb3: {  	[spmem:s1] =	stream.indirect.scatter.add.f32 [tilespmem:s14], [sflag:$0x6], $0x80, s6, s12, $0xb8;
	[tilespmem:$0x1D000] =	vst v63  }
0xb4: {  	_ =	swait.ge [sflag:s19], $0x2000  }
0xb5: {  	[sflag:s19] =	ssyncset.done $0x0  }
0xb6: {  	[sflag:s19] =	ssyncadd.s32 $0xFFFFE000  }
0xb7: {  	[spmem:s1] =	stream.indirect.scatter.add.f32 [tilespmem:s15], [sflag:$0x7], $0x80, s7, s12, $0xb8;
	[tilespmem:$0x1D000] =	vst v63  }
0xb8: {  	_ =	swait.ge [sflag:s20], $0x2000  }
0xb9: {  	[sflag:s20] =	ssyncset.done $0x0  }
0xba: {  	[sflag:s20] =	ssyncadd.s32 $0xFFFFE000  }
0xbb: {  	[spmem:s1] =	stream.indirect.scatter.add.f32 [tilespmem:s16], [sflag:$0x8], $0x80, s8, s12, $0xb8;
	[tilespmem:$0x1D000] =	vst v63  }
0xbc: {  	_ =	swait.ge [sflag:s21], $0x2000  }
0xbd: {  	[sflag:s21] =	ssyncset.done $0x0  }
0xbe: {  	[sflag:s21] =	ssyncadd.s32 $0xFFFFE000  }
0xbf: {  	_ =	swait.ge [sflag:s22], $0x2000  }
0xc0: {  	[sflag:s22] =	ssyncset.done $0x0  }
0xc1: {  	[sflag:s22] =	ssyncadd.s32 $0xFFFFE000  }
0xc2: {  	_ =	swait.ge [sflag:s23], $0x2000  }
0xc3: {  	[sflag:s23] =	ssyncset.done $0x0  }
0xc4: {  	[sflag:s23] =	ssyncadd.s32 $0xFFFFE000  }
0xc5: {  	s24 =	simm.s32 $0x100;
	_ =	swait.ge [sflag:s26], $0x2000  }
0xc6: {  	s25 =	simm.s32 $0x200;
	s5 =	rddreg [dreg:$0x4];
	[sflag:s26] =	ssyncset.done $0x0  }
.LBB2_2:
0xc7: {  	[sflag:s26] =	ssyncadd.s32 $0xFFFFE000;
	s5 =	sadd.s32 s24, s5  }
0xc8: {  	[tilespmem:s2], [sflag:$0x9] =	stream.linear.gather [hbm4b:s5+s2], $0x800, $0x38;
	[tilespmem:$0x1D000] =	vst v63  }
0xc9: {  	_ =	swait.ge [sflag:s10], $0x800  }
0xca: {  	s5 =	rddreg [dreg:$0x3];
	[sflag:s10] =	ssyncset.done $0x0  }
0xcb: {  	[sflag:s10] =	ssyncadd.s32 $0xFFFFF800;
	s5 =	sadd.s32 s24, s5  }
0xcc: {  	[tilespmem:s11], [sflag:$0x9] =	stream.linear.gather [hbm4b:s5+s2], $0x800, $0x38;
	[tilespmem:$0x1D000] =	vst v63  }
0xcd: {  	_ =	swait.ge [sflag:s10], $0x800  }
0xce: {  	[sflag:s10] =	ssyncset.done $0x0  }
0xcf: {  	[sflag:s10] =	ssyncadd.s32 $0xFFFFF800  }
0xd0: {  	[tilespmem:s13], [sflag:$0x1] =	stream.indirect.gather [hbm4b:s3+s12], $0x80, s2, s12, $0xb8;
	[tilespmem:$0x1D000] =	vst v63  }
0xd1: {  	s9 =	smov.u32 s25;
	s5 =	rddreg [dreg:$0x5]  }
0xd2: {  	[tilespmem:s14], [sflag:$0x2] =	stream.indirect.gather [hbm4b:s3+s12], $0x80, s5, s12, $0xb8;
	[tilespmem:$0x1D000] =	vst v63  }
0xd3: {  	s24 =	smov.u32 s9;
	s9 =	rddreg [dreg:$0x6]  }
0xd4: {  	[tilespmem:s15], [sflag:$0x3] =	stream.indirect.gather [hbm4b:s3+s12], $0x80, s9, s12, $0xb8;
	[tilespmem:$0x1D000] =	vst v63  }
0xd5: {  	s5 =	rddreg [dreg:$0x7]  }
0xd6: {  	[tilespmem:s16], [sflag:$0x4] =	stream.indirect.gather [hbm4b:s3+s12], $0x80, s5, s12, $0xb8;
	[tilespmem:$0x1D000] =	vst v63  }
0xd7: {  	_ =	swait.ge [sflag:s17], $0x2000  }
0xd8: {  	[sflag:s17] =	ssyncset.done $0x0  }
0xd9: {  	[sflag:s17] =	ssyncadd.s32 $0xFFFFE000  }
0xda: {  	[spmem:s1] =	stream.indirect.scatter.add.f32 [tilespmem:s13], [sflag:$0x5], $0x80, s11, s12, $0xb8;
	[tilespmem:$0x1D000] =	vst v63  }
0xdb: {  	_ =	swait.ge [sflag:s18], $0x2000  }
0xdc: {  	[sflag:s18] =	ssyncset.done $0x0  }
0xdd: {  	s9 =	rddreg [dreg:$0x8];
	[sflag:s18] =	ssyncadd.s32 $0xFFFFE000  }
0xde: {  	[spmem:s1] =	stream.indirect.scatter.add.f32 [tilespmem:s14], [sflag:$0x6], $0x80, s9, s12, $0xb8;
	[tilespmem:$0x1D000] =	vst v63  }
0xdf: {  	_ =	swait.ge [sflag:s19], $0x2000  }
0xe0: {  	[sflag:s19] =	ssyncset.done $0x0  }
0xe1: {  	s9 =	rddreg [dreg:$0x9];
	[sflag:s19] =	ssyncadd.s32 $0xFFFFE000  }
0xe2: {  	[spmem:s1] =	stream.indirect.scatter.add.f32 [tilespmem:s15], [sflag:$0x7], $0x80, s9, s12, $0xb8;
	[tilespmem:$0x1D000] =	vst v63  }
0xe3: {  	_ =	swait.ge [sflag:s20], $0x2000  }
0xe4: {  	[sflag:s20] =	ssyncset.done $0x0  }
0xe5: {  	s9 =	rddreg [dreg:$0xa];
	[sflag:s20] =	ssyncadd.s32 $0xFFFFE000  }
0xe6: {  	[spmem:s1] =	stream.indirect.scatter.add.f32 [tilespmem:s16], [sflag:$0x8], $0x80, s9, s12, $0xb8;
	[tilespmem:$0x1D000] =	vst v63  }
0xe7: {  	_ =	swait.ge [sflag:s21], $0x2000  }
0xe8: {  	[sflag:s21] =	ssyncset.done $0x0  }
0xe9: {  	[sflag:s21] =	ssyncadd.s32 $0xFFFFE000  }
0xea: {  	_ =	swait.ge [sflag:s22], $0x2000  }
0xeb: {  	[sflag:s22] =	ssyncset.done $0x0  }
0xec: {  	[sflag:s22] =	ssyncadd.s32 $0xFFFFE000  }
0xed: {  	_ =	swait.ge [sflag:s23], $0x2000  }
0xee: {  	[sflag:s23] =	ssyncset.done $0x0  }
0xef: {  	[sflag:s23] =	ssyncadd.s32 $0xFFFFE000  }
0xf0: {  	_ =	swait.ge [sflag:s26], $0x2000  }
0xf1: {  	[sflag:s26] =	ssyncset.done $0x0  }
0xf2: {  	s5 =	rddreg [dreg:$0xb];
	[sflag:s26] =	ssyncadd.s32 $0xFFFFE000  }
0xf3: {  	[tilespmem:s13], [sflag:$0x1] =	stream.indirect.gather [hbm4b:s3+s12], $0x80, s5, s12, $0xb8;
	[tilespmem:$0x1D000] =	vst v63  }
0xf4: {  	s9 =	rddreg [dreg:$0xc]  }
0xf5: {  	[tilespmem:s14], [sflag:$0x2] =	stream.indirect.gather [hbm4b:s3+s12], $0x80, s9, s12, $0xb8;
	[tilespmem:$0x1D000] =	vst v63  }
0xf6: {  	s5 =	rddreg [dreg:$0xd]  }
0xf7: {  	[tilespmem:s15], [sflag:$0x3] =	stream.indirect.gather [hbm4b:s3+s12], $0x80, s5, s12, $0xb8;
	[tilespmem:$0x1D000] =	vst v63  }
0xf8: {  	s9 =	rddreg [dreg:$0xe]  }
0xf9: {  	[tilespmem:s16], [sflag:$0x4] =	stream.indirect.gather [hbm4b:s3+s12], $0x80, s9, s12, $0xb8;
	[tilespmem:$0x1D000] =	vst v63  }
0xfa: {  	_ =	swait.ge [sflag:s17], $0x2000  }
0xfb: {  	[sflag:s17] =	ssyncset.done $0x0  }
0xfc: {  	s9 =	rddreg [dreg:$0xf];
	[sflag:s17] =	ssyncadd.s32 $0xFFFFE000  }
0xfd: {  	[spmem:s1] =	stream.indirect.scatter.add.f32 [tilespmem:s13], [sflag:$0x5], $0x80, s9, s12, $0xb8;
	[tilespmem:$0x1D000] =	vst v63  }
0xfe: {  	_ =	swait.ge [sflag:s18], $0x2000  }
0xff: {  	[sflag:s18] =	ssyncset.done $0x0  }
0x100: {  	s9 =	rddreg [dreg:$0x10];
	[sflag:s18] =	ssyncadd.s32 $0xFFFFE000  }
0x101: {  	[spmem:s1] =	stream.indirect.scatter.add.f32 [tilespmem:s14], [sflag:$0x6], $0x80, s9, s12, $0xb8;
	[tilespmem:$0x1D000] =	vst v63  }
0x102: {  	_ =	swait.ge [sflag:s19], $0x2000  }
0x103: {  	[sflag:s19] =	ssyncset.done $0x0  }
0x104: {  	s9 =	rddreg [dreg:$0x11];
	[sflag:s19] =	ssyncadd.s32 $0xFFFFE000  }
0x105: {  	[spmem:s1] =	stream.indirect.scatter.add.f32 [tilespmem:s15], [sflag:$0x7], $0x80, s9, s12, $0xb8;
	[tilespmem:$0x1D000] =	vst v63  }
0x106: {  	_ =	swait.ge [sflag:s20], $0x2000  }
0x107: {  	[sflag:s20] =	ssyncset.done $0x0  }
0x108: {  	s9 =	rddreg [dreg:$0x12];
	[sflag:s20] =	ssyncadd.s32 $0xFFFFE000  }
0x109: {  	[spmem:s1] =	stream.indirect.scatter.add.f32 [tilespmem:s16], [sflag:$0x8], $0x80, s9, s12, $0xb8;
	[tilespmem:$0x1D000] =	vst v63  }
0x10a: {  	_ =	swait.ge [sflag:s21], $0x2000  }
0x10b: {  	[sflag:s21] =	ssyncset.done $0x0  }
0x10c: {  	[sflag:s21] =	ssyncadd.s32 $0xFFFFE000  }
0x10d: {  	_ =	swait.ge [sflag:s22], $0x2000  }
0x10e: {  	[sflag:s22] =	ssyncset.done $0x0  }
0x10f: {  	[sflag:s22] =	ssyncadd.s32 $0xFFFFE000  }
0x110: {  	_ =	swait.ge [sflag:s23], $0x2000  }
0x111: {  	[sflag:s23] =	ssyncset.done $0x0  }
0x112: {  	[sflag:s23] =	ssyncadd.s32 $0xFFFFE000  }
0x113: {  	_ =	swait.ge [sflag:s26], $0x2000  }
0x114: {  	[sflag:s26] =	ssyncset.done $0x0  }
0x115: {  	s5 =	rddreg [dreg:$0x13];
	[sflag:s26] =	ssyncadd.s32 $0xFFFFE000  }
0x116: {  	[tilespmem:s13], [sflag:$0x1] =	stream.indirect.gather [hbm4b:s3+s12], $0x80, s5, s12, $0xb8;
	[tilespmem:$0x1D000] =	vst v63  }
0x117: {  	s9 =	rddreg [dreg:$0x14]  }
0x118: {  	[tilespmem:s14], [sflag:$0x2] =	stream.indirect.gather [hbm4b:s3+s12], $0x80, s9, s12, $0xb8;
	[tilespmem:$0x1D000] =	vst v63  }
0x119: {  	s5 =	rddreg [dreg:$0x15]  }
0x11a: {  	[tilespmem:s15], [sflag:$0x3] =	stream.indirect.gather [hbm4b:s3+s12], $0x80, s5, s12, $0xb8;
	[tilespmem:$0x1D000] =	vst v63  }
0x11b: {  	s9 =	rddreg [dreg:$0x16]  }
0x11c: {  	[tilespmem:s16], [sflag:$0x4] =	stream.indirect.gather [hbm4b:s3+s12], $0x80, s9, s12, $0xb8;
	[tilespmem:$0x1D000] =	vst v63  }
0x11d: {  	_ =	swait.ge [sflag:s17], $0x2000  }
0x11e: {  	[sflag:s17] =	ssyncset.done $0x0  }
0x11f: {  	s9 =	rddreg [dreg:$0x17];
	[sflag:s17] =	ssyncadd.s32 $0xFFFFE000  }
0x120: {  	[spmem:s1] =	stream.indirect.scatter.add.f32 [tilespmem:s13], [sflag:$0x5], $0x80, s9, s12, $0xb8;
	[tilespmem:$0x1D000] =	vst v63  }
0x121: {  	_ =	swait.ge [sflag:s18], $0x2000  }
0x122: {  	[sflag:s18] =	ssyncset.done $0x0  }
0x123: {  	s9 =	rddreg [dreg:$0x18];
	[sflag:s18] =	ssyncadd.s32 $0xFFFFE000  }
0x124: {  	[spmem:s1] =	stream.indirect.scatter.add.f32 [tilespmem:s14], [sflag:$0x6], $0x80, s9, s12, $0xb8;
	[tilespmem:$0x1D000] =	vst v63  }
0x125: {  	_ =	swait.ge [sflag:s19], $0x2000  }
0x126: {  	[sflag:s19] =	ssyncset.done $0x0  }
0x127: {  	s9 =	rddreg [dreg:$0x19];
	[sflag:s19] =	ssyncadd.s32 $0xFFFFE000  }
0x128: {  	[spmem:s1] =	stream.indirect.scatter.add.f32 [tilespmem:s15], [sflag:$0x7], $0x80, s9, s12, $0xb8;
	[tilespmem:$0x1D000] =	vst v63  }
0x129: {  	_ =	swait.ge [sflag:s20], $0x2000  }
0x12a: {  	[sflag:s20] =	ssyncset.done $0x0  }
0x12b: {  	[sflag:s20] =	ssyncadd.s32 $0xFFFFE000  }
0x12c: {  	[spmem:s1] =	stream.indirect.scatter.add.f32 [tilespmem:s16], [sflag:$0x8], $0x80, s28, s12, $0xb8;
	[tilespmem:$0x1D000] =	vst v63  }
0x12d: {  	_ =	swait.ge [sflag:s21], $0x2000  }
0x12e: {  	[sflag:s21] =	ssyncset.done $0x0  }
0x12f: {  	[sflag:s21] =	ssyncadd.s32 $0xFFFFE000  }
0x130: {  	_ =	swait.ge [sflag:s22], $0x2000  }
0x131: {  	[sflag:s22] =	ssyncset.done $0x0  }
0x132: {  	[sflag:s22] =	ssyncadd.s32 $0xFFFFE000  }
0x133: {  	_ =	swait.ge [sflag:s23], $0x2000  }
0x134: {  	[sflag:s23] =	ssyncset.done $0x0  }
0x135: {  	[sflag:s23] =	ssyncadd.s32 $0xFFFFE000  }
0x136: {  	_ =	swait.ge [sflag:s26], $0x2000  }
0x137: {  	[sflag:s26] =	ssyncset.done $0x0  }
0x138: {  	[sflag:s26] =	ssyncadd.s32 $0xFFFFE000  }
0x139: {  	[tilespmem:s13], [sflag:$0x1] =	stream.indirect.gather [hbm4b:s3+s12], $0x80, s29, s12, $0xb8;
	[tilespmem:$0x1D000] =	vst v63  }
0x13a: {  	_ = 	snop  }
0x13b: {  	[tilespmem:s14], [sflag:$0x2] =	stream.indirect.gather [hbm4b:s3+s12], $0x80, s30, s12, $0xb8;
	[tilespmem:$0x1D000] =	vst v63  }
0x13c: {  	_ = 	snop  }
0x13d: {  	[tilespmem:s15], [sflag:$0x3] =	stream.indirect.gather [hbm4b:s3+s12], $0x80, s31, s12, $0xb8;
	[tilespmem:$0x1D000] =	vst v63  }
0x13e: {  	_ = 	snop  }
0x13f: {  	[tilespmem:s16], [sflag:$0x4] =	stream.indirect.gather [hbm4b:s3+s12], $0x80, s0, s12, $0xb8;
	[tilespmem:$0x1D000] =	vst v63  }
0x140: {  	_ =	swait.ge [sflag:s17], $0x2000  }
0x141: {  	[sflag:s17] =	ssyncset.done $0x0  }
0x142: {  	[sflag:s17] =	ssyncadd.s32 $0xFFFFE000  }
0x143: {  	[spmem:s1] =	stream.indirect.scatter.add.f32 [tilespmem:s13], [sflag:$0x5], $0x80, s4, s12, $0xb8;
	[tilespmem:$0x1D000] =	vst v63  }
0x144: {  	_ =	swait.ge [sflag:s18], $0x2000  }
0x145: {  	[sflag:s18] =	ssyncset.done $0x0  }
0x146: {  	[sflag:s18] =	ssyncadd.s32 $0xFFFFE000  }
0x147: {  	[spmem:s1] =	stream.indirect.scatter.add.f32 [tilespmem:s14], [sflag:$0x6], $0x80, s6, s12, $0xb8;
	[tilespmem:$0x1D000] =	vst v63  }
0x148: {  	_ =	swait.ge [sflag:s19], $0x2000  }
0x149: {  	[sflag:s19] =	ssyncset.done $0x0  }
0x14a: {  	[sflag:s19] =	ssyncadd.s32 $0xFFFFE000  }
0x14b: {  	[spmem:s1] =	stream.indirect.scatter.add.f32 [tilespmem:s15], [sflag:$0x7], $0x80, s7, s12, $0xb8;
	[tilespmem:$0x1D000] =	vst v63  }
0x14c: {  	_ =	swait.ge [sflag:s20], $0x2000  }
0x14d: {  	[sflag:s20] =	ssyncset.done $0x0  }
0x14e: {  	[sflag:s20] =	ssyncadd.s32 $0xFFFFE000  }
0x14f: {  	[spmem:s1] =	stream.indirect.scatter.add.f32 [tilespmem:s16], [sflag:$0x8], $0x80, s8, s12, $0xb8;
	[tilespmem:$0x1D000] =	vst v63  }
0x150: {  	_ =	swait.ge [sflag:s21], $0x2000  }
0x151: {  	[sflag:s21] =	ssyncset.done $0x0  }
0x152: {  	[sflag:s21] =	ssyncadd.s32 $0xFFFFE000  }
0x153: {  	_ =	swait.ge [sflag:s22], $0x2000  }
0x154: {  	[sflag:s22] =	ssyncset.done $0x0  }
0x155: {  	p1 =	sne.s32 s25, $0x1300;
	[sflag:s22] =	ssyncadd.s32 $0xFFFFE000  }
.Ltmp0:
0x156: {  	_ =	swait.ge [sflag:s23], $0x2000;
	(pc) =	sbr.rel @p1 .LBB2_2-.Ltmp0, $4  }
0x157: {  	[sflag:s23] =	ssyncset.done $0x0  }
0x158: {  	[sflag:s23] =	ssyncadd.s32 $0xFFFFE000  }
0x159: {  	_ =	swait.ge [sflag:s26], $0x2000  }
0x15a: {  	s25 =	sadd.s32 $0x100, s25;
	s5 =	rddreg [dreg:$0x4];
	[sflag:s26] =	ssyncset.done $0x0  }
0x15b: {  	[sflag:s26] =	ssyncadd.s32 $0xFFFFE000;
	s5 =	sadd.s32 s24, s5  }
0x15c: {  	[tilespmem:s2], [sflag:$0x9] =	stream.linear.gather [hbm4b:s5+s2], $0x800, $0x38;
	[tilespmem:$0x1D000] =	vst v63  }
0x15d: {  	_ =	swait.ge [sflag:s10], $0x800  }
0x15e: {  	s9 =	rddreg [dreg:$0x3];
	[sflag:s10] =	ssyncset.done $0x0  }
0x15f: {  	[sflag:s10] =	ssyncadd.s32 $0xFFFFF800;
	s5 =	sadd.s32 s24, s9  }
0x160: {  	[tilespmem:s11], [sflag:$0x9] =	stream.linear.gather [hbm4b:s5+s2], $0x800, $0x38;
	[tilespmem:$0x1D000] =	vst v63  }
0x161: {  	_ =	swait.ge [sflag:s10], $0x800  }
0x162: {  	[sflag:s10] =	ssyncset.done $0x0  }
0x163: {  	[sflag:s10] =	ssyncadd.s32 $0xFFFFF800  }
0x164: {  	[tilespmem:s13], [sflag:$0x1] =	stream.indirect.gather [hbm4b:s3+s12], $0x80, s2, s12, $0xb8;
	[tilespmem:$0x1D000] =	vst v63  }
0x165: {  	s24 =	rddreg [dreg:$0x5]  }
0x166: {  	[tilespmem:s14], [sflag:$0x2] =	stream.indirect.gather [hbm4b:s3+s12], $0x80, s24, s12, $0xb8;
	[tilespmem:$0x1D000] =	vst v63  }
0x167: {  	s9 =	rddreg [dreg:$0x6]  }
0x168: {  	[tilespmem:s15], [sflag:$0x3] =	stream.indirect.gather [hbm4b:s3+s12], $0x80, s9, s12, $0xb8;
	[tilespmem:$0x1D000] =	vst v63  }
0x169: {  	s25 =	rddreg [dreg:$0x7]  }
0x16a: {  	[tilespmem:s16], [sflag:$0x4] =	stream.indirect.gather [hbm4b:s3+s12], $0x80, s25, s12, $0xb8;
	[tilespmem:$0x1D000] =	vst v63  }
0x16b: {  	_ =	swait.ge [sflag:s17], $0x2000  }
0x16c: {  	[sflag:s17] =	ssyncset.done $0x0  }
0x16d: {  	[sflag:s17] =	ssyncadd.s32 $0xFFFFE000  }
0x16e: {  	[spmem:s1] =	stream.indirect.scatter.add.f32 [tilespmem:s13], [sflag:$0x5], $0x80, s11, s12, $0xb8;
	[tilespmem:$0x1D000] =	vst v63  }
0x16f: {  	_ =	swait.ge [sflag:s18], $0x2000  }
0x170: {  	[sflag:s18] =	ssyncset.done $0x0  }
0x171: {  	s24 =	rddreg [dreg:$0x8];
	[sflag:s18] =	ssyncadd.s32 $0xFFFFE000  }
0x172: {  	[spmem:s1] =	stream.indirect.scatter.add.f32 [tilespmem:s14], [sflag:$0x6], $0x80, s24, s12, $0xb8;
	[tilespmem:$0x1D000] =	vst v63  }
0x173: {  	_ =	swait.ge [sflag:s19], $0x2000  }
0x174: {  	[sflag:s19] =	ssyncset.done $0x0  }
0x175: {  	s25 =	rddreg [dreg:$0x9];
	[sflag:s19] =	ssyncadd.s32 $0xFFFFE000  }
0x176: {  	[spmem:s1] =	stream.indirect.scatter.add.f32 [tilespmem:s15], [sflag:$0x7], $0x80, s25, s12, $0xb8;
	[tilespmem:$0x1D000] =	vst v63  }
0x177: {  	_ =	swait.ge [sflag:s20], $0x2000  }
0x178: {  	[sflag:s20] =	ssyncset.done $0x0  }
0x179: {  	s9 =	rddreg [dreg:$0xa];
	[sflag:s20] =	ssyncadd.s32 $0xFFFFE000  }
0x17a: {  	[spmem:s1] =	stream.indirect.scatter.add.f32 [tilespmem:s16], [sflag:$0x8], $0x80, s9, s12, $0xb8;
	[tilespmem:$0x1D000] =	vst v63  }
0x17b: {  	_ =	swait.ge [sflag:s21], $0x2000  }
0x17c: {  	[sflag:s21] =	ssyncset.done $0x0  }
0x17d: {  	[sflag:s21] =	ssyncadd.s32 $0xFFFFE000  }
0x17e: {  	_ =	swait.ge [sflag:s22], $0x2000  }
0x17f: {  	[sflag:s22] =	ssyncset.done $0x0  }
0x180: {  	[sflag:s22] =	ssyncadd.s32 $0xFFFFE000  }
0x181: {  	_ =	swait.ge [sflag:s23], $0x2000  }
0x182: {  	[sflag:s23] =	ssyncset.done $0x0  }
0x183: {  	[sflag:s23] =	ssyncadd.s32 $0xFFFFE000  }
0x184: {  	_ =	swait.ge [sflag:s26], $0x2000  }
0x185: {  	[sflag:s26] =	ssyncset.done $0x0  }
0x186: {  	s24 =	rddreg [dreg:$0xb];
	[sflag:s26] =	ssyncadd.s32 $0xFFFFE000  }
0x187: {  	[tilespmem:s13], [sflag:$0x1] =	stream.indirect.gather [hbm4b:s3+s12], $0x80, s24, s12, $0xb8;
	[tilespmem:$0x1D000] =	vst v63  }
0x188: {  	s25 =	rddreg [dreg:$0xc]  }
0x189: {  	[tilespmem:s14], [sflag:$0x2] =	stream.indirect.gather [hbm4b:s3+s12], $0x80, s25, s12, $0xb8;
	[tilespmem:$0x1D000] =	vst v63  }
0x18a: {  	s24 =	rddreg [dreg:$0xd]  }
0x18b: {  	[tilespmem:s15], [sflag:$0x3] =	stream.indirect.gather [hbm4b:s3+s12], $0x80, s24, s12, $0xb8;
	[tilespmem:$0x1D000] =	vst v63  }
0x18c: {  	s25 =	rddreg [dreg:$0xe]  }
0x18d: {  	[tilespmem:s16], [sflag:$0x4] =	stream.indirect.gather [hbm4b:s3+s12], $0x80, s25, s12, $0xb8;
	[tilespmem:$0x1D000] =	vst v63  }
0x18e: {  	_ =	swait.ge [sflag:s17], $0x2000  }
0x18f: {  	[sflag:s17] =	ssyncset.done $0x0  }
0x190: {  	s9 =	rddreg [dreg:$0xf];
	[sflag:s17] =	ssyncadd.s32 $0xFFFFE000  }
0x191: {  	[spmem:s1] =	stream.indirect.scatter.add.f32 [tilespmem:s13], [sflag:$0x5], $0x80, s9, s12, $0xb8;
	[tilespmem:$0x1D000] =	vst v63  }
0x192: {  	_ =	swait.ge [sflag:s18], $0x2000  }
0x193: {  	[sflag:s18] =	ssyncset.done $0x0  }
0x194: {  	s24 =	rddreg [dreg:$0x10];
	[sflag:s18] =	ssyncadd.s32 $0xFFFFE000  }
0x195: {  	[spmem:s1] =	stream.indirect.scatter.add.f32 [tilespmem:s14], [sflag:$0x6], $0x80, s24, s12, $0xb8;
	[tilespmem:$0x1D000] =	vst v63  }
0x196: {  	_ =	swait.ge [sflag:s19], $0x2000  }
0x197: {  	[sflag:s19] =	ssyncset.done $0x0  }
0x198: {  	s25 =	rddreg [dreg:$0x11];
	[sflag:s19] =	ssyncadd.s32 $0xFFFFE000  }
0x199: {  	[spmem:s1] =	stream.indirect.scatter.add.f32 [tilespmem:s15], [sflag:$0x7], $0x80, s25, s12, $0xb8;
	[tilespmem:$0x1D000] =	vst v63  }
0x19a: {  	_ =	swait.ge [sflag:s20], $0x2000  }
0x19b: {  	[sflag:s20] =	ssyncset.done $0x0  }
0x19c: {  	s9 =	rddreg [dreg:$0x12];
	[sflag:s20] =	ssyncadd.s32 $0xFFFFE000  }
0x19d: {  	[spmem:s1] =	stream.indirect.scatter.add.f32 [tilespmem:s16], [sflag:$0x8], $0x80, s9, s12, $0xb8;
	[tilespmem:$0x1D000] =	vst v63  }
0x19e: {  	_ =	swait.ge [sflag:s21], $0x2000  }
0x19f: {  	[sflag:s21] =	ssyncset.done $0x0  }
0x1a0: {  	[sflag:s21] =	ssyncadd.s32 $0xFFFFE000  }
0x1a1: {  	_ =	swait.ge [sflag:s22], $0x2000  }
0x1a2: {  	[sflag:s22] =	ssyncset.done $0x0  }
0x1a3: {  	[sflag:s22] =	ssyncadd.s32 $0xFFFFE000  }
0x1a4: {  	_ =	swait.ge [sflag:s23], $0x2000  }
0x1a5: {  	[sflag:s23] =	ssyncset.done $0x0  }
0x1a6: {  	[sflag:s23] =	ssyncadd.s32 $0xFFFFE000  }
0x1a7: {  	_ =	swait.ge [sflag:s26], $0x2000  }
0x1a8: {  	[sflag:s26] =	ssyncset.done $0x0  }
0x1a9: {  	s24 =	rddreg [dreg:$0x13];
	[sflag:s26] =	ssyncadd.s32 $0xFFFFE000  }
0x1aa: {  	[tilespmem:s13], [sflag:$0x1] =	stream.indirect.gather [hbm4b:s3+s12], $0x80, s24, s12, $0xb8;
	[tilespmem:$0x1D000] =	vst v63  }
0x1ab: {  	s25 =	rddreg [dreg:$0x14]  }
0x1ac: {  	[tilespmem:s14], [sflag:$0x2] =	stream.indirect.gather [hbm4b:s3+s12], $0x80, s25, s12, $0xb8;
	[tilespmem:$0x1D000] =	vst v63  }
0x1ad: {  	s24 =	rddreg [dreg:$0x15]  }
0x1ae: {  	[tilespmem:s15], [sflag:$0x3] =	stream.indirect.gather [hbm4b:s3+s12], $0x80, s24, s12, $0xb8;
	[tilespmem:$0x1D000] =	vst v63  }
0x1af: {  	s25 =	rddreg [dreg:$0x16]  }
0x1b0: {  	[tilespmem:s16], [sflag:$0x4] =	stream.indirect.gather [hbm4b:s3+s12], $0x80, s25, s12, $0xb8;
	[tilespmem:$0x1D000] =	vst v63  }
0x1b1: {  	_ =	swait.ge [sflag:s17], $0x2000  }
0x1b2: {  	[sflag:s17] =	ssyncset.done $0x0  }
0x1b3: {  	s9 =	rddreg [dreg:$0x17];
	[sflag:s17] =	ssyncadd.s32 $0xFFFFE000  }
0x1b4: {  	[spmem:s1] =	stream.indirect.scatter.add.f32 [tilespmem:s13], [sflag:$0x5], $0x80, s9, s12, $0xb8;
	[tilespmem:$0x1D000] =	vst v63  }
0x1b5: {  	_ =	swait.ge [sflag:s18], $0x2000  }
0x1b6: {  	[sflag:s18] =	ssyncset.done $0x0  }
0x1b7: {  	s24 =	rddreg [dreg:$0x18];
	[sflag:s18] =	ssyncadd.s32 $0xFFFFE000  }
0x1b8: {  	[spmem:s1] =	stream.indirect.scatter.add.f32 [tilespmem:s14], [sflag:$0x6], $0x80, s24, s12, $0xb8;
	[tilespmem:$0x1D000] =	vst v63  }
0x1b9: {  	_ =	swait.ge [sflag:s19], $0x2000  }
0x1ba: {  	[sflag:s19] =	ssyncset.done $0x0  }
0x1bb: {  	s25 =	rddreg [dreg:$0x19];
	[sflag:s19] =	ssyncadd.s32 $0xFFFFE000  }
0x1bc: {  	[spmem:s1] =	stream.indirect.scatter.add.f32 [tilespmem:s15], [sflag:$0x7], $0x80, s25, s12, $0xb8;
	[tilespmem:$0x1D000] =	vst v63  }
0x1bd: {  	_ =	swait.ge [sflag:s20], $0x2000  }
0x1be: {  	[sflag:s20] =	ssyncset.done $0x0  }
0x1bf: {  	[sflag:s20] =	ssyncadd.s32 $0xFFFFE000  }
0x1c0: {  	[spmem:s1] =	stream.indirect.scatter.add.f32 [tilespmem:s16], [sflag:$0x8], $0x80, s28, s12, $0xb8;
	[tilespmem:$0x1D000] =	vst v63  }
0x1c1: {  	_ =	swait.ge [sflag:s21], $0x2000  }
0x1c2: {  	[sflag:s21] =	ssyncset.done $0x0  }
0x1c3: {  	[sflag:s21] =	ssyncadd.s32 $0xFFFFE000  }
0x1c4: {  	_ =	swait.ge [sflag:s22], $0x2000  }
0x1c5: {  	[sflag:s22] =	ssyncset.done $0x0  }
0x1c6: {  	[sflag:s22] =	ssyncadd.s32 $0xFFFFE000  }
0x1c7: {  	_ =	swait.ge [sflag:s23], $0x2000  }
0x1c8: {  	[sflag:s23] =	ssyncset.done $0x0  }
0x1c9: {  	[sflag:s23] =	ssyncadd.s32 $0xFFFFE000  }
0x1ca: {  	_ =	swait.ge [sflag:s26], $0x2000  }
0x1cb: {  	[sflag:s26] =	ssyncset.done $0x0  }
0x1cc: {  	[sflag:s26] =	ssyncadd.s32 $0xFFFFE000  }
0x1cd: {  	[tilespmem:s13], [sflag:$0x1] =	stream.indirect.gather [hbm4b:s3+s12], $0x80, s29, s12, $0xb8;
	[tilespmem:$0x1D000] =	vst v63  }
0x1ce: {  	_ = 	snop  }
0x1cf: {  	[tilespmem:s14], [sflag:$0x2] =	stream.indirect.gather [hbm4b:s3+s12], $0x80, s30, s12, $0xb8;
	[tilespmem:$0x1D000] =	vst v63  }
0x1d0: {  	_ = 	snop  }
0x1d1: {  	[tilespmem:s15], [sflag:$0x3] =	stream.indirect.gather [hbm4b:s3+s12], $0x80, s31, s12, $0xb8;
	[tilespmem:$0x1D000] =	vst v63  }
0x1d2: {  	_ = 	snop  }
0x1d3: {  	[tilespmem:s16], [sflag:$0x4] =	stream.indirect.gather [hbm4b:s3+s12], $0x80, s0, s12, $0xb8;
	[tilespmem:$0x1D000] =	vst v63  }
0x1d4: {  	_ =	swait.ge [sflag:s17], $0x2000  }
0x1d5: {  	[sflag:s17] =	ssyncset.done $0x0  }
0x1d6: {  	[sflag:s17] =	ssyncadd.s32 $0xFFFFE000  }
0x1d7: {  	[spmem:s1] =	stream.indirect.scatter.add.f32 [tilespmem:s13], [sflag:$0x5], $0x80, s4, s12, $0xb8;
	[tilespmem:$0x1D000] =	vst v63  }
0x1d8: {  	_ =	swait.ge [sflag:s18], $0x2000  }
0x1d9: {  	[sflag:s18] =	ssyncset.done $0x0  }
0x1da: {  	[sflag:s18] =	ssyncadd.s32 $0xFFFFE000  }
0x1db: {  	[spmem:s1] =	stream.indirect.scatter.add.f32 [tilespmem:s14], [sflag:$0x6], $0x80, s6, s12, $0xb8;
	[tilespmem:$0x1D000] =	vst v63  }
0x1dc: {  	_ =	swait.ge [sflag:s19], $0x2000  }
0x1dd: {  	[sflag:s19] =	ssyncset.done $0x0  }
0x1de: {  	[sflag:s19] =	ssyncadd.s32 $0xFFFFE000  }
0x1df: {  	[spmem:s1] =	stream.indirect.scatter.add.f32 [tilespmem:s15], [sflag:$0x7], $0x80, s7, s12, $0xb8;
	[tilespmem:$0x1D000] =	vst v63  }
0x1e0: {  	_ =	swait.ge [sflag:s20], $0x2000  }
0x1e1: {  	[sflag:s20] =	ssyncset.done $0x0  }
0x1e2: {  	[sflag:s20] =	ssyncadd.s32 $0xFFFFE000  }
0x1e3: {  	[spmem:s1] =	stream.indirect.scatter.add.f32 [tilespmem:s16], [sflag:$0x8], $0x80, s8, s12, $0xb8;
	[tilespmem:$0x1D000] =	vst v63  }
0x1e4: {  	_ =	swait.ge [sflag:s21], $0x2000  }
0x1e5: {  	[sflag:s21] =	ssyncset.done $0x0  }
0x1e6: {  	[sflag:s21] =	ssyncadd.s32 $0xFFFFE000  }
0x1e7: {  	_ =	swait.ge [sflag:s22], $0x2000  }
0x1e8: {  	[sflag:s22] =	ssyncset.done $0x0  }
0x1e9: {  	[sflag:s22] =	ssyncadd.s32 $0xFFFFE000  }
0x1ea: {  	_ =	swait.ge [sflag:s23], $0x2000  }
0x1eb: {  	[sflag:s23] =	ssyncset.done $0x0  }
0x1ec: {  	[sflag:s23] =	ssyncadd.s32 $0xFFFFE000  }
0x1ed: {  	_ =	swait.ge [sflag:s26], $0x2000  }
0x1ee: {  	[sflag:s26] =	ssyncset.done $0x0  }
0x1ef: {  	[sflag:s26] =	ssyncadd.s32 $0xFFFFE000  }
0x1f0: {  	[bflag:$0x0] =	sbarrier.arrive $0xFFFF  }
0x1f1: {  	s25 =	sld [smem:$0x7FC]  }
0x1f2: {  	s24 =	rddreg [dreg:$0x1b]  }
0x1f3: {  	s9 =	rddreg [dreg:$0x1c]  }
0x1f4: {  	[hbm:s9], [sflag:s24] =	dma.local [spmem:s25], $0x2700  }
0x1f5: {  	_ =	swait.ge [sflag:s10], $0x2700  }
0x1f6: {  	s9 =	sld [smem:$0x7FD]  }
0x1f7: {  	[sflag:s10] =	ssyncset.done $0x0  }
0x1f8: {  	s5 =	rddreg [dreg:$0x1d];
	[sflag:s10] =	ssyncadd.s32 $0xFFFFD900  }
0x1f9: {  	[hbm:s5], [sflag:s24] =	dma.local @!p0 [spmem:s9], $0x100  }
0x1fa: {  	s5 =	simm.s32 @!p0 $0x9  }
0x1fb: {  	_ =	swait.ge @!p0 [sflag:s5], $0x100  }
0x1fc: {  	s25 =	sld [smem:$0x7FB];
	_ =	sdelay $0x2  }
0x1fd: {  	s9 =	rddreg [dreg:$0x1e];
	s25 =	sadd.s32 $0x1, s25  }
0x1fe: {  	p1 =	sne.s32 s25, s9  }
.Ltmp1:
0x1ff: {  	_ = 	snop;
	(pc) =	sbr.rel @p1 .LBB2_1-.Ltmp1, $3  }
0x200: {  	_ =	sdelay $0x1  }
0x201: {  	[sflag:s5] =	ssyncset.done @!p0 $0x0  }
0x202: {  	[sflag:s5] =	ssyncadd.s32 @!p0 $0xFFFFFF00  }
0x203: {  	_ =	sfence.sel $0x180000  }
0x204: {  	[bflag:$0x0] =	sbarrier.arrive $0xFFFF  }
0x205: {  	_ =	strace $0x9000004D  }
0x206: {  	[bflag:$0x2] =	sbarrier.arrive $0xFFFF  }
0x207: {  	s0 =	rddreg [dreg:$0x2]  }
0x208: {  	s0 =	sadd.s32 @!p0 $0x100000, s0  }
0x209: {  	[sflag:s0] =	ssyncadd.tile.s32 @!p0 $0x1;
	_ =	shalt  }
.Lfunc_end2:
_tile_overlayer_lowered:
.L_overlay_start_2:
0x20a: {  	(tag) =	ssettag $0x2  }
0x20b: {  	s0 =	rddreg [dreg:$0x0];
	s2 =	stileid.u32  }
0x20c: {  	s1 =	rddreg [dreg:$0x1];
	p0 =	sne.s32 s2, $0x0  }
0x20d: {  	s3 =	rddreg [dreg:$0x2];
	[bflag:$0x3] =	sbarrier.arrive $0xFFFF;
	s2 =	simm.s32 @!p0 $0x1C09  }
0x20e: {  	[timem:s3], [sflag:s2] =	dma.local @!p0 [hbm:s0], s1  }
0x20f: {  	s0 =	simm.s32 @!p0 $0x9  }
0x210: {  	_ =	swait.ge @!p0 [sflag:s0], s1  }
0x211: {  	s1 =	ssub.s32 @!p0 $0x0, s1;
	[sflag:s0] =	ssyncset.done @!p0 $0x0  }
0x212: {  	[sflag:s0] =	ssyncadd.s32 @!p0 s1  }
0x213: {  	[bflag:$0x3] =	sbarrier.arrive $0xFFFF  }
0x214: {  	_ =	shalt  }

// kernel: kernel.20.cloned.1.call-start
scs
__scs_entry_jumppad:
0x0: {  	(pc) =	sbr.rel $0x88, $3  }
0x1: {  	(tag) =	ssettag $0x0;
	lr =	simm.s32 $0x1  }
0x2: {  	[smem:$0x3F92] =	sst lr;
	_ =	strace $0xD0000000  }
0x3: {  	_ = 	snop  }
0x4: {  	_ = 	snop  }
0x5: {  	_ = 	snop  }
0x6: {  	_ = 	snop  }
0x7: {  	_ = 	snop  }
__scs_overlays_trampoline_lowered:
0x8: {  	[smem:$0x3FA1] =	sst s0  }
0x9: {  	[smem:$0x3FA2] =	sst s1  }
0xa: {  	[smem:$0x3FA3] =	sst s2  }
0xb: {  	[smem:$0x3FA4] =	sst s3  }
0xc: {  	[smem:$0x3FA5] =	sst s4  }
0xd: {  	[smem:$0x3FA6] =	sst s5  }
0xe: {  	[smem:$0x3FA7] =	sst s6  }
0xf: {  	[smem:$0x3FA8] =	sst s7  }
0x10: {  	[smem:$0x3FA9] =	sst s8  }
0x11: {  	[smem:$0x3FAA] =	sst s9;
	s0 =	simm.s32 @!p0 $0x0  }
0x12: {  	s1 =	sld [smem:$0x3F90];
	s0 =	simm.s32 @p0 $0x1  }
0x13: {  	[smem:$0x3FAB] =	sst s0;
	s0 =	simm.s32 @!p1 $0x0  }
0x14: {  	s2 =	sld [smem:$0x3F8F];
	s0 =	simm.s32 @p1 $0x1  }
0x15: {  	[smem:$0x3FAC] =	sst s0;
	s0 =	simm.s32 @!p2 $0x0  }
0x16: {  	s3 =	sld [smem:$0x3FDB];
	s0 =	simm.s32 @p2 $0x1  }
0x17: {  	s4 =	simm.s32 $0x1BF5;
	[smem:$0x3FAE] =	sst s0  }
0x18: {  	s0 =	sld [smem:$0x3F91];
	_ =	swait.ge [sflag:s4], $0x0  }
0x19: {  	s7 =	sld [smem:$0x3F92]  }
0x1a: {  	s8 =	sadd.s32 $0xFFFFE003, lr  }
0x1b: {  	s9 =	sadd.s32 $0xFFFFFEF7, lr;
	s5 =	simm.s32 $0xFFFFFFFF;
	p2 =	slt.u32 s8, $0xFFFFF086  }
0x1c: {  	p1 =	slt.u32 s9, $0xF7A;
	s5 =	simm.s32 @!p2 $0x0  }
0x1d: {  	s5 =	simm.s32 @p1 $0x1;
	p0 =	seq.s32 s7, s2  }
0x1e: {  	s7 =	smul.u32 @!p0 $0xF7A, s2;
	p2 =	seq.s32 @!p0 s5, $0x0  }
0x1f: {  	s9 =	smul.u32 $0xF7A, s1;
	s8 =	simm.s32 @!p0 $0x1BF5;
	p2 =	por !p2, p0  }
0x20: {  	[sflag:s8] =	ssyncset.s32 @!p0 $0xFFFFF086;
	s6 =	sadd.s32 @!p0 s3, s7;
	s7 =	simm.s32 @!p0 $0x108  }
0x21: {  	s3 =	sadd.s32 s3, s9;
	s6 =	sadd.s32 @!p0 $0x88, s6;
	s7 =	simm.s32 @p2 $0x1082  }
0x22: {  	[simem:s7], [sflag:s8] =	dma.local @!p0 [hbm:s6], $0xF7A  }
0x23: {  	s9 =	sor.u32 $0xD0000000, s2;
	s6 =	simm.s32 $0x108;
	_ =	swait.ge @!p0 [sflag:s8], $0x0  }
0x24: {  	s3 =	sadd.s32 $0x88, s3;
	s6 =	simm.s32 @!p1 $0x1082;
	[sflag:s4] =	ssyncset.s32 $0xFFFFF086  }
0x25: {  	[simem:s6], [sflag:s4] =	dma.local [hbm:s3], $0xF7A  }
0x26: {  	[smem:$0x3F92] =	sst s1;
	(tag) =	ssettag s2;
	_ =	strace s9  }
0x27: {  	s1 =	sld [smem:$0x3FA2]  }
0x28: {  	s2 =	sld [smem:$0x3FA3]  }
0x29: {  	s4 =	sld [smem:$0x3FA5]  }
0x2a: {  	p0 =	seq.s32 s5, $0x0;
	s5 =	sld [smem:$0x3FA6]  }
0x2b: {  	s6 =	sld [smem:$0x3FA7]  }
0x2c: {  	s7 =	sld [smem:$0x3FA8]  }
0x2d: {  	s3 =	simm.s32 $0x108;
	s8 =	sld [smem:$0x3FA9]  }
0x2e: {  	s3 =	simm.s32 @!p0 $0x1082;
	s9 =	sld [smem:$0x3FAA]  }
0x2f: {  	lr =	sadd.s32 s0, s3;
	s0 =	sld [smem:$0x3FA1]  }
0x30: {  	s3 =	sld [smem:$0x3FA4]  }
0x31: {  	[smem:$0x3FAD] =	sst s10  }
0x32: {  	s10 =	sld [smem:$0x3FAB];
	_ =	sdelay $0x3  }
0x33: {  	p0 =	seq.s32 s10, $0x1;
	s10 =	sld [smem:$0x3FAD];
	_ =	sdelay $0x3  }
0x34: {  	[smem:$0x3FAD] =	sst s10  }
0x35: {  	s10 =	sld [smem:$0x3FAC];
	_ =	sdelay $0x3  }
0x36: {  	p1 =	seq.s32 s10, $0x1;
	s10 =	sld [smem:$0x3FAD];
	_ =	sdelay $0x3  }
0x37: {  	[smem:$0x3FAD] =	sst s10  }
0x38: {  	s10 =	sld [smem:$0x3FAE]  }
0x39: {  	_ = 	snop;
	(pc) =	sbr.ind lr, $3  }
0x3a: {  	_ = 	snop  }
0x3b: {  	_ = 	snop  }
0x3c: {  	p2 =	seq.s32 s10, $0x1;
	s10 =	sld [smem:$0x3FAD]  }
0x3d: {  	_ =	shalt  }
0x3e: {  	_ =	shalt  }
0x3f: {  	_ =	shalt  }
0x40: {  	_ =	shalt  }
0x41: {  	_ =	shalt  }
0x42: {  	_ =	shalt  }
0x43: {  	_ =	shalt  }
0x44: {  	_ =	shalt  }
0x45: {  	_ =	shalt  }
0x46: {  	_ =	shalt  }
0x47: {  	_ =	shalt  }
0x48: {  	_ =	shalt  }
0x49: {  	_ =	shalt  }
0x4a: {  	_ =	shalt  }
0x4b: {  	_ =	shalt  }
0x4c: {  	_ =	shalt  }
0x4d: {  	_ =	shalt  }
0x4e: {  	_ =	shalt  }
0x4f: {  	_ =	shalt  }
0x50: {  	_ =	shalt  }
0x51: {  	_ =	shalt  }
0x52: {  	_ =	shalt  }
0x53: {  	_ =	shalt  }
0x54: {  	_ =	shalt  }
0x55: {  	_ =	shalt  }
0x56: {  	_ =	shalt  }
0x57: {  	_ =	shalt  }
0x58: {  	_ =	shalt  }
0x59: {  	_ =	shalt  }
0x5a: {  	_ =	shalt  }
0x5b: {  	_ =	shalt  }
0x5c: {  	_ =	shalt  }
0x5d: {  	_ =	shalt  }
0x5e: {  	_ =	shalt  }
0x5f: {  	_ =	shalt  }
0x60: {  	_ =	shalt  }
0x61: {  	_ =	shalt  }
0x62: {  	_ =	shalt  }
0x63: {  	_ =	shalt  }
0x64: {  	_ =	shalt  }
0x65: {  	_ =	shalt  }
0x66: {  	_ =	shalt  }
0x67: {  	_ =	shalt  }
0x68: {  	_ =	shalt  }
0x69: {  	_ =	shalt  }
0x6a: {  	_ =	shalt  }
0x6b: {  	_ =	shalt  }
0x6c: {  	_ =	shalt  }
0x6d: {  	_ =	shalt  }
0x6e: {  	_ =	shalt  }
0x6f: {  	_ =	shalt  }
0x70: {  	_ =	shalt  }
0x71: {  	_ =	shalt  }
0x72: {  	_ =	shalt  }
0x73: {  	_ =	shalt  }
0x74: {  	_ =	shalt  }
0x75: {  	_ =	shalt  }
0x76: {  	_ =	shalt  }
0x77: {  	_ =	shalt  }
0x78: {  	_ =	shalt  }
0x79: {  	_ =	shalt  }
0x7a: {  	_ =	shalt  }
0x7b: {  	_ =	shalt  }
0x7c: {  	_ =	shalt  }
0x7d: {  	_ =	shalt  }
0x7e: {  	_ =	shalt  }
0x7f: {  	_ =	shalt  }
0x80: {  	_ =	shalt  }
0x81: {  	_ =	shalt  }
0x82: {  	_ =	shalt  }
0x83: {  	_ =	shalt  }
0x84: {  	_ =	shalt  }
0x85: {  	_ =	shalt  }
0x86: {  	_ =	shalt  }
0x87: {  	_ =	shalt  }
.Lfunc_end0:
.L_simem_size_0:
called_computation.3_lowered:
.L_overlay_start_0:
0x88: {  	s2 =	sld [smem:$0x3FD9]  }
0x89: {  	s3 =	sld [smem:$0x3FFE];
	_ =	sdelay $0x1  }
0x8a: {  	s1 =	srdreg.scid  }
0x8b: {  	s0 =	sand.u32 $0x1, s1  }
0x8c: {  	s17 =	sshll.u32 s0, $0xA;
	s2 =	sadd.s32 s3, s2  }
0x8d: {  	s2 =	sadd.s32 s2, s17  }
0x8e: {  	[smem:$0x3FB9] =	sst s2  }
0x8f: {  	_ = 	snop  }
0x90: {  	s2 =	sld [smem:$0x3FD0];
	(tm) =	ssettm $0x1  }
0x91: {  	s18 =	sld [smem:$0x3FFB];
	_ =	sdelay $0x3  }
0x92: {  	_ =	strace s18  }
0x93: {  	s3 =	sld [smem:$0x3FFC];
	_ =	sdelay $0x3  }
0x94: {  	_ =	strace s3  }
0x95: {  	s3 =	sld [smem:$0x3FFD];
	_ =	sdelay $0x3  }
0x96: {  	_ =	strace s3  }
0x97: {  	_ =	strace $0x8FFFFFFF  }
0x98: {  	s19 =	sld [smem:$0x3FDB];
	_ =	sdelay $0x1  }
0x99: {  	s4 =	simm.s32 $_scs_section_size  }
0x9a: {  	s5 =	simm.s32 $_size__tile_overlayer_lowered;
	s6 =	simm.s32 $_tile_overlayer_lowered  }
0x9b: {  	s22 =	simm.s32 $0x1BFF;
	s21 =	sshll.u32 s6, $0x1;
	s3 =	sadd.s32 s4, s19  }
0x9c: {  	s7 =	simm.s32 $0x0;
	s20 =	sshll.u32 s5, $0x1;
	s5 =	sadd.s32 s21, s3  }
0x9d: {  	[timem:s7], [sflag:s22] =	dma.local [hbm:s5], s20  }
0x9e: {  	_ =	swait.ge [sflag:s22], s20  }
0x9f: {  	s4 =	ssub.s32 $0x0, s20;
	[sflag:s22] =	ssyncset.done $0x0  }
0xa0: {  	[sflag:s22] =	ssyncadd.s32 s4;
	_ =	sdelay $0x1  }
0xa1: {  	s23 =	simm.s32 $0x1B8B  }
0xa2: {  	_ =	swait.ge [sflag:s23], $0x1  }
0xa3: {  	[sflag:s23] =	ssyncset.done $0x0  }
0xa4: {  	s25 =	simm.s32 $0x1B8E;
	s24 =	sld [smem:$0x3FFE];
	[sflag:s23] =	ssyncadd.s32 $0xFFFFFFFF  }
0xa5: {  	s26 =	simm.s32 $execute0_lowered;
	[smem:$0x3FD2] =	sst s25  }
0xa6: {  	s5 =	sshll.u32 s26, $0x1;
	_ =	strace $0x8000004F;
	[dreg:$0x1] =	wrdreg $0xFFFFFFFF  }
0xa7: {  	s28 =	simm.s32 $_size_execute0_lowered;
	s3 =	sadd.s32 s3, s5;
	[dreg:$0x0] =	wrdreg $0x0  }
0xa8: {  	s5 =	sshll.u32 s28, $0x1;
	[dreg:$0x2] =	wrdreg s3  }
0xa9: {  	[dreg:$0x3] =	wrdreg s5  }
0xaa: {  	[dreg:$0x4] =	wrdreg $0xC0  }
0xab: {  	_ =	task [dreg:s7], $0x5FFFF  }
0xac: {  	[dreg:$0x1] =	wrdreg $0xFFFFFFFF  }
0xad: {  	[dreg:$0x0] =	wrdreg $0x60  }
0xae: {  	[dreg:$0x2] =	wrdreg s24  }
0xaf: {  	[dreg:$0x3] =	wrdreg s2  }
0xb0: {  	[dreg:$0x4] =	wrdreg $0x9  }
0xb1: {  	_ =	task.clear_ibuf [dreg:s7], $0x5FFFF;
	_ =	strace $0x9000004F  }
0xb2: {  	s29 =	simm.s32 $0x9;
	_ =	strace $0x80000051  }
0xb3: {  	_ =	swait.ge [sflag:s29], $0x1  }
0xb4: {  	[sflag:s29] =	ssyncadd.s32 $0xFFFFFFFF  }
0xb5: {  	_ =	strace $0x90000051  }
0xb6: {  	_ =	sfence  }
0xb7: {  	s30 =	sld [smem:$0x0];
	_ =	sdelay $0x2  }
0xb8: {  	s31 =	sshll.u32 s1, $0xD;
	s1 =	sshrl.u32 s1, $0x2  }
0xb9: {  	s3 =	sand.u32 $0x4000, s31;
	s1 =	sadd.s32 s1, s30  }
0xba: {  	s0 =	sor.u32 s3, s0;
	s1 =	sshll.u32 s1, $0x11  }
0xbb: {  	s0 =	sor.u32 s1, s0  }
0xbc: {  	s0 =	sadd.s32 $0x8F2B, s0  }
0xbd: {  	[sflag:s0] =	ssyncadd.remote.s32 $0x1  }
0xbe: {  	_ =	sfence.sel $0xFFFF  }
0xbf: {  	[dreg:$0x0] =	wrdreg $0xFFFFFFFF;
	(pc) =	sbr.abs _section_cstart, $3  }
0xc0: {  	[dreg:$0x1] =	wrdreg $0xFFFFFFFF  }
0xc1: {  	_ =	task.clear_ibuf [dreg:s7], $0x2FFFF;
	_ =	strace $0x9FFFFFFF  }
0xc2: {  	(tm) =	ssettm $0x7FFFFFFF  }
0xc3: {  	_ =	shalt  }
tec
execute0_lowered:
.L_overlay_start_1:
0x0: {  	(tag) =	ssettag $0x1  }
0x1: {  	s1 =	srdreg.scid  }
0x2: {  	s0 =	stileid.u32;
	s9 =	rddreg [dreg:$0x0]  }
0x3: {  	s3 =	rddreg [dreg:$0x1];
	s6 =	sand.u32 $0x1, s1;
	s30 =	sshll.u32 s0, $0x1  }
0x4: {  	s2 =	simm.s32 $0x0;
	s1 =	rddreg [dreg:$0x2];
	s7 =	sor.u32 s6, s30  }
0x5: {  	s8 =	simm.s32 $0x1;
	[smem:$0x7FF] =	sst s2;
	s4 =	smul.u32 $0x7, s7  }
0x6: {  	s5 =	sadd.s32 $0x2E00, s9;
	_ =	strace $0x80000050;
	s11 =	ssub.s32 $0x2, s6  }
0x7: {  	s6 =	simm.s32 $0x38;
	s4 =	sadd.s32 s3, s4;
	s3 =	simm.s32 $0x2  }
0x8: {  	[tilespmem:s2], [sflag:$0x2] =	stream.linear.gather [hbm4b:s4+s2], $0x38, $0x38;
	[tilespmem:$0x1C80] =	vst v63  }
0x9: {  	s10 =	smul.u32 $0x380, s7;
	s12 =	sshrl.u32 s11, $0x1;
	_ =	swait.ge [sflag:s3], $0x38  }
0xa: {  	s7 =	simm.s32 $0x80;
	s31 =	ssub.s32 s11, s12;
	[sflag:s3] =	ssyncset.done $0x0  }
0xb: {  	s9 =	sadd.s32 s10, s9;
	s10 =	smax.u32 s31, $0x1;
	[sflag:s3] =	ssyncadd.s32 $0xFFFFFFC8  }
0xc: {  	[tilespmem:s7], [sflag:$0x1] =	stream.indirect.gather [hbm4b:s5+s6], $0x80, s2, s6, $0xb8;
	[tilespmem:$0x1C80] =	vst v63  }
0xd: {  	p0 =	sne.s32 s10, $0x1;
	_ =	swait.ge [sflag:s8], $0x1C00  }
.Ltmp0:
0xe: {  	[sflag:s8] =	ssyncset.done $0x0;
	(pc) =	sbr.rel @!p0 .LBB2_2-.Ltmp0, $4  }
0xf: {  	s9 =	sadd.s32 $0x51000, s9;
	[sflag:s8] =	ssyncadd.s32 $0xFFFFE400  }
0x10: {  	[hbm4b:s9+s2] =	stream.linear.scatter [tilespmem:s7], [sflag:$0x2], $0x1C00, $0x38;
	[tilespmem:$0x1C80] =	vst v63  }
0x11: {  	_ =	swait.ge [sflag:s3], $0x1C00  }
0x12: {  	s10 =	sadd.s32 $0xFFFFFFFF, s10;
	[sflag:s3] =	ssyncset.done $0x0  }
.LBB2_1:
0x13: {  	p0 =	sne.s32 s10, $0x1;
	s10 =	sadd.s32 $0xFFFFFFFF, s10;
	[sflag:s3] =	ssyncadd.s32 $0xFFFFE400  }
0x14: {  	[tilespmem:s2], [sflag:$0x2] =	stream.linear.gather [hbm4b:s4+s2], $0x38, $0x38;
	[tilespmem:$0x1C80] =	vst v63  }
0x15: {  	_ =	swait.ge [sflag:s3], $0x38  }
0x16: {  	[sflag:s3] =	ssyncset.done $0x0  }
0x17: {  	[sflag:s3] =	ssyncadd.s32 $0xFFFFFFC8  }
0x18: {  	[tilespmem:s7], [sflag:$0x1] =	stream.indirect.gather [hbm4b:s5+s6], $0x80, s2, s6, $0xb8;
	[tilespmem:$0x1C80] =	vst v63  }
0x19: {  	_ =	swait.ge [sflag:s8], $0x1C00  }
.Ltmp1:
0x1a: {  	[sflag:s8] =	ssyncset.done $0x0;
	(pc) =	sbr.rel @p0 .LBB2_1-.Ltmp1, $4  }
0x1b: {  	[sflag:s8] =	ssyncadd.s32 $0xFFFFE400  }
0x1c: {  	[hbm4b:s9+s2] =	stream.linear.scatter [tilespmem:s7], [sflag:$0x2], $0x1C00, $0x38;
	[tilespmem:$0x1C80] =	vst v63  }
0x1d: {  	_ =	swait.ge [sflag:s3], $0x1C00  }
0x1e: {  	[sflag:s3] =	ssyncset.done $0x0  }
.LBB2_2:
0x1f: {  	[sflag:s3] =	ssyncadd.s32 $0xFFFFE400  }
0x20: {  	_ =	sfence.sel $0x180000  }
0x21: {  	[bflag:$0x0] =	sbarrier.arrive $0xFFFF  }
0x22: {  	p0 =	sne.s32 s0, $0x0;
	_ =	strace $0x90000050  }
0x23: {  	s0 =	sadd.s32 @!p0 $0x100000, s1;
	[bflag:$0x2] =	sbarrier.arrive $0xFFFF  }
0x24: {  	[sflag:s0] =	ssyncadd.tile.s32 @!p0 $0x1;
	_ =	shalt  }
.Lfunc_end2:
_tile_overlayer_lowered:
.L_overlay_start_2:
0x25: {  	(tag) =	ssettag $0x2  }
0x26: {  	s0 =	rddreg [dreg:$0x0];
	s2 =	stileid.u32  }
0x27: {  	s1 =	rddreg [dreg:$0x1];
	p0 =	sne.s32 s2, $0x0  }
0x28: {  	s3 =	rddreg [dreg:$0x2];
	[bflag:$0x3] =	sbarrier.arrive $0xFFFF;
	s2 =	simm.s32 @!p0 $0x1C02  }
0x29: {  	[timem:s3], [sflag:s2] =	dma.local @!p0 [hbm:s0], s1  }
0x2a: {  	s0 =	simm.s32 @!p0 $0x2  }
0x2b: {  	_ =	swait.ge @!p0 [sflag:s0], s1  }
0x2c: {  	s1 =	ssub.s32 @!p0 $0x0, s1;
	[sflag:s0] =	ssyncset.done @!p0 $0x0  }
0x2d: {  	[sflag:s0] =	ssyncadd.s32 @!p0 s1  }
0x2e: {  	[bflag:$0x3] =	sbarrier.arrive $0xFFFF  }
0x2f: {  	_ =	shalt  }

</sc_bundles>
